<compile_context>
chip_gen: v7x
topology: tpu7x:2x2x1
jax: 0.10.2.dev20260603
libtpu: 0.0.44.dev20260713+nightly
codegen_flags: <defaults>
</compile_context>

<pallas_src>
import functools

import jax
import jax.numpy as jnp
from jax import lax
from jax.experimental import pallas as pl
from jax.experimental.pallas import tpu as pltpu
from jax.experimental.pallas import tpu_sc as plsc

E = 8
D = 768
H = 128
N = 16384
BLK = 512
NB = N // BLK + E
NPAD = NB * BLK

RG = 128
RC = N // RG


def _route_body(lab_ref, dest_ref, blkexp_ref, limit_ref):
    lab = lab_ref[...]
    io0 = lax.broadcasted_iota(jnp.int32, (RC, RC), 0)
    io1 = lax.broadcasted_iota(jnp.int32, (RC, RC), 1)
    m_cols = (io0 < io1).astype(jnp.float32)
    l_rows = (io1 < io0).astype(jnp.float32)

    counts = []
    offs = []
    dest = jnp.zeros((RG, RC), dtype=jnp.int32)
    off = jnp.int32(0)
    for e in range(E):
        mask = (lab == e)
        maskf = mask.astype(jnp.float32)
        within = jnp.dot(maskf, m_cols, preferred_element_type=jnp.float32)
        rowcnt = jnp.sum(maskf, axis=1, keepdims=True)
        rowpre = jnp.dot(l_rows, rowcnt,
                         preferred_element_type=jnp.float32)
        rank = (within + rowpre).astype(jnp.int32)
        cnt = jnp.sum(mask.astype(jnp.int32))
        counts.append(cnt)
        offs.append(off)
        dest = dest + jnp.where(mask, off + rank, 0)
        padded = ((cnt + BLK - 1) // BLK) * BLK
        off = off + padded
    dest_ref[...] = dest

    brow = lax.broadcasted_iota(jnp.int32, (1, NB), 1) * BLK
    blkexp = jnp.zeros((1, NB), dtype=jnp.int32)
    limit = jnp.zeros((1, NB), dtype=jnp.int32)
    for e in range(E):
        lo = offs[e]
        hi = offs[e + 1] if e + 1 < E else off
        ind = (brow >= lo) & (brow < hi)
        blkexp = blkexp + jnp.where(ind, e, 0)
        limit = limit + jnp.where(ind, lo + counts[e], 0)
    blkexp_ref[...] = blkexp
    limit_ref[...] = limit


def _route(label2d):
    return pl.pallas_call(
        _route_body,
        out_shape=(
            jax.ShapeDtypeStruct((RG, RC), jnp.int32),
            jax.ShapeDtypeStruct((1, NB), jnp.int32),
            jax.ShapeDtypeStruct((1, NB), jnp.int32),
        ),
    )(label2d)


_SC_CH = 128


def _sc_scatter(img, dest3d):
    mesh = plsc.VectorSubcoreMesh(core_axis_name="c", subcore_axis_name="s")
    nw = mesh.num_cores * mesh.num_subcores
    tpw = N // nw
    nch = tpw // _SC_CH

    @functools.partial(
        pl.kernel,
        out_type=jax.ShapeDtypeStruct((NPAD, D), jnp.float32),
        mesh=mesh,
        scratch_types=[
            pltpu.VMEM((nch, _SC_CH), jnp.int32),
            pltpu.VMEM((_SC_CH, D), jnp.float32),
            pltpu.SemaphoreType.DMA,
        ],
    )
    def k(img_hbm, dest_hbm, xpad_hbm, idx_v, rows_v, sem):
        wid = lax.axis_index("s") * mesh.num_cores + lax.axis_index("c")
        base = wid * tpw
        pltpu.sync_copy(dest_hbm.at[wid], idx_v)
        for j in range(nch):
            pltpu.sync_copy(img_hbm.at[pl.ds(base + j * _SC_CH, _SC_CH)],
                            rows_v)
            pltpu.async_copy(rows_v, xpad_hbm.at[idx_v.at[j]], sem).wait()

    return k(img, dest3d)


def _sc_gather(ypad, dest3d):
    mesh = plsc.VectorSubcoreMesh(core_axis_name="c", subcore_axis_name="s")
    nw = mesh.num_cores * mesh.num_subcores
    tpw = N // nw
    nch = tpw // _SC_CH

    @functools.partial(
        pl.kernel,
        out_type=jax.ShapeDtypeStruct((N, D), jnp.float32),
        mesh=mesh,
        scratch_types=[
            pltpu.VMEM((nch, _SC_CH), jnp.int32),
            pltpu.VMEM((_SC_CH, D), jnp.float32),
            pltpu.SemaphoreType.DMA,
        ],
    )
    def k(ypad_hbm, dest_hbm, out_hbm, idx_v, rows_v, sem):
        wid = lax.axis_index("s") * mesh.num_cores + lax.axis_index("c")
        base = wid * tpw
        pltpu.sync_copy(dest_hbm.at[wid], idx_v)
        for j in range(nch):
            pltpu.async_copy(ypad_hbm.at[idx_v.at[j]], rows_v, sem).wait()
            pltpu.sync_copy(rows_v, out_hbm.at[pl.ds(base + j * _SC_CH, _SC_CH)])

    return k(ypad, dest3d)


def _expert_body(be_idx_ref, lim_ref, x_ref, we_ref, bee_ref, wd_ref, bd_ref,
                 y_ref, loss_ref, acc_ref):
    b = pl.program_id(0)
    x = x_ref[...]
    h = jnp.dot(x.astype(jnp.bfloat16), we_ref[0].astype(jnp.bfloat16),
                preferred_element_type=jnp.float32)
    h = h + bee_ref[0]
    y = jnp.dot(h.astype(jnp.bfloat16), wd_ref[0].astype(jnp.bfloat16),
                preferred_element_type=jnp.float32)
    y = y + bd_ref[0]
    y_ref[...] = y

    limit = lim_ref[0, b]
    row = b * BLK + lax.broadcasted_iota(jnp.int32, (1, BLK), 1)
    maskv = (row < limit).astype(jnp.float32)
    diff = y - x
    rowsum = jnp.dot(maskv, diff * diff,
                     preferred_element_type=jnp.float32)

    @pl.when(b == 0)
    def _():
        acc_ref[...] = jnp.zeros((1, D), jnp.float32)

    acc_ref[...] += rowsum

    @pl.when(b == NB - 1)
    def _():
        loss_ref[...] = jnp.reshape(jnp.sum(acc_ref[...]) / (N * D), (1, 1))


def _experts(xpad, We, be, Wd, bd, blkexp, limit):
    grid_spec = pltpu.PrefetchScalarGridSpec(
        num_scalar_prefetch=2,
        grid=(NB,),
        in_specs=[
            pl.BlockSpec((BLK, D), lambda b, bexp, lim: (b, 0)),
            pl.BlockSpec((1, D, H), lambda b, bexp, lim: (bexp[0, b], 0, 0)),
            pl.BlockSpec((1, 1, H), lambda b, bexp, lim: (bexp[0, b], 0, 0)),
            pl.BlockSpec((1, H, D), lambda b, bexp, lim: (bexp[0, b], 0, 0)),
            pl.BlockSpec((1, 1, D), lambda b, bexp, lim: (bexp[0, b], 0, 0)),
        ],
        out_specs=[
            pl.BlockSpec((BLK, D), lambda b, bexp, lim: (b, 0)),
            pl.BlockSpec((1, 1), lambda b, bexp, lim: (0, 0)),
        ],
        scratch_shapes=[pltpu.VMEM((1, D), jnp.float32)],
    )
    return pl.pallas_call(
        _expert_body,
        grid_spec=grid_spec,
        out_shape=(
            jax.ShapeDtypeStruct((NPAD, D), jnp.float32),
            jax.ShapeDtypeStruct((1, 1), jnp.float32),
        ),
    )(blkexp, limit, xpad, We, be.reshape(E, 1, H), Wd, bd.reshape(E, 1, D))


def kernel(img, label, We, be, Wd, bd):
    label2d = label.astype(jnp.int32).reshape(RG, RC)
    dest, blkexp, limit = _route(label2d)
    mesh = plsc.VectorSubcoreMesh(core_axis_name="c", subcore_axis_name="s")
    nw = mesh.num_cores * mesh.num_subcores
    dest3d = dest.reshape(nw, (N // nw) // _SC_CH, _SC_CH)
    xpad = _sc_scatter(img, dest3d)
    ypad, loss = _experts(xpad, We, be, Wd, bd, blkexp, limit)
    out = _sc_gather(ypad, dest3d)
    return loss.reshape(()), out

# --- scband reference (transcript-rebuilt; emitter-appended) ---
"""Pipeline reference for scband-model-30760555774480 (READ-ONLY COPY).

The authoritative reference and input builder live on the scoring server;
editing this copy changes nothing except your own understanding.
"""

import jax, jax.numpy as jnp
import numpy as np

E = 8        # number of experts (per-label encoder/decoder pairs)
D = 768      # d_model (img feature dim)
H = 128      # bottleneck (code) dim
N = 16384    # tokens = batch 2 * seq_len 8192


def setup_inputs(seed: int = 0) -> dict:
    key = jax.random.key(seed)
    ks = jax.random.split(key, 5)
    img = jax.random.normal(ks[0], (N, D), dtype=jnp.float32)
    label = jax.random.randint(ks[1], (N,), 0, E)
    # learned params: per-expert linear encoder and per-expert linear decoder
    # (split_mode_model = 1 -> decoder is also a ModuleList indexed by expert)
    We = jax.random.normal(ks[2], (E, D, H), dtype=jnp.float32) * 0.02
    be = jnp.zeros((E, H), dtype=jnp.float32)
    Wd = jax.random.normal(ks[3], (E, H, D), dtype=jnp.float32) * 0.02
    bd = jnp.zeros((E, D), dtype=jnp.float32)
    return {"img": img, "label": label, "We": We, "be": be, "Wd": Wd, "bd": bd}


def reference(img, label, We, be, Wd, bd):
    # Training path of the torch Model:
    #   for each activated expert i: route tokens with label==i through
    #   encoder[i] then decoder[i], scatter results back into output['img'],
    #   then MSE loss against the input image.
    # Boolean-mask gather/scatter (x[mask], out[mask] = dec) is expressed as
    # a dense per-expert pass + jnp.where select, which is mathematically
    # identical for per-token (linear) experts.
    out_img = jnp.zeros_like(img)
    n_experts = We.shape[0]
    for i in range(n_experts):
        m = (label == i)[:, None]
        encoded_i = img @ We[i] + be[i]
        decoded_i = encoded_i @ Wd[i] + bd[i]
        out_img = jnp.where(m, decoded_i, out_img)
    loss = jnp.mean((out_img - img) ** 2)
    return (loss, out_img)

if __name__ == "__main__":
    import jax
    _d = setup_inputs()
    print(jax.jit(kernel)(*tuple(_d.values())))

</pallas_src>

<mosaic_0001>
#map = affine_map<(d0, d1) -> (0, 0)>
#map1 = affine_map<(d0, d1) -> (0, 0, 0)>
module attributes {stable_mosaic.version = 14 : i64} {
  func.func @k(%arg0: i32, %arg1: i32, %arg2: memref<16384x768xf32, #tpu.memory_space<hbm>>, %arg3: memref<32x4x128xi32, #tpu.memory_space<hbm>>, %arg4: memref<20480x768xf32, #tpu.memory_space<hbm>>, %arg5: memref<4x128xi32, #tpu.memory_space<vmem>>, %arg6: memref<128x768xf32, #tpu.memory_space<vmem>>, %arg7: memref<!tpu.dma_semaphore, #tpu.memory_space<semaphore_mem>>) attributes {dimension_semantics = [#tpu.dimension_semantics<core_parallel>, #tpu.dimension_semantics<subcore_parallel>], iteration_bounds = array<i64: 2, 16>, scalar_prefetch = 0 : i64, scratch_operands = 3 : i64, tpu.core_type = #tpu.core_type<sc_vector_subcore>, window_params = [{transform_indices = #map}, {transform_indices = #map1}, {transform_indices = #map}]} {
    %mul3A = arith.constant 2 : i32
    %mul3A_0 = arith.muli %arg1, %mul3A : i32
    %add3A = arith.addi %mul3A_0, %arg0 : i32
    %mul3A_1 = arith.constant 512 : i32
    %mul3A_2 = arith.muli %add3A, %mul3A_1 : i32
    "tpu.region"() ({
      %run_scoped3A = tpu.sem_alloc : memref<!tpu.dma_semaphore, #tpu.memory_space<semaphore_mem>>
      %dma_start3A_65 = arith.constant 0 : i32
      %dma_start3A_66 = arith.constant 0 : i32
      %dma_start3A_67 = tpu.memref_slice %arg3[%add3A, %dma_start3A_65, %dma_start3A_66] : memref<32x4x128xi32, #tpu.memory_space<hbm>> -> memref<1x4x128xi32, #tpu.memory_space<hbm>>
      %dma_start3A_68 = tpu.memref_squeeze %dma_start3A_67 : memref<1x4x128xi32, #tpu.memory_space<hbm>> -> memref<4x128xi32, #tpu.memory_space<hbm>>
      %dma_start3A_69 = arith.constant 0 : i32
      %dma_start3A_70 = arith.constant 0 : i32
      %dma_start3A_71 = tpu.memref_slice %arg3[%add3A, %dma_start3A_69, %dma_start3A_70] : memref<32x4x128xi32, #tpu.memory_space<hbm>> -> memref<1x4x128xi32, #tpu.memory_space<hbm>>
      %dma_start3A_72 = tpu.memref_squeeze %dma_start3A_71 : memref<1x4x128xi32, #tpu.memory_space<hbm>> -> memref<4x128xi32, #tpu.memory_space<hbm>>
      tpu.enqueue_dma source(%dma_start3A_72 : memref<4x128xi32, #tpu.memory_space<hbm>>) target(%arg5 : memref<4x128xi32, #tpu.memory_space<vmem>>) target_semaphore(%run_scoped3A : memref<!tpu.dma_semaphore, #tpu.memory_space<semaphore_mem>>)
      %dma_wait3A_73 = arith.constant 0 : i32
      %dma_wait3A_74 = arith.constant 0 : i32
      %dma_wait3A_75 = tpu.memref_slice %arg3[%add3A, %dma_wait3A_73, %dma_wait3A_74] : memref<32x4x128xi32, #tpu.memory_space<hbm>> -> memref<1x4x128xi32, #tpu.memory_space<hbm>>
      %dma_wait3A_76 = tpu.memref_squeeze %dma_wait3A_75 : memref<1x4x128xi32, #tpu.memory_space<hbm>> -> memref<4x128xi32, #tpu.memory_space<hbm>>
      %dma_wait3A_77 = arith.constant 0 : i32
      %dma_wait3A_78 = arith.constant 0 : i32
      %dma_wait3A_79 = tpu.memref_slice %arg3[%add3A, %dma_wait3A_77, %dma_wait3A_78] : memref<32x4x128xi32, #tpu.memory_space<hbm>> -> memref<1x4x128xi32, #tpu.memory_space<hbm>>
      %dma_wait3A_80 = tpu.memref_squeeze %dma_wait3A_79 : memref<1x4x128xi32, #tpu.memory_space<hbm>> -> memref<4x128xi32, #tpu.memory_space<hbm>>
      tpu.wait_dma2 semaphore(%run_scoped3A : memref<!tpu.dma_semaphore, #tpu.memory_space<semaphore_mem>>) src(%dma_wait3A_80 : memref<4x128xi32, #tpu.memory_space<hbm>>) dst(%arg5 : memref<4x128xi32, #tpu.memory_space<vmem>>)
      tpu.yield
    }) : () -> ()
    %add3A_3 = arith.constant 0 : i32
    %add3A_4 = arith.addi %mul3A_2, %add3A_3 : i32
    "tpu.region"() ({
      %run_scoped3A = tpu.sem_alloc : memref<!tpu.dma_semaphore, #tpu.memory_space<semaphore_mem>>
      %dma_start3A_65 = arith.constant 0 : i32
      %dma_start3A_66 = tpu.memref_slice %arg2[%add3A_4, %dma_start3A_65] : memref<16384x768xf32, #tpu.memory_space<hbm>> -> memref<128x768xf32, #tpu.memory_space<hbm>>
      %dma_start3A_67 = arith.constant 0 : i32
      %dma_start3A_68 = tpu.memref_slice %arg2[%add3A_4, %dma_start3A_67] : memref<16384x768xf32, #tpu.memory_space<hbm>> -> memref<128x768xf32, #tpu.memory_space<hbm>>
      tpu.enqueue_dma source(%dma_start3A_68 : memref<128x768xf32, #tpu.memory_space<hbm>>) target(%arg6 : memref<128x768xf32, #tpu.memory_space<vmem>>) target_semaphore(%run_scoped3A : memref<!tpu.dma_semaphore, #tpu.memory_space<semaphore_mem>>)
      %dma_wait3A_69 = arith.constant 0 : i32
      %dma_wait3A_70 = tpu.memref_slice %arg2[%add3A_4, %dma_wait3A_69] : memref<16384x768xf32, #tpu.memory_space<hbm>> -> memref<128x768xf32, #tpu.memory_space<hbm>>
      %dma_wait3A_71 = arith.constant 0 : i32
      %dma_wait3A_72 = tpu.memref_slice %arg2[%add3A_4, %dma_wait3A_71] : memref<16384x768xf32, #tpu.memory_space<hbm>> -> memref<128x768xf32, #tpu.memory_space<hbm>>
      tpu.wait_dma2 semaphore(%run_scoped3A : memref<!tpu.dma_semaphore, #tpu.memory_space<semaphore_mem>>) src(%dma_wait3A_72 : memref<128x768xf32, #tpu.memory_space<hbm>>) dst(%arg6 : memref<128x768xf32, #tpu.memory_space<vmem>>)
      tpu.yield
    }) : () -> ()
    %dma_start3A = arith.constant 0 : i32
    %dma_start3A_5 = arith.constant 0 : i32
    %dma_start3A_6 = tpu.memref_slice %arg5[%dma_start3A, %dma_start3A_5] : memref<4x128xi32, #tpu.memory_space<vmem>> -> memref<1x128xi32, #tpu.memory_space<vmem>>
    %dma_start3A_7 = tpu.memref_squeeze %dma_start3A_6 : memref<1x128xi32, #tpu.memory_space<vmem>> -> memref<128xi32, #tpu.memory_space<vmem>>
    %dma_start3A_8 = arith.constant 0 : i32
    %dma_start3A_9 = arith.constant 0 : i32
    %dma_start3A_10 = tpu.memref_slice %arg4[%dma_start3A_8, %dma_start3A_9] : memref<20480x768xf32, #tpu.memory_space<hbm>> -> memref<20480x768xf32, #tpu.memory_space<hbm>>
    tpu.enqueue_indirect_dma source(%arg6 : memref<128x768xf32, #tpu.memory_space<vmem>>) target(%dma_start3A_10 : memref<20480x768xf32, #tpu.memory_space<hbm>>) offsets(%dma_start3A_7 : memref<128xi32, #tpu.memory_space<vmem>>) semaphore(%arg7 : memref<!tpu.dma_semaphore, #tpu.memory_space<semaphore_mem>>)
    %dma_wait3A = arith.constant 0 : i32
    %dma_wait3A_11 = arith.constant 0 : i32
    %dma_wait3A_12 = tpu.memref_slice %arg5[%dma_wait3A, %dma_wait3A_11] : memref<4x128xi32, #tpu.memory_space<vmem>> -> memref<1x128xi32, #tpu.memory_space<vmem>>
    %dma_wait3A_13 = tpu.memref_squeeze %dma_wait3A_12 : memref<1x128xi32, #tpu.memory_space<vmem>> -> memref<128xi32, #tpu.memory_space<vmem>>
    %dma_wait3A_14 = arith.constant 0 : i32
    %dma_wait3A_15 = arith.constant 0 : i32
    %dma_wait3A_16 = tpu.memref_slice %arg4[%dma_wait3A_14, %dma_wait3A_15] : memref<20480x768xf32, #tpu.memory_space<hbm>> -> memref<20480x768xf32, #tpu.memory_space<hbm>>
    tpu.wait_indirect_dma semaphore(%arg7 : memref<!tpu.dma_semaphore, #tpu.memory_space<semaphore_mem>>) src(%arg6 : memref<128x768xf32, #tpu.memory_space<vmem>>) dst(%dma_wait3A_16 : memref<20480x768xf32, #tpu.memory_space<hbm>>)
    %add3A_17 = arith.constant 128 : i32
    %add3A_18 = arith.addi %mul3A_2, %add3A_17 : i32
    "tpu.region"() ({
      %run_scoped3A = tpu.sem_alloc : memref<!tpu.dma_semaphore, #tpu.memory_space<semaphore_mem>>
      %dma_start3A_65 = arith.constant 0 : i32
      %dma_start3A_66 = tpu.memref_slice %arg2[%add3A_18, %dma_start3A_65] : memref<16384x768xf32, #tpu.memory_space<hbm>> -> memref<128x768xf32, #tpu.memory_space<hbm>>
      %dma_start3A_67 = arith.constant 0 : i32
      %dma_start3A_68 = tpu.memref_slice %arg2[%add3A_18, %dma_start3A_67] : memref<16384x768xf32, #tpu.memory_space<hbm>> -> memref<128x768xf32, #tpu.memory_space<hbm>>
      tpu.enqueue_dma source(%dma_start3A_68 : memref<128x768xf32, #tpu.memory_space<hbm>>) target(%arg6 : memref<128x768xf32, #tpu.memory_space<vmem>>) target_semaphore(%run_scoped3A : memref<!tpu.dma_semaphore, #tpu.memory_space<semaphore_mem>>)
      %dma_wait3A_69 = arith.constant 0 : i32
      %dma_wait3A_70 = tpu.memref_slice %arg2[%add3A_18, %dma_wait3A_69] : memref<16384x768xf32, #tpu.memory_space<hbm>> -> memref<128x768xf32, #tpu.memory_space<hbm>>
      %dma_wait3A_71 = arith.constant 0 : i32
      %dma_wait3A_72 = tpu.memref_slice %arg2[%add3A_18, %dma_wait3A_71] : memref<16384x768xf32, #tpu.memory_space<hbm>> -> memref<128x768xf32, #tpu.memory_space<hbm>>
      tpu.wait_dma2 semaphore(%run_scoped3A : memref<!tpu.dma_semaphore, #tpu.memory_space<semaphore_mem>>) src(%dma_wait3A_72 : memref<128x768xf32, #tpu.memory_space<hbm>>) dst(%arg6 : memref<128x768xf32, #tpu.memory_space<vmem>>)
      tpu.yield
    }) : () -> ()
    %dma_start3A_19 = arith.constant 1 : i32
    %dma_start3A_20 = arith.constant 0 : i32
    %dma_start3A_21 = tpu.memref_slice %arg5[%dma_start3A_19, %dma_start3A_20] : memref<4x128xi32, #tpu.memory_space<vmem>> -> memref<1x128xi32, #tpu.memory_space<vmem>>
    %dma_start3A_22 = tpu.memref_squeeze %dma_start3A_21 : memref<1x128xi32, #tpu.memory_space<vmem>> -> memref<128xi32, #tpu.memory_space<vmem>>
    %dma_start3A_23 = arith.constant 0 : i32
    %dma_start3A_24 = arith.constant 0 : i32
    %dma_start3A_25 = tpu.memref_slice %arg4[%dma_start3A_23, %dma_start3A_24] : memref<20480x768xf32, #tpu.memory_space<hbm>> -> memref<20480x768xf32, #tpu.memory_space<hbm>>
    tpu.enqueue_indirect_dma source(%arg6 : memref<128x768xf32, #tpu.memory_space<vmem>>) target(%dma_start3A_25 : memref<20480x768xf32, #tpu.memory_space<hbm>>) offsets(%dma_start3A_22 : memref<128xi32, #tpu.memory_space<vmem>>) semaphore(%arg7 : memref<!tpu.dma_semaphore, #tpu.memory_space<semaphore_mem>>)
    %dma_wait3A_26 = arith.constant 1 : i32
    %dma_wait3A_27 = arith.constant 0 : i32
    %dma_wait3A_28 = tpu.memref_slice %arg5[%dma_wait3A_26, %dma_wait3A_27] : memref<4x128xi32, #tpu.memory_space<vmem>> -> memref<1x128xi32, #tpu.memory_space<vmem>>
    %dma_wait3A_29 = tpu.memref_squeeze %dma_wait3A_28 : memref<1x128xi32, #tpu.memory_space<vmem>> -> memref<128xi32, #tpu.memory_space<vmem>>
    %dma_wait3A_30 = arith.constant 0 : i32
    %dma_wait3A_31 = arith.constant 0 : i32
    %dma_wait3A_32 = tpu.memref_slice %arg4[%dma_wait3A_30, %dma_wait3A_31] : memref<20480x768xf32, #tpu.memory_space<hbm>> -> memref<20480x768xf32, #tpu.memory_space<hbm>>
    tpu.wait_indirect_dma semaphore(%arg7 : memref<!tpu.dma_semaphore, #tpu.memory_space<semaphore_mem>>) src(%arg6 : memref<128x768xf32, #tpu.memory_space<vmem>>) dst(%dma_wait3A_32 : memref<20480x768xf32, #tpu.memory_space<hbm>>)
    %add3A_33 = arith.constant 256 : i32
    %add3A_34 = arith.addi %mul3A_2, %add3A_33 : i32
    "tpu.region"() ({
      %run_scoped3A = tpu.sem_alloc : memref<!tpu.dma_semaphore, #tpu.memory_space<semaphore_mem>>
      %dma_start3A_65 = arith.constant 0 : i32
      %dma_start3A_66 = tpu.memref_slice %arg2[%add3A_34, %dma_start3A_65] : memref<16384x768xf32, #tpu.memory_space<hbm>> -> memref<128x768xf32, #tpu.memory_space<hbm>>
      %dma_start3A_67 = arith.constant 0 : i32
      %dma_start3A_68 = tpu.memref_slice %arg2[%add3A_34, %dma_start3A_67] : memref<16384x768xf32, #tpu.memory_space<hbm>> -> memref<128x768xf32, #tpu.memory_space<hbm>>
      tpu.enqueue_dma source(%dma_start3A_68 : memref<128x768xf32, #tpu.memory_space<hbm>>) target(%arg6 : memref<128x768xf32, #tpu.memory_space<vmem>>) target_semaphore(%run_scoped3A : memref<!tpu.dma_semaphore, #tpu.memory_space<semaphore_mem>>)
      %dma_wait3A_69 = arith.constant 0 : i32
      %dma_wait3A_70 = tpu.memref_slice %arg2[%add3A_34, %dma_wait3A_69] : memref<16384x768xf32, #tpu.memory_space<hbm>> -> memref<128x768xf32, #tpu.memory_space<hbm>>
      %dma_wait3A_71 = arith.constant 0 : i32
      %dma_wait3A_72 = tpu.memref_slice %arg2[%add3A_34, %dma_wait3A_71] : memref<16384x768xf32, #tpu.memory_space<hbm>> -> memref<128x768xf32, #tpu.memory_space<hbm>>
      tpu.wait_dma2 semaphore(%run_scoped3A : memref<!tpu.dma_semaphore, #tpu.memory_space<semaphore_mem>>) src(%dma_wait3A_72 : memref<128x768xf32, #tpu.memory_space<hbm>>) dst(%arg6 : memref<128x768xf32, #tpu.memory_space<vmem>>)
      tpu.yield
    }) : () -> ()
    %dma_start3A_35 = arith.constant 2 : i32
    %dma_start3A_36 = arith.constant 0 : i32
    %dma_start3A_37 = tpu.memref_slice %arg5[%dma_start3A_35, %dma_start3A_36] : memref<4x128xi32, #tpu.memory_space<vmem>> -> memref<1x128xi32, #tpu.memory_space<vmem>>
    %dma_start3A_38 = tpu.memref_squeeze %dma_start3A_37 : memref<1x128xi32, #tpu.memory_space<vmem>> -> memref<128xi32, #tpu.memory_space<vmem>>
    %dma_start3A_39 = arith.constant 0 : i32
    %dma_start3A_40 = arith.constant 0 : i32
    %dma_start3A_41 = tpu.memref_slice %arg4[%dma_start3A_39, %dma_start3A_40] : memref<20480x768xf32, #tpu.memory_space<hbm>> -> memref<20480x768xf32, #tpu.memory_space<hbm>>
    tpu.enqueue_indirect_dma source(%arg6 : memref<128x768xf32, #tpu.memory_space<vmem>>) target(%dma_start3A_41 : memref<20480x768xf32, #tpu.memory_space<hbm>>) offsets(%dma_start3A_38 : memref<128xi32, #tpu.memory_space<vmem>>) semaphore(%arg7 : memref<!tpu.dma_semaphore, #tpu.memory_space<semaphore_mem>>)
    %dma_wait3A_42 = arith.constant 2 : i32
    %dma_wait3A_43 = arith.constant 0 : i32
    %dma_wait3A_44 = tpu.memref_slice %arg5[%dma_wait3A_42, %dma_wait3A_43] : memref<4x128xi32, #tpu.memory_space<vmem>> -> memref<1x128xi32, #tpu.memory_space<vmem>>
    %dma_wait3A_45 = tpu.memref_squeeze %dma_wait3A_44 : memref<1x128xi32, #tpu.memory_space<vmem>> -> memref<128xi32, #tpu.memory_space<vmem>>
    %dma_wait3A_46 = arith.constant 0 : i32
    %dma_wait3A_47 = arith.constant 0 : i32
    %dma_wait3A_48 = tpu.memref_slice %arg4[%dma_wait3A_46, %dma_wait3A_47] : memref<20480x768xf32, #tpu.memory_space<hbm>> -> memref<20480x768xf32, #tpu.memory_space<hbm>>
    tpu.wait_indirect_dma semaphore(%arg7 : memref<!tpu.dma_semaphore, #tpu.memory_space<semaphore_mem>>) src(%arg6 : memref<128x768xf32, #tpu.memory_space<vmem>>) dst(%dma_wait3A_48 : memref<20480x768xf32, #tpu.memory_space<hbm>>)
    %add3A_49 = arith.constant 384 : i32
    %add3A_50 = arith.addi %mul3A_2, %add3A_49 : i32
    "tpu.region"() ({
      %run_scoped3A = tpu.sem_alloc : memref<!tpu.dma_semaphore, #tpu.memory_space<semaphore_mem>>
      %dma_start3A_65 = arith.constant 0 : i32
      %dma_start3A_66 = tpu.memref_slice %arg2[%add3A_50, %dma_start3A_65] : memref<16384x768xf32, #tpu.memory_space<hbm>> -> memref<128x768xf32, #tpu.memory_space<hbm>>
      %dma_start3A_67 = arith.constant 0 : i32
      %dma_start3A_68 = tpu.memref_slice %arg2[%add3A_50, %dma_start3A_67] : memref<16384x768xf32, #tpu.memory_space<hbm>> -> memref<128x768xf32, #tpu.memory_space<hbm>>
      tpu.enqueue_dma source(%dma_start3A_68 : memref<128x768xf32, #tpu.memory_space<hbm>>) target(%arg6 : memref<128x768xf32, #tpu.memory_space<vmem>>) target_semaphore(%run_scoped3A : memref<!tpu.dma_semaphore, #tpu.memory_space<semaphore_mem>>)
      %dma_wait3A_69 = arith.constant 0 : i32
      %dma_wait3A_70 = tpu.memref_slice %arg2[%add3A_50, %dma_wait3A_69] : memref<16384x768xf32, #tpu.memory_space<hbm>> -> memref<128x768xf32, #tpu.memory_space<hbm>>
      %dma_wait3A_71 = arith.constant 0 : i32
      %dma_wait3A_72 = tpu.memref_slice %arg2[%add3A_50, %dma_wait3A_71] : memref<16384x768xf32, #tpu.memory_space<hbm>> -> memref<128x768xf32, #tpu.memory_space<hbm>>
      tpu.wait_dma2 semaphore(%run_scoped3A : memref<!tpu.dma_semaphore, #tpu.memory_space<semaphore_mem>>) src(%dma_wait3A_72 : memref<128x768xf32, #tpu.memory_space<hbm>>) dst(%arg6 : memref<128x768xf32, #tpu.memory_space<vmem>>)
      tpu.yield
    }) : () -> ()
    %dma_start3A_51 = arith.constant 3 : i32
    %dma_start3A_52 = arith.constant 0 : i32
    %dma_start3A_53 = tpu.memref_slice %arg5[%dma_start3A_51, %dma_start3A_52] : memref<4x128xi32, #tpu.memory_space<vmem>> -> memref<1x128xi32, #tpu.memory_space<vmem>>
    %dma_start3A_54 = tpu.memref_squeeze %dma_start3A_53 : memref<1x128xi32, #tpu.memory_space<vmem>> -> memref<128xi32, #tpu.memory_space<vmem>>
    %dma_start3A_55 = arith.constant 0 : i32
    %dma_start3A_56 = arith.constant 0 : i32
    %dma_start3A_57 = tpu.memref_slice %arg4[%dma_start3A_55, %dma_start3A_56] : memref<20480x768xf32, #tpu.memory_space<hbm>> -> memref<20480x768xf32, #tpu.memory_space<hbm>>
    tpu.enqueue_indirect_dma source(%arg6 : memref<128x768xf32, #tpu.memory_space<vmem>>) target(%dma_start3A_57 : memref<20480x768xf32, #tpu.memory_space<hbm>>) offsets(%dma_start3A_54 : memref<128xi32, #tpu.memory_space<vmem>>) semaphore(%arg7 : memref<!tpu.dma_semaphore, #tpu.memory_space<semaphore_mem>>)
    %dma_wait3A_58 = arith.constant 3 : i32
    %dma_wait3A_59 = arith.constant 0 : i32
    %dma_wait3A_60 = tpu.memref_slice %arg5[%dma_wait3A_58, %dma_wait3A_59] : memref<4x128xi32, #tpu.memory_space<vmem>> -> memref<1x128xi32, #tpu.memory_space<vmem>>
    %dma_wait3A_61 = tpu.memref_squeeze %dma_wait3A_60 : memref<1x128xi32, #tpu.memory_space<vmem>> -> memref<128xi32, #tpu.memory_space<vmem>>
    %dma_wait3A_62 = arith.constant 0 : i32
    %dma_wait3A_63 = arith.constant 0 : i32
    %dma_wait3A_64 = tpu.memref_slice %arg4[%dma_wait3A_62, %dma_wait3A_63] : memref<20480x768xf32, #tpu.memory_space<hbm>> -> memref<20480x768xf32, #tpu.memory_space<hbm>>
    tpu.wait_indirect_dma semaphore(%arg7 : memref<!tpu.dma_semaphore, #tpu.memory_space<semaphore_mem>>) src(%arg6 : memref<128x768xf32, #tpu.memory_space<vmem>>) dst(%dma_wait3A_64 : memref<20480x768xf32, #tpu.memory_space<hbm>>)
    return
  }
}

#map = affine_map<(d0, d1) -> (0, 0)>
#map1 = affine_map<(d0, d1) -> (0, 0, 0)>
module attributes {stable_mosaic.version = 14 : i64} {
  func.func @k(%arg0: i32, %arg1: i32, %arg2: memref<20480x768xf32, #tpu.memory_space<hbm>>, %arg3: memref<32x4x128xi32, #tpu.memory_space<hbm>>, %arg4: memref<16384x768xf32, #tpu.memory_space<hbm>>, %arg5: memref<4x128xi32, #tpu.memory_space<vmem>>, %arg6: memref<128x768xf32, #tpu.memory_space<vmem>>, %arg7: memref<!tpu.dma_semaphore, #tpu.memory_space<semaphore_mem>>) attributes {dimension_semantics = [#tpu.dimension_semantics<core_parallel>, #tpu.dimension_semantics<subcore_parallel>], iteration_bounds = array<i64: 2, 16>, scalar_prefetch = 0 : i64, scratch_operands = 3 : i64, tpu.core_type = #tpu.core_type<sc_vector_subcore>, window_params = [{transform_indices = #map}, {transform_indices = #map1}, {transform_indices = #map}]} {
    %mul3A = arith.constant 2 : i32
    %mul3A_0 = arith.muli %arg1, %mul3A : i32
    %add3A = arith.addi %mul3A_0, %arg0 : i32
    %mul3A_1 = arith.constant 512 : i32
    %mul3A_2 = arith.muli %add3A, %mul3A_1 : i32
    "tpu.region"() ({
      %run_scoped3A = tpu.sem_alloc : memref<!tpu.dma_semaphore, #tpu.memory_space<semaphore_mem>>
      %dma_start3A_65 = arith.constant 0 : i32
      %dma_start3A_66 = arith.constant 0 : i32
      %dma_start3A_67 = tpu.memref_slice %arg3[%add3A, %dma_start3A_65, %dma_start3A_66] : memref<32x4x128xi32, #tpu.memory_space<hbm>> -> memref<1x4x128xi32, #tpu.memory_space<hbm>>
      %dma_start3A_68 = tpu.memref_squeeze %dma_start3A_67 : memref<1x4x128xi32, #tpu.memory_space<hbm>> -> memref<4x128xi32, #tpu.memory_space<hbm>>
      %dma_start3A_69 = arith.constant 0 : i32
      %dma_start3A_70 = arith.constant 0 : i32
      %dma_start3A_71 = tpu.memref_slice %arg3[%add3A, %dma_start3A_69, %dma_start3A_70] : memref<32x4x128xi32, #tpu.memory_space<hbm>> -> memref<1x4x128xi32, #tpu.memory_space<hbm>>
      %dma_start3A_72 = tpu.memref_squeeze %dma_start3A_71 : memref<1x4x128xi32, #tpu.memory_space<hbm>> -> memref<4x128xi32, #tpu.memory_space<hbm>>
      tpu.enqueue_dma source(%dma_start3A_72 : memref<4x128xi32, #tpu.memory_space<hbm>>) target(%arg5 : memref<4x128xi32, #tpu.memory_space<vmem>>) target_semaphore(%run_scoped3A : memref<!tpu.dma_semaphore, #tpu.memory_space<semaphore_mem>>)
      %dma_wait3A_73 = arith.constant 0 : i32
      %dma_wait3A_74 = arith.constant 0 : i32
      %dma_wait3A_75 = tpu.memref_slice %arg3[%add3A, %dma_wait3A_73, %dma_wait3A_74] : memref<32x4x128xi32, #tpu.memory_space<hbm>> -> memref<1x4x128xi32, #tpu.memory_space<hbm>>
      %dma_wait3A_76 = tpu.memref_squeeze %dma_wait3A_75 : memref<1x4x128xi32, #tpu.memory_space<hbm>> -> memref<4x128xi32, #tpu.memory_space<hbm>>
      %dma_wait3A_77 = arith.constant 0 : i32
      %dma_wait3A_78 = arith.constant 0 : i32
      %dma_wait3A_79 = tpu.memref_slice %arg3[%add3A, %dma_wait3A_77, %dma_wait3A_78] : memref<32x4x128xi32, #tpu.memory_space<hbm>> -> memref<1x4x128xi32, #tpu.memory_space<hbm>>
      %dma_wait3A_80 = tpu.memref_squeeze %dma_wait3A_79 : memref<1x4x128xi32, #tpu.memory_space<hbm>> -> memref<4x128xi32, #tpu.memory_space<hbm>>
      tpu.wait_dma2 semaphore(%run_scoped3A : memref<!tpu.dma_semaphore, #tpu.memory_space<semaphore_mem>>) src(%dma_wait3A_80 : memref<4x128xi32, #tpu.memory_space<hbm>>) dst(%arg5 : memref<4x128xi32, #tpu.memory_space<vmem>>)
      tpu.yield
    }) : () -> ()
    %dma_start3A = arith.constant 0 : i32
    %dma_start3A_3 = arith.constant 0 : i32
    %dma_start3A_4 = tpu.memref_slice %arg5[%dma_start3A, %dma_start3A_3] : memref<4x128xi32, #tpu.memory_space<vmem>> -> memref<1x128xi32, #tpu.memory_space<vmem>>
    %dma_start3A_5 = tpu.memref_squeeze %dma_start3A_4 : memref<1x128xi32, #tpu.memory_space<vmem>> -> memref<128xi32, #tpu.memory_space<vmem>>
    %dma_start3A_6 = arith.constant 0 : i32
    %dma_start3A_7 = arith.constant 0 : i32
    %dma_start3A_8 = tpu.memref_slice %arg2[%dma_start3A_6, %dma_start3A_7] : memref<20480x768xf32, #tpu.memory_space<hbm>> -> memref<20480x768xf32, #tpu.memory_space<hbm>>
    tpu.enqueue_indirect_dma source(%dma_start3A_8 : memref<20480x768xf32, #tpu.memory_space<hbm>>) target(%arg6 : memref<128x768xf32, #tpu.memory_space<vmem>>) offsets(%dma_start3A_5 : memref<128xi32, #tpu.memory_space<vmem>>) semaphore(%arg7 : memref<!tpu.dma_semaphore, #tpu.memory_space<semaphore_mem>>)
    %dma_wait3A = arith.constant 0 : i32
    %dma_wait3A_9 = arith.constant 0 : i32
    %dma_wait3A_10 = tpu.memref_slice %arg5[%dma_wait3A, %dma_wait3A_9] : memref<4x128xi32, #tpu.memory_space<vmem>> -> memref<1x128xi32, #tpu.memory_space<vmem>>
    %dma_wait3A_11 = tpu.memref_squeeze %dma_wait3A_10 : memref<1x128xi32, #tpu.memory_space<vmem>> -> memref<128xi32, #tpu.memory_space<vmem>>
    %dma_wait3A_12 = arith.constant 0 : i32
    %dma_wait3A_13 = arith.constant 0 : i32
    %dma_wait3A_14 = tpu.memref_slice %arg2[%dma_wait3A_12, %dma_wait3A_13] : memref<20480x768xf32, #tpu.memory_space<hbm>> -> memref<20480x768xf32, #tpu.memory_space<hbm>>
    tpu.wait_indirect_dma semaphore(%arg7 : memref<!tpu.dma_semaphore, #tpu.memory_space<semaphore_mem>>) src(%dma_wait3A_14 : memref<20480x768xf32, #tpu.memory_space<hbm>>) dst(%arg6 : memref<128x768xf32, #tpu.memory_space<vmem>>)
    %add3A_15 = arith.constant 0 : i32
    %add3A_16 = arith.addi %mul3A_2, %add3A_15 : i32
    "tpu.region"() ({
      %run_scoped3A = tpu.sem_alloc : memref<!tpu.dma_semaphore, #tpu.memory_space<semaphore_mem>>
      %dma_start3A_65 = arith.constant 0 : i32
      %dma_start3A_66 = tpu.memref_slice %arg4[%add3A_16, %dma_start3A_65] : memref<16384x768xf32, #tpu.memory_space<hbm>> -> memref<128x768xf32, #tpu.memory_space<hbm>>
      %dma_start3A_67 = arith.constant 0 : i32
      %dma_start3A_68 = tpu.memref_slice %arg4[%add3A_16, %dma_start3A_67] : memref<16384x768xf32, #tpu.memory_space<hbm>> -> memref<128x768xf32, #tpu.memory_space<hbm>>
      tpu.enqueue_dma source(%arg6 : memref<128x768xf32, #tpu.memory_space<vmem>>) target(%dma_start3A_68 : memref<128x768xf32, #tpu.memory_space<hbm>>) target_semaphore(%run_scoped3A : memref<!tpu.dma_semaphore, #tpu.memory_space<semaphore_mem>>)
      %dma_wait3A_69 = arith.constant 0 : i32
      %dma_wait3A_70 = tpu.memref_slice %arg4[%add3A_16, %dma_wait3A_69] : memref<16384x768xf32, #tpu.memory_space<hbm>> -> memref<128x768xf32, #tpu.memory_space<hbm>>
      %dma_wait3A_71 = arith.constant 0 : i32
      %dma_wait3A_72 = tpu.memref_slice %arg4[%add3A_16, %dma_wait3A_71] : memref<16384x768xf32, #tpu.memory_space<hbm>> -> memref<128x768xf32, #tpu.memory_space<hbm>>
      tpu.wait_dma2 semaphore(%run_scoped3A : memref<!tpu.dma_semaphore, #tpu.memory_space<semaphore_mem>>) src(%arg6 : memref<128x768xf32, #tpu.memory_space<vmem>>) dst(%dma_wait3A_72 : memref<128x768xf32, #tpu.memory_space<hbm>>)
      tpu.yield
    }) : () -> ()
    %dma_start3A_17 = arith.constant 1 : i32
    %dma_start3A_18 = arith.constant 0 : i32
    %dma_start3A_19 = tpu.memref_slice %arg5[%dma_start3A_17, %dma_start3A_18] : memref<4x128xi32, #tpu.memory_space<vmem>> -> memref<1x128xi32, #tpu.memory_space<vmem>>
    %dma_start3A_20 = tpu.memref_squeeze %dma_start3A_19 : memref<1x128xi32, #tpu.memory_space<vmem>> -> memref<128xi32, #tpu.memory_space<vmem>>
    %dma_start3A_21 = arith.constant 0 : i32
    %dma_start3A_22 = arith.constant 0 : i32
    %dma_start3A_23 = tpu.memref_slice %arg2[%dma_start3A_21, %dma_start3A_22] : memref<20480x768xf32, #tpu.memory_space<hbm>> -> memref<20480x768xf32, #tpu.memory_space<hbm>>
    tpu.enqueue_indirect_dma source(%dma_start3A_23 : memref<20480x768xf32, #tpu.memory_space<hbm>>) target(%arg6 : memref<128x768xf32, #tpu.memory_space<vmem>>) offsets(%dma_start3A_20 : memref<128xi32, #tpu.memory_space<vmem>>) semaphore(%arg7 : memref<!tpu.dma_semaphore, #tpu.memory_space<semaphore_mem>>)
    %dma_wait3A_24 = arith.constant 1 : i32
    %dma_wait3A_25 = arith.constant 0 : i32
    %dma_wait3A_26 = tpu.memref_slice %arg5[%dma_wait3A_24, %dma_wait3A_25] : memref<4x128xi32, #tpu.memory_space<vmem>> -> memref<1x128xi32, #tpu.memory_space<vmem>>
    %dma_wait3A_27 = tpu.memref_squeeze %dma_wait3A_26 : memref<1x128xi32, #tpu.memory_space<vmem>> -> memref<128xi32, #tpu.memory_space<vmem>>
    %dma_wait3A_28 = arith.constant 0 : i32
    %dma_wait3A_29 = arith.constant 0 : i32
    %dma_wait3A_30 = tpu.memref_slice %arg2[%dma_wait3A_28, %dma_wait3A_29] : memref<20480x768xf32, #tpu.memory_space<hbm>> -> memref<20480x768xf32, #tpu.memory_space<hbm>>
    tpu.wait_indirect_dma semaphore(%arg7 : memref<!tpu.dma_semaphore, #tpu.memory_space<semaphore_mem>>) src(%dma_wait3A_30 : memref<20480x768xf32, #tpu.memory_space<hbm>>) dst(%arg6 : memref<128x768xf32, #tpu.memory_space<vmem>>)
    %add3A_31 = arith.constant 128 : i32
    %add3A_32 = arith.addi %mul3A_2, %add3A_31 : i32
    "tpu.region"() ({
      %run_scoped3A = tpu.sem_alloc : memref<!tpu.dma_semaphore, #tpu.memory_space<semaphore_mem>>
      %dma_start3A_65 = arith.constant 0 : i32
      %dma_start3A_66 = tpu.memref_slice %arg4[%add3A_32, %dma_start3A_65] : memref<16384x768xf32, #tpu.memory_space<hbm>> -> memref<128x768xf32, #tpu.memory_space<hbm>>
      %dma_start3A_67 = arith.constant 0 : i32
      %dma_start3A_68 = tpu.memref_slice %arg4[%add3A_32, %dma_start3A_67] : memref<16384x768xf32, #tpu.memory_space<hbm>> -> memref<128x768xf32, #tpu.memory_space<hbm>>
      tpu.enqueue_dma source(%arg6 : memref<128x768xf32, #tpu.memory_space<vmem>>) target(%dma_start3A_68 : memref<128x768xf32, #tpu.memory_space<hbm>>) target_semaphore(%run_scoped3A : memref<!tpu.dma_semaphore, #tpu.memory_space<semaphore_mem>>)
      %dma_wait3A_69 = arith.constant 0 : i32
      %dma_wait3A_70 = tpu.memref_slice %arg4[%add3A_32, %dma_wait3A_69] : memref<16384x768xf32, #tpu.memory_space<hbm>> -> memref<128x768xf32, #tpu.memory_space<hbm>>
      %dma_wait3A_71 = arith.constant 0 : i32
      %dma_wait3A_72 = tpu.memref_slice %arg4[%add3A_32, %dma_wait3A_71] : memref<16384x768xf32, #tpu.memory_space<hbm>> -> memref<128x768xf32, #tpu.memory_space<hbm>>
      tpu.wait_dma2 semaphore(%run_scoped3A : memref<!tpu.dma_semaphore, #tpu.memory_space<semaphore_mem>>) src(%arg6 : memref<128x768xf32, #tpu.memory_space<vmem>>) dst(%dma_wait3A_72 : memref<128x768xf32, #tpu.memory_space<hbm>>)
      tpu.yield
    }) : () -> ()
    %dma_start3A_33 = arith.constant 2 : i32
    %dma_start3A_34 = arith.constant 0 : i32
    %dma_start3A_35 = tpu.memref_slice %arg5[%dma_start3A_33, %dma_start3A_34] : memref<4x128xi32, #tpu.memory_space<vmem>> -> memref<1x128xi32, #tpu.memory_space<vmem>>
    %dma_start3A_36 = tpu.memref_squeeze %dma_start3A_35 : memref<1x128xi32, #tpu.memory_space<vmem>> -> memref<128xi32, #tpu.memory_space<vmem>>
    %dma_start3A_37 = arith.constant 0 : i32
    %dma_start3A_38 = arith.constant 0 : i32
    %dma_start3A_39 = tpu.memref_slice %arg2[%dma_start3A_37, %dma_start3A_38] : memref<20480x768xf32, #tpu.memory_space<hbm>> -> memref<20480x768xf32, #tpu.memory_space<hbm>>
    tpu.enqueue_indirect_dma source(%dma_start3A_39 : memref<20480x768xf32, #tpu.memory_space<hbm>>) target(%arg6 : memref<128x768xf32, #tpu.memory_space<vmem>>) offsets(%dma_start3A_36 : memref<128xi32, #tpu.memory_space<vmem>>) semaphore(%arg7 : memref<!tpu.dma_semaphore, #tpu.memory_space<semaphore_mem>>)
    %dma_wait3A_40 = arith.constant 2 : i32
    %dma_wait3A_41 = arith.constant 0 : i32
    %dma_wait3A_42 = tpu.memref_slice %arg5[%dma_wait3A_40, %dma_wait3A_41] : memref<4x128xi32, #tpu.memory_space<vmem>> -> memref<1x128xi32, #tpu.memory_space<vmem>>
    %dma_wait3A_43 = tpu.memref_squeeze %dma_wait3A_42 : memref<1x128xi32, #tpu.memory_space<vmem>> -> memref<128xi32, #tpu.memory_space<vmem>>
    %dma_wait3A_44 = arith.constant 0 : i32
    %dma_wait3A_45 = arith.constant 0 : i32
    %dma_wait3A_46 = tpu.memref_slice %arg2[%dma_wait3A_44, %dma_wait3A_45] : memref<20480x768xf32, #tpu.memory_space<hbm>> -> memref<20480x768xf32, #tpu.memory_space<hbm>>
    tpu.wait_indirect_dma semaphore(%arg7 : memref<!tpu.dma_semaphore, #tpu.memory_space<semaphore_mem>>) src(%dma_wait3A_46 : memref<20480x768xf32, #tpu.memory_space<hbm>>) dst(%arg6 : memref<128x768xf32, #tpu.memory_space<vmem>>)
    %add3A_47 = arith.constant 256 : i32
    %add3A_48 = arith.addi %mul3A_2, %add3A_47 : i32
    "tpu.region"() ({
      %run_scoped3A = tpu.sem_alloc : memref<!tpu.dma_semaphore, #tpu.memory_space<semaphore_mem>>
      %dma_start3A_65 = arith.constant 0 : i32
      %dma_start3A_66 = tpu.memref_slice %arg4[%add3A_48, %dma_start3A_65] : memref<16384x768xf32, #tpu.memory_space<hbm>> -> memref<128x768xf32, #tpu.memory_space<hbm>>
      %dma_start3A_67 = arith.constant 0 : i32
      %dma_start3A_68 = tpu.memref_slice %arg4[%add3A_48, %dma_start3A_67] : memref<16384x768xf32, #tpu.memory_space<hbm>> -> memref<128x768xf32, #tpu.memory_space<hbm>>
      tpu.enqueue_dma source(%arg6 : memref<128x768xf32, #tpu.memory_space<vmem>>) target(%dma_start3A_68 : memref<128x768xf32, #tpu.memory_space<hbm>>) target_semaphore(%run_scoped3A : memref<!tpu.dma_semaphore, #tpu.memory_space<semaphore_mem>>)
      %dma_wait3A_69 = arith.constant 0 : i32
      %dma_wait3A_70 = tpu.memref_slice %arg4[%add3A_48, %dma_wait3A_69] : memref<16384x768xf32, #tpu.memory_space<hbm>> -> memref<128x768xf32, #tpu.memory_space<hbm>>
      %dma_wait3A_71 = arith.constant 0 : i32
      %dma_wait3A_72 = tpu.memref_slice %arg4[%add3A_48, %dma_wait3A_71] : memref<16384x768xf32, #tpu.memory_space<hbm>> -> memref<128x768xf32, #tpu.memory_space<hbm>>
      tpu.wait_dma2 semaphore(%run_scoped3A : memref<!tpu.dma_semaphore, #tpu.memory_space<semaphore_mem>>) src(%arg6 : memref<128x768xf32, #tpu.memory_space<vmem>>) dst(%dma_wait3A_72 : memref<128x768xf32, #tpu.memory_space<hbm>>)
      tpu.yield
    }) : () -> ()
    %dma_start3A_49 = arith.constant 3 : i32
    %dma_start3A_50 = arith.constant 0 : i32
    %dma_start3A_51 = tpu.memref_slice %arg5[%dma_start3A_49, %dma_start3A_50] : memref<4x128xi32, #tpu.memory_space<vmem>> -> memref<1x128xi32, #tpu.memory_space<vmem>>
    %dma_start3A_52 = tpu.memref_squeeze %dma_start3A_51 : memref<1x128xi32, #tpu.memory_space<vmem>> -> memref<128xi32, #tpu.memory_space<vmem>>
    %dma_start3A_53 = arith.constant 0 : i32
    %dma_start3A_54 = arith.constant 0 : i32
    %dma_start3A_55 = tpu.memref_slice %arg2[%dma_start3A_53, %dma_start3A_54] : memref<20480x768xf32, #tpu.memory_space<hbm>> -> memref<20480x768xf32, #tpu.memory_space<hbm>>
    tpu.enqueue_indirect_dma source(%dma_start3A_55 : memref<20480x768xf32, #tpu.memory_space<hbm>>) target(%arg6 : memref<128x768xf32, #tpu.memory_space<vmem>>) offsets(%dma_start3A_52 : memref<128xi32, #tpu.memory_space<vmem>>) semaphore(%arg7 : memref<!tpu.dma_semaphore, #tpu.memory_space<semaphore_mem>>)
    %dma_wait3A_56 = arith.constant 3 : i32
    %dma_wait3A_57 = arith.constant 0 : i32
    %dma_wait3A_58 = tpu.memref_slice %arg5[%dma_wait3A_56, %dma_wait3A_57] : memref<4x128xi32, #tpu.memory_space<vmem>> -> memref<1x128xi32, #tpu.memory_space<vmem>>
    %dma_wait3A_59 = tpu.memref_squeeze %dma_wait3A_58 : memref<1x128xi32, #tpu.memory_space<vmem>> -> memref<128xi32, #tpu.memory_space<vmem>>
    %dma_wait3A_60 = arith.constant 0 : i32
    %dma_wait3A_61 = arith.constant 0 : i32
    %dma_wait3A_62 = tpu.memref_slice %arg2[%dma_wait3A_60, %dma_wait3A_61] : memref<20480x768xf32, #tpu.memory_space<hbm>> -> memref<20480x768xf32, #tpu.memory_space<hbm>>
    tpu.wait_indirect_dma semaphore(%arg7 : memref<!tpu.dma_semaphore, #tpu.memory_space<semaphore_mem>>) src(%dma_wait3A_62 : memref<20480x768xf32, #tpu.memory_space<hbm>>) dst(%arg6 : memref<128x768xf32, #tpu.memory_space<vmem>>)
    %add3A_63 = arith.constant 384 : i32
    %add3A_64 = arith.addi %mul3A_2, %add3A_63 : i32
    "tpu.region"() ({
      %run_scoped3A = tpu.sem_alloc : memref<!tpu.dma_semaphore, #tpu.memory_space<semaphore_mem>>
      %dma_start3A_65 = arith.constant 0 : i32
      %dma_start3A_66 = tpu.memref_slice %arg4[%add3A_64, %dma_start3A_65] : memref<16384x768xf32, #tpu.memory_space<hbm>> -> memref<128x768xf32, #tpu.memory_space<hbm>>
      %dma_start3A_67 = arith.constant 0 : i32
      %dma_start3A_68 = tpu.memref_slice %arg4[%add3A_64, %dma_start3A_67] : memref<16384x768xf32, #tpu.memory_space<hbm>> -> memref<128x768xf32, #tpu.memory_space<hbm>>
      tpu.enqueue_dma source(%arg6 : memref<128x768xf32, #tpu.memory_space<vmem>>) target(%dma_start3A_68 : memref<128x768xf32, #tpu.memory_space<hbm>>) target_semaphore(%run_scoped3A : memref<!tpu.dma_semaphore, #tpu.memory_space<semaphore_mem>>)
      %dma_wait3A_69 = arith.constant 0 : i32
      %dma_wait3A_70 = tpu.memref_slice %arg4[%add3A_64, %dma_wait3A_69] : memref<16384x768xf32, #tpu.memory_space<hbm>> -> memref<128x768xf32, #tpu.memory_space<hbm>>
      %dma_wait3A_71 = arith.constant 0 : i32
      %dma_wait3A_72 = tpu.memref_slice %arg4[%add3A_64, %dma_wait3A_71] : memref<16384x768xf32, #tpu.memory_space<hbm>> -> memref<128x768xf32, #tpu.memory_space<hbm>>
      tpu.wait_dma2 semaphore(%run_scoped3A : memref<!tpu.dma_semaphore, #tpu.memory_space<semaphore_mem>>) src(%arg6 : memref<128x768xf32, #tpu.memory_space<vmem>>) dst(%dma_wait3A_72 : memref<128x768xf32, #tpu.memory_space<hbm>>)
      tpu.yield
    }) : () -> ()
    return
  }
}

module attributes {stable_mosaic.version = 14 : i64} {
  func.func @_expert_body(%arg0: i32, %arg1: memref<1x40xi32, #tpu.memory_space<smem>>, %arg2: memref<1x40xi32, #tpu.memory_space<smem>>, %arg3: memref<512x768xf32, #tpu.memory_space<vmem>>, %arg4: memref<1x768x128xf32, #tpu.memory_space<vmem>>, %arg5: memref<1x1x128xf32, #tpu.memory_space<vmem>>, %arg6: memref<1x128x768xf32, #tpu.memory_space<vmem>>, %arg7: memref<1x1x768xf32, #tpu.memory_space<vmem>>, %arg8: memref<512x768xf32, #tpu.memory_space<vmem>>, %arg9: memref<1x1xf32, #tpu.memory_space<vmem>>, %arg10: memref<1x768xf32, #tpu.memory_space<vmem>>) attributes {dimension_semantics = [#tpu.dimension_semantics<arbitrary>], iteration_bounds = array<i64: 40>, scalar_prefetch = 2 : i64, scratch_operands = 1 : i64, tpu.core_type = #tpu.core_type<tc>, window_params = [{transform_indices = @transform_0, window_bounds = array<i64: 512, 768>}, {transform_indices = @transform_1, window_bounds = array<i64: 1, 768, 128>}, {transform_indices = @transform_2, window_bounds = array<i64: 1, 1, 128>}, {transform_indices = @transform_3, window_bounds = array<i64: 1, 128, 768>}, {transform_indices = @transform_4, window_bounds = array<i64: 1, 1, 768>}, {transform_indices = @transform_5, window_bounds = array<i64: 512, 768>}, {pipeline_mode = #tpu.pipeline_mode<synchronous>, transform_indices = @transform_6, window_bounds = array<i64: 1, 1>}]} {
    %get3A = arith.constant 0 : index
    %get3A_0 = arith.constant 0 : index
    %get3A_1 = vector.load %arg3[%get3A, %get3A_0] : memref<512x768xf32, #tpu.memory_space<vmem>>, vector<512x768xf32>
    %convert_element_type3A = arith.truncf %get3A_1 : vector<512x768xf32> to vector<512x768xbf16>
    %get3A_2 = arith.constant 0 : index
    %get3A_3 = arith.constant 0 : index
    %get3A_4 = arith.constant 0 : index
    %get3A_5 = vector.load %arg4[%get3A_2, %get3A_3, %get3A_4] : memref<1x768x128xf32, #tpu.memory_space<vmem>>, vector<1x768x128xf32>
    %get3A_6 = vector.shape_cast %get3A_5 : vector<1x768x128xf32> to vector<768x128xf32>
    %convert_element_type3A_7 = arith.truncf %get3A_6 : vector<768x128xf32> to vector<768x128xbf16>
    %dot_general3A = arith.constant dense<0.000000e+00> : vector<512x128xf32>
    %dot_general3A_8 = tpu.matmul %convert_element_type3A, %convert_element_type3A_7, %dot_general3A {dimension_numbers = #tpu.dot_dimension_numbers<[1], [0], [0], [1], [0, 0, 1, 1], [], []>, transpose_lhs_hint = false} : vector<512x768xbf16>, vector<768x128xbf16>, vector<512x128xf32> -> vector<512x128xf32>
    %get3A_9 = arith.constant 0 : index
    %get3A_10 = arith.constant 0 : index
    %get3A_11 = arith.constant 0 : index
    %get3A_12 = vector.load %arg5[%get3A_9, %get3A_10, %get3A_11] : memref<1x1x128xf32, #tpu.memory_space<vmem>>, vector<1x1x128xf32>
    %get3A_13 = vector.shape_cast %get3A_12 : vector<1x1x128xf32> to vector<1x128xf32>
    %add3A = vector.broadcast %get3A_13 : vector<1x128xf32> to vector<512x128xf32>
    %add3A_14 = arith.addf %dot_general3A_8, %add3A : vector<512x128xf32>
    %convert_element_type3A_15 = arith.truncf %add3A_14 : vector<512x128xf32> to vector<512x128xbf16>
    %get3A_16 = arith.constant 0 : index
    %get3A_17 = arith.constant 0 : index
    %get3A_18 = arith.constant 0 : index
    %get3A_19 = vector.load %arg6[%get3A_16, %get3A_17, %get3A_18] : memref<1x128x768xf32, #tpu.memory_space<vmem>>, vector<1x128x768xf32>
    %get3A_20 = vector.shape_cast %get3A_19 : vector<1x128x768xf32> to vector<128x768xf32>
    %convert_element_type3A_21 = arith.truncf %get3A_20 : vector<128x768xf32> to vector<128x768xbf16>
    %dot_general3A_22 = arith.constant dense<0.000000e+00> : vector<512x768xf32>
    %dot_general3A_23 = tpu.matmul %convert_element_type3A_15, %convert_element_type3A_21, %dot_general3A_22 {dimension_numbers = #tpu.dot_dimension_numbers<[1], [0], [0], [1], [0, 0, 1, 1], [], []>, transpose_lhs_hint = false} : vector<512x128xbf16>, vector<128x768xbf16>, vector<512x768xf32> -> vector<512x768xf32>
    %get3A_24 = arith.constant 0 : index
    %get3A_25 = arith.constant 0 : index
    %get3A_26 = arith.constant 0 : index
    %get3A_27 = vector.load %arg7[%get3A_24, %get3A_25, %get3A_26] : memref<1x1x768xf32, #tpu.memory_space<vmem>>, vector<1x1x768xf32>
    %get3A_28 = vector.shape_cast %get3A_27 : vector<1x1x768xf32> to vector<1x768xf32>
    %add3A_29 = vector.broadcast %get3A_28 : vector<1x768xf32> to vector<512x768xf32>
    %add3A_30 = arith.addf %dot_general3A_23, %add3A_29 : vector<512x768xf32>
    %swap3A = arith.constant 0 : index
    %swap3A_31 = arith.constant 0 : index
    %swap3A_32 = vector.load %arg8[%swap3A, %swap3A_31] : memref<512x768xf32, #tpu.memory_space<vmem>>, vector<512x768xf32>
    tpu.vector_store %arg8[%swap3A, %swap3A_31], %add3A_30 {strides = array<i32>} : memref<512x768xf32, #tpu.memory_space<vmem>>, vector<512x768xf32>,
    %get3A_33 = arith.constant 0 : index
    %get3A_34 = arith.index_cast %arg0 : i32 to index
    %get3A_35 = memref.load %arg2[%get3A_33, %get3A_34] : memref<1x40xi32, #tpu.memory_space<smem>>
    %mul3A = arith.constant 512 : i32
    %mul3A_36 = arith.muli %arg0, %mul3A : i32
    %iota3A = tpu.iota {dimensions = array<i32: 1>} : vector<1x512xi32>
    %add3A_37 = vector.broadcast %mul3A_36 : i32 to vector<1x512xi32>
    %add3A_38 = arith.addi %add3A_37, %iota3A : vector<1x512xi32>
    %lt3A = vector.broadcast %get3A_35 : i32 to vector<1x512xi32>
    %lt3A_39 = arith.cmpi slt, %add3A_38, %lt3A : vector<1x512xi32>
    %convert_element_type3A_40 = arith.extui %lt3A_39 : vector<1x512xi1> to vector<1x512xi32>
    %convert_element_type3A_41 = arith.sitofp %convert_element_type3A_40 : vector<1x512xi32> to vector<1x512xf32>
    %sub3A = arith.subf %add3A_30, %get3A_1 : vector<512x768xf32>
    %mul3A_42 = arith.mulf %sub3A, %sub3A : vector<512x768xf32>
    %dot_general3A_43 = arith.constant dense<0.000000e+00> : vector<1x768xf32>
    %dot_general3A_44 = tpu.matmul %convert_element_type3A_41, %mul3A_42, %dot_general3A_43 {dimension_numbers = #tpu.dot_dimension_numbers<[1], [0], [0], [1], [0, 0, 1, 1], [], []>, transpose_lhs_hint = false} : vector<1x512xf32>, vector<512x768xf32>, vector<1x768xf32> -> vector<1x768xf32>
    %eq3A = arith.constant 0 : i32
    %eq3A_45 = arith.cmpi eq, %arg0, %eq3A : i32
    %convert_element_type3A_46 = arith.extui %eq3A_45 : i1 to i32
    %cond3A = arith.constant 0 : i32
    %cond3A_47 = arith.cmpi ne, %convert_element_type3A_46, %cond3A : i32
    scf.if %cond3A_47 {
      %broadcast_in_dim3A = arith.constant 0.000000e+00 : f32
      %broadcast_in_dim3A_60 = vector.broadcast %broadcast_in_dim3A : f32 to vector<1x768xf32>
      %swap3A_61 = arith.constant 0 : index
      %swap3A_62 = arith.constant 0 : index
      %swap3A_63 = vector.load %arg10[%swap3A_61, %swap3A_62] : memref<1x768xf32, #tpu.memory_space<vmem>>, vector<1x768xf32>
      tpu.vector_store %arg10[%swap3A_61, %swap3A_62], %broadcast_in_dim3A_60 {strides = array<i32>} : memref<1x768xf32, #tpu.memory_space<vmem>>, vector<1x768xf32>,
    } else {
    }
    %get3A_48 = arith.constant 0 : index
    %get3A_49 = arith.constant 0 : index
    %get3A_50 = vector.load %arg10[%get3A_48, %get3A_49] : memref<1x768xf32, #tpu.memory_space<vmem>>, vector<1x768xf32>
    %add3A_51 = arith.addf %get3A_50, %dot_general3A_44 : vector<1x768xf32>
    %swap3A_52 = arith.constant 0 : index
    %swap3A_53 = arith.constant 0 : index
    %swap3A_54 = vector.load %arg10[%swap3A_52, %swap3A_53] : memref<1x768xf32, #tpu.memory_space<vmem>>, vector<1x768xf32>
    tpu.vector_store %arg10[%swap3A_52, %swap3A_53], %add3A_51 {strides = array<i32>} : memref<1x768xf32, #tpu.memory_space<vmem>>, vector<1x768xf32>,
    %eq3A_55 = arith.constant 39 : i32
    %eq3A_56 = arith.cmpi eq, %arg0, %eq3A_55 : i32
    %convert_element_type3A_57 = arith.extui %eq3A_56 : i1 to i32
    %cond3A_58 = arith.constant 0 : i32
    %cond3A_59 = arith.cmpi ne, %convert_element_type3A_57, %cond3A_58 : i32
    scf.if %cond3A_59 {
      %get3A_60 = arith.constant 0 : index
      %get3A_61 = arith.constant 0 : index
      %get3A_62 = vector.load %arg10[%get3A_60, %get3A_61] : memref<1x768xf32, #tpu.memory_space<vmem>>, vector<1x768xf32>
      %reduce_sum3A = vector.shape_cast %get3A_62 : vector<1x768xf32> to vector<1x1x768xf32>
      %reduce_sum3A_63 = arith.constant dense<0.000000e+00> : vector<1xf32>
      %reduce_sum3A_64 = vector.multi_reduction <add>, %reduce_sum3A, %reduce_sum3A_63 [1, 2] : vector<1x1x768xf32> to vector<1xf32>
      %reduce_sum3A_65 = vector.shape_cast %reduce_sum3A_64 : vector<1xf32> to vector<1x1x1xf32>
      %reduce_sum3A_66 = vector.extract %reduce_sum3A_65[0, 0, 0] : f32 from vector<1x1x1xf32>
      %div3A = arith.constant 0x4B400000 : f32
      %div3A_67 = arith.divf %reduce_sum3A_66, %div3A : f32
      %reshape3A = vector.broadcast %div3A_67 : f32 to vector<1x1xf32>
      %swap3A_68 = arith.constant 0 : index
      %swap3A_69 = arith.constant 0 : index
      %swap3A_70 = vector.load %arg9[%swap3A_68, %swap3A_69] : memref<1x1xf32, #tpu.memory_space<vmem>>, vector<1x1xf32>
      tpu.vector_store %arg9[%swap3A_68, %swap3A_69], %reshape3A {strides = array<i32>} : memref<1x1xf32, #tpu.memory_space<vmem>>, vector<1x1xf32>,
    } else {
    }
    return
  }
  func.func @transform_0(%arg0: i32, %arg1: memref<1x40xi32, #tpu.memory_space<smem>>, %arg2: memref<1x40xi32, #tpu.memory_space<smem>>) -> (i32, i32) {
    %c0_i32 = arith.constant 0 : i32
    %c0_i32_0 = arith.constant 0 : i32
    return %arg0, %c0_i32 : i32, i32
  }
  func.func @transform_1(%arg0: i32, %arg1: memref<1x40xi32, #tpu.memory_space<smem>>, %arg2: memref<1x40xi32, #tpu.memory_space<smem>>) -> (i32, i32, i32) {
    %get3A = arith.constant 0 : index
    %get3A_0 = arith.index_cast %arg0 : i32 to index
    %get3A_1 = memref.load %arg1[%get3A, %get3A_0] : memref<1x40xi32, #tpu.memory_space<smem>>
    %c0_i32 = arith.constant 0 : i32
    %c0_i32_2 = arith.constant 0 : i32
    %c0_i32_3 = arith.constant 0 : i32
    return %get3A_1, %c0_i32, %c0_i32_2 : i32, i32, i32
  }
  func.func @transform_2(%arg0: i32, %arg1: memref<1x40xi32, #tpu.memory_space<smem>>, %arg2: memref<1x40xi32, #tpu.memory_space<smem>>) -> (i32, i32, i32) {
    %get3A = arith.constant 0 : index
    %get3A_0 = arith.index_cast %arg0 : i32 to index
    %get3A_1 = memref.load %arg1[%get3A, %get3A_0] : memref<1x40xi32, #tpu.memory_space<smem>>
    %c0_i32 = arith.constant 0 : i32
    %c0_i32_2 = arith.constant 0 : i32
    %c0_i32_3 = arith.constant 0 : i32
    return %get3A_1, %c0_i32, %c0_i32_2 : i32, i32, i32
  }
  func.func @transform_3(%arg0: i32, %arg1: memref<1x40xi32, #tpu.memory_space<smem>>, %arg2: memref<1x40xi32, #tpu.memory_space<smem>>) -> (i32, i32, i32) {
    %get3A = arith.constant 0 : index
    %get3A_0 = arith.index_cast %arg0 : i32 to index
    %get3A_1 = memref.load %arg1[%get3A, %get3A_0] : memref<1x40xi32, #tpu.memory_space<smem>>
    %c0_i32 = arith.constant 0 : i32
    %c0_i32_2 = arith.constant 0 : i32
    %c0_i32_3 = arith.constant 0 : i32
    return %get3A_1, %c0_i32, %c0_i32_2 : i32, i32, i32
  }
  func.func @transform_4(%arg0: i32, %arg1: memref<1x40xi32, #tpu.memory_space<smem>>, %arg2: memref<1x40xi32, #tpu.memory_space<smem>>) -> (i32, i32, i32) {
    %get3A = arith.constant 0 : index
    %get3A_0 = arith.index_cast %arg0 : i32 to index
    %get3A_1 = memref.load %arg1[%get3A, %get3A_0] : memref<1x40xi32, #tpu.memory_space<smem>>
    %c0_i32 = arith.constant 0 : i32
    %c0_i32_2 = arith.constant 0 : i32
    %c0_i32_3 = arith.constant 0 : i32
    return %get3A_1, %c0_i32, %c0_i32_2 : i32, i32, i32
  }
  func.func @transform_5(%arg0: i32, %arg1: memref<1x40xi32, #tpu.memory_space<smem>>, %arg2: memref<1x40xi32, #tpu.memory_space<smem>>) -> (i32, i32) {
    %c0_i32 = arith.constant 0 : i32
    %c0_i32_0 = arith.constant 0 : i32
    return %arg0, %c0_i32 : i32, i32
  }
  func.func @transform_6(%arg0: i32, %arg1: memref<1x40xi32, #tpu.memory_space<smem>>, %arg2: memref<1x40xi32, #tpu.memory_space<smem>>) -> (i32, i32) {
    %c0_i32 = arith.constant 0 : i32
    %c0_i32_0 = arith.constant 0 : i32
    %c0_i32_1 = arith.constant 0 : i32
    return %c0_i32, %c0_i32_0 : i32, i32
  }
}

module attributes {stable_mosaic.version = 14 : i64} {
  func.func @_route_body(%arg0: memref<128x128xi32, #tpu.memory_space<vmem>>, %arg1: memref<128x128xi32, #tpu.memory_space<vmem>>, %arg2: memref<1x40xi32, #tpu.memory_space<vmem>>, %arg3: memref<1x40xi32, #tpu.memory_space<vmem>>) attributes {dimension_semantics = [], scalar_prefetch = 0 : i64, scratch_operands = 0 : i64, tpu.core_type = #tpu.core_type<tc>} {
    %get3A = arith.constant 0 : index
    %get3A_0 = arith.constant 0 : index
    %get3A_1 = vector.load %arg0[%get3A, %get3A_0] : memref<128x128xi32, #tpu.memory_space<vmem>>, vector<128x128xi32>
    %iota3A = tpu.iota {dimensions = array<i32: 0>} : vector<128x128xi32>
    %iota3A_2 = tpu.iota {dimensions = array<i32: 1>} : vector<128x128xi32>
    %lt3A = arith.cmpi slt, %iota3A, %iota3A_2 : vector<128x128xi32>
    %convert_element_type3A = arith.extui %lt3A : vector<128x128xi1> to vector<128x128xi32>
    %convert_element_type3A_3 = arith.sitofp %convert_element_type3A : vector<128x128xi32> to vector<128x128xf32>
    %lt3A_4 = arith.cmpi slt, %iota3A_2, %iota3A : vector<128x128xi32>
    %convert_element_type3A_5 = arith.extui %lt3A_4 : vector<128x128xi1> to vector<128x128xi32>
    %convert_element_type3A_6 = arith.sitofp %convert_element_type3A_5 : vector<128x128xi32> to vector<128x128xf32>
    %broadcast_in_dim3A = arith.constant 0 : i32
    %broadcast_in_dim3A_7 = vector.broadcast %broadcast_in_dim3A : i32 to vector<128x128xi32>
    %eq3A = arith.constant 0 : i32
    %eq3A_8 = vector.broadcast %eq3A : i32 to vector<128x128xi32>
    %eq3A_9 = arith.cmpi eq, %get3A_1, %eq3A_8 : vector<128x128xi32>
    %convert_element_type3A_10 = arith.extui %eq3A_9 : vector<128x128xi1> to vector<128x128xi32>
    %convert_element_type3A_11 = arith.sitofp %convert_element_type3A_10 : vector<128x128xi32> to vector<128x128xf32>
    %dot_general3A = arith.constant dense<0.000000e+00> : vector<128x128xf32>
    %dot_general3A_12 = tpu.matmul %convert_element_type3A_11, %convert_element_type3A_3, %dot_general3A {dimension_numbers = #tpu.dot_dimension_numbers<[1], [0], [0], [1], [0, 0, 1, 1], [], []>, transpose_lhs_hint = false} : vector<128x128xf32>, vector<128x128xf32>, vector<128x128xf32> -> vector<128x128xf32>
    %reduce_sum3A = arith.constant dense<0.000000e+00> : vector<128xf32>
    %reduce_sum3A_13 = vector.multi_reduction <add>, %convert_element_type3A_11, %reduce_sum3A [1] : vector<128x128xf32> to vector<128xf32>
    %broadcast_in_dim3A_14 = vector.shape_cast %reduce_sum3A_13 : vector<128xf32> to vector<128x1xf32>
    %dot_general3A_15 = arith.constant dense<0.000000e+00> : vector<128x1xf32>
    %dot_general3A_16 = tpu.matmul %convert_element_type3A_6, %broadcast_in_dim3A_14, %dot_general3A_15 {dimension_numbers = #tpu.dot_dimension_numbers<[1], [0], [0], [1], [0, 0, 1, 1], [], []>, transpose_lhs_hint = false} : vector<128x128xf32>, vector<128x1xf32>, vector<128x1xf32> -> vector<128x1xf32>
    %add3A = vector.broadcast %dot_general3A_16 : vector<128x1xf32> to vector<128x128xf32>
    %add3A_17 = arith.addf %dot_general3A_12, %add3A : vector<128x128xf32>
    %convert_element_type3A_18 = arith.fptosi %add3A_17 : vector<128x128xf32> to vector<128x128xi32>
    %convert_element_type3A_19 = arith.extui %eq3A_9 : vector<128x128xi1> to vector<128x128xi32>
    %reduce_sum3A_20 = vector.shape_cast %convert_element_type3A_19 : vector<128x128xi32> to vector<1x128x128xi32>
    %reduce_sum3A_21 = arith.constant dense<0> : vector<1xi32>
    %reduce_sum3A_22 = vector.multi_reduction <add>, %reduce_sum3A_20, %reduce_sum3A_21 [1, 2] : vector<1x128x128xi32> to vector<1xi32>
    %reduce_sum3A_23 = vector.shape_cast %reduce_sum3A_22 : vector<1xi32> to vector<1x1x1xi32>
    %reduce_sum3A_24 = vector.extract %reduce_sum3A_23[0, 0, 0] : i32 from vector<1x1x1xi32>
    %add3A_25 = arith.constant 0 : i32
    %add3A_26 = vector.broadcast %add3A_25 : i32 to vector<128x128xi32>
    %add3A_27 = arith.addi %add3A_26, %convert_element_type3A_18 : vector<128x128xi32>
    %jit3A = arith.constant 0 : i32
    %broadcast_in_dim3A_28 = vector.broadcast %jit3A : i32 to vector<128x128xi32>
    %select_n3A = arith.select %eq3A_9, %add3A_27, %broadcast_in_dim3A_28 : vector<128x128xi1>, vector<128x128xi32>
    %add3A_29 = arith.addi %broadcast_in_dim3A_7, %select_n3A : vector<128x128xi32>
    %add3A_30 = arith.constant 512 : i32
    %add3A_31 = arith.addi %reduce_sum3A_24, %add3A_30 : i32
    %sub3A = arith.constant 1 : i32
    %sub3A_32 = arith.subi %add3A_31, %sub3A : i32
    %jit3A_33 = arith.constant 512 : i32
    %div3A = arith.divsi %sub3A_32, %jit3A_33 : i32
    %sign3A = arith.constant 0 : i32
    %sign3A_34 = arith.cmpi sgt, %sub3A_32, %sign3A : i32
    %sign3A_35 = arith.extui %sign3A_34 : i1 to i32
    %sign3A_36 = arith.constant 0 : i32
    %sign3A_37 = arith.cmpi slt, %sub3A_32, %sign3A_36 : i32
    %sign3A_38 = arith.extui %sign3A_37 : i1 to i32
    %sign3A_39 = arith.subi %sign3A_35, %sign3A_38 : i32
    %sign3A_40 = arith.constant 0 : i32
    %sign3A_41 = arith.cmpi sgt, %jit3A_33, %sign3A_40 : i32
    %sign3A_42 = arith.extui %sign3A_41 : i1 to i32
    %sign3A_43 = arith.constant 0 : i32
    %sign3A_44 = arith.cmpi slt, %jit3A_33, %sign3A_43 : i32
    %sign3A_45 = arith.extui %sign3A_44 : i1 to i32
    %sign3A_46 = arith.subi %sign3A_42, %sign3A_45 : i32
    %ne3A = arith.cmpi ne, %sign3A_39, %sign3A_46 : i32
    %rem3A = arith.remsi %sub3A_32, %jit3A_33 : i32
    %ne3A_47 = arith.constant 0 : i32
    %ne3A_48 = arith.cmpi ne, %rem3A, %ne3A_47 : i32
    %and3A = arith.andi %ne3A, %ne3A_48 : i1
    %sub3A_49 = arith.constant 1 : i32
    %sub3A_50 = arith.subi %div3A, %sub3A_49 : i32
    %select_n3A_51 = arith.select %and3A, %sub3A_50, %div3A : i32
    %mul3A = arith.constant 512 : i32
    %mul3A_52 = arith.muli %select_n3A_51, %mul3A : i32
    %add3A_53 = arith.constant 0 : i32
    %add3A_54 = arith.addi %add3A_53, %mul3A_52 : i32
    %eq3A_55 = arith.constant 1 : i32
    %eq3A_56 = vector.broadcast %eq3A_55 : i32 to vector<128x128xi32>
    %eq3A_57 = arith.cmpi eq, %get3A_1, %eq3A_56 : vector<128x128xi32>
    %convert_element_type3A_58 = arith.extui %eq3A_57 : vector<128x128xi1> to vector<128x128xi32>
    %convert_element_type3A_59 = arith.sitofp %convert_element_type3A_58 : vector<128x128xi32> to vector<128x128xf32>
    %dot_general3A_60 = arith.constant dense<0.000000e+00> : vector<128x128xf32>
    %dot_general3A_61 = tpu.matmul %convert_element_type3A_59, %convert_element_type3A_3, %dot_general3A_60 {dimension_numbers = #tpu.dot_dimension_numbers<[1], [0], [0], [1], [0, 0, 1, 1], [], []>, transpose_lhs_hint = false} : vector<128x128xf32>, vector<128x128xf32>, vector<128x128xf32> -> vector<128x128xf32>
    %reduce_sum3A_62 = arith.constant dense<0.000000e+00> : vector<128xf32>
    %reduce_sum3A_63 = vector.multi_reduction <add>, %convert_element_type3A_59, %reduce_sum3A_62 [1] : vector<128x128xf32> to vector<128xf32>
    %broadcast_in_dim3A_64 = vector.shape_cast %reduce_sum3A_63 : vector<128xf32> to vector<128x1xf32>
    %dot_general3A_65 = arith.constant dense<0.000000e+00> : vector<128x1xf32>
    %dot_general3A_66 = tpu.matmul %convert_element_type3A_6, %broadcast_in_dim3A_64, %dot_general3A_65 {dimension_numbers = #tpu.dot_dimension_numbers<[1], [0], [0], [1], [0, 0, 1, 1], [], []>, transpose_lhs_hint = false} : vector<128x128xf32>, vector<128x1xf32>, vector<128x1xf32> -> vector<128x1xf32>
    %add3A_67 = vector.broadcast %dot_general3A_66 : vector<128x1xf32> to vector<128x128xf32>
    %add3A_68 = arith.addf %dot_general3A_61, %add3A_67 : vector<128x128xf32>
    %convert_element_type3A_69 = arith.fptosi %add3A_68 : vector<128x128xf32> to vector<128x128xi32>
    %convert_element_type3A_70 = arith.extui %eq3A_57 : vector<128x128xi1> to vector<128x128xi32>
    %reduce_sum3A_71 = vector.shape_cast %convert_element_type3A_70 : vector<128x128xi32> to vector<1x128x128xi32>
    %reduce_sum3A_72 = arith.constant dense<0> : vector<1xi32>
    %reduce_sum3A_73 = vector.multi_reduction <add>, %reduce_sum3A_71, %reduce_sum3A_72 [1, 2] : vector<1x128x128xi32> to vector<1xi32>
    %reduce_sum3A_74 = vector.shape_cast %reduce_sum3A_73 : vector<1xi32> to vector<1x1x1xi32>
    %reduce_sum3A_75 = vector.extract %reduce_sum3A_74[0, 0, 0] : i32 from vector<1x1x1xi32>
    %add3A_76 = vector.broadcast %add3A_54 : i32 to vector<128x128xi32>
    %add3A_77 = arith.addi %add3A_76, %convert_element_type3A_69 : vector<128x128xi32>
    %jit3A_78 = arith.constant 0 : i32
    %broadcast_in_dim3A_79 = vector.broadcast %jit3A_78 : i32 to vector<128x128xi32>
    %select_n3A_80 = arith.select %eq3A_57, %add3A_77, %broadcast_in_dim3A_79 : vector<128x128xi1>, vector<128x128xi32>
    %add3A_81 = arith.addi %add3A_29, %select_n3A_80 : vector<128x128xi32>
    %add3A_82 = arith.constant 512 : i32
    %add3A_83 = arith.addi %reduce_sum3A_75, %add3A_82 : i32
    %sub3A_84 = arith.constant 1 : i32
    %sub3A_85 = arith.subi %add3A_83, %sub3A_84 : i32
    %jit3A_86 = arith.constant 512 : i32
    %div3A_87 = arith.divsi %sub3A_85, %jit3A_86 : i32
    %sign3A_88 = arith.constant 0 : i32
    %sign3A_89 = arith.cmpi sgt, %sub3A_85, %sign3A_88 : i32
    %sign3A_90 = arith.extui %sign3A_89 : i1 to i32
    %sign3A_91 = arith.constant 0 : i32
    %sign3A_92 = arith.cmpi slt, %sub3A_85, %sign3A_91 : i32
    %sign3A_93 = arith.extui %sign3A_92 : i1 to i32
    %sign3A_94 = arith.subi %sign3A_90, %sign3A_93 : i32
    %sign3A_95 = arith.constant 0 : i32
    %sign3A_96 = arith.cmpi sgt, %jit3A_86, %sign3A_95 : i32
    %sign3A_97 = arith.extui %sign3A_96 : i1 to i32
    %sign3A_98 = arith.constant 0 : i32
    %sign3A_99 = arith.cmpi slt, %jit3A_86, %sign3A_98 : i32
    %sign3A_100 = arith.extui %sign3A_99 : i1 to i32
    %sign3A_101 = arith.subi %sign3A_97, %sign3A_100 : i32
    %ne3A_102 = arith.cmpi ne, %sign3A_94, %sign3A_101 : i32
    %rem3A_103 = arith.remsi %sub3A_85, %jit3A_86 : i32
    %ne3A_104 = arith.constant 0 : i32
    %ne3A_105 = arith.cmpi ne, %rem3A_103, %ne3A_104 : i32
    %and3A_106 = arith.andi %ne3A_102, %ne3A_105 : i1
    %sub3A_107 = arith.constant 1 : i32
    %sub3A_108 = arith.subi %div3A_87, %sub3A_107 : i32
    %select_n3A_109 = arith.select %and3A_106, %sub3A_108, %div3A_87 : i32
    %mul3A_110 = arith.constant 512 : i32
    %mul3A_111 = arith.muli %select_n3A_109, %mul3A_110 : i32
    %add3A_112 = arith.addi %add3A_54, %mul3A_111 : i32
    %eq3A_113 = arith.constant 2 : i32
    %eq3A_114 = vector.broadcast %eq3A_113 : i32 to vector<128x128xi32>
    %eq3A_115 = arith.cmpi eq, %get3A_1, %eq3A_114 : vector<128x128xi32>
    %convert_element_type3A_116 = arith.extui %eq3A_115 : vector<128x128xi1> to vector<128x128xi32>
    %convert_element_type3A_117 = arith.sitofp %convert_element_type3A_116 : vector<128x128xi32> to vector<128x128xf32>
    %dot_general3A_118 = arith.constant dense<0.000000e+00> : vector<128x128xf32>
    %dot_general3A_119 = tpu.matmul %convert_element_type3A_117, %convert_element_type3A_3, %dot_general3A_118 {dimension_numbers = #tpu.dot_dimension_numbers<[1], [0], [0], [1], [0, 0, 1, 1], [], []>, transpose_lhs_hint = false} : vector<128x128xf32>, vector<128x128xf32>, vector<128x128xf32> -> vector<128x128xf32>
    %reduce_sum3A_120 = arith.constant dense<0.000000e+00> : vector<128xf32>
    %reduce_sum3A_121 = vector.multi_reduction <add>, %convert_element_type3A_117, %reduce_sum3A_120 [1] : vector<128x128xf32> to vector<128xf32>
    %broadcast_in_dim3A_122 = vector.shape_cast %reduce_sum3A_121 : vector<128xf32> to vector<128x1xf32>
    %dot_general3A_123 = arith.constant dense<0.000000e+00> : vector<128x1xf32>
    %dot_general3A_124 = tpu.matmul %convert_element_type3A_6, %broadcast_in_dim3A_122, %dot_general3A_123 {dimension_numbers = #tpu.dot_dimension_numbers<[1], [0], [0], [1], [0, 0, 1, 1], [], []>, transpose_lhs_hint = false} : vector<128x128xf32>, vector<128x1xf32>, vector<128x1xf32> -> vector<128x1xf32>
    %add3A_125 = vector.broadcast %dot_general3A_124 : vector<128x1xf32> to vector<128x128xf32>
    %add3A_126 = arith.addf %dot_general3A_119, %add3A_125 : vector<128x128xf32>
    %convert_element_type3A_127 = arith.fptosi %add3A_126 : vector<128x128xf32> to vector<128x128xi32>
    %convert_element_type3A_128 = arith.extui %eq3A_115 : vector<128x128xi1> to vector<128x128xi32>
    %reduce_sum3A_129 = vector.shape_cast %convert_element_type3A_128 : vector<128x128xi32> to vector<1x128x128xi32>
    %reduce_sum3A_130 = arith.constant dense<0> : vector<1xi32>
    %reduce_sum3A_131 = vector.multi_reduction <add>, %reduce_sum3A_129, %reduce_sum3A_130 [1, 2] : vector<1x128x128xi32> to vector<1xi32>
    %reduce_sum3A_132 = vector.shape_cast %reduce_sum3A_131 : vector<1xi32> to vector<1x1x1xi32>
    %reduce_sum3A_133 = vector.extract %reduce_sum3A_132[0, 0, 0] : i32 from vector<1x1x1xi32>
    %add3A_134 = vector.broadcast %add3A_112 : i32 to vector<128x128xi32>
    %add3A_135 = arith.addi %add3A_134, %convert_element_type3A_127 : vector<128x128xi32>
    %jit3A_136 = arith.constant 0 : i32
    %broadcast_in_dim3A_137 = vector.broadcast %jit3A_136 : i32 to vector<128x128xi32>
    %select_n3A_138 = arith.select %eq3A_115, %add3A_135, %broadcast_in_dim3A_137 : vector<128x128xi1>, vector<128x128xi32>
    %add3A_139 = arith.addi %add3A_81, %select_n3A_138 : vector<128x128xi32>
    %add3A_140 = arith.constant 512 : i32
    %add3A_141 = arith.addi %reduce_sum3A_133, %add3A_140 : i32
    %sub3A_142 = arith.constant 1 : i32
    %sub3A_143 = arith.subi %add3A_141, %sub3A_142 : i32
    %jit3A_144 = arith.constant 512 : i32
    %div3A_145 = arith.divsi %sub3A_143, %jit3A_144 : i32
    %sign3A_146 = arith.constant 0 : i32
    %sign3A_147 = arith.cmpi sgt, %sub3A_143, %sign3A_146 : i32
    %sign3A_148 = arith.extui %sign3A_147 : i1 to i32
    %sign3A_149 = arith.constant 0 : i32
    %sign3A_150 = arith.cmpi slt, %sub3A_143, %sign3A_149 : i32
    %sign3A_151 = arith.extui %sign3A_150 : i1 to i32
    %sign3A_152 = arith.subi %sign3A_148, %sign3A_151 : i32
    %sign3A_153 = arith.constant 0 : i32
    %sign3A_154 = arith.cmpi sgt, %jit3A_144, %sign3A_153 : i32
    %sign3A_155 = arith.extui %sign3A_154 : i1 to i32
    %sign3A_156 = arith.constant 0 : i32
    %sign3A_157 = arith.cmpi slt, %jit3A_144, %sign3A_156 : i32
    %sign3A_158 = arith.extui %sign3A_157 : i1 to i32
    %sign3A_159 = arith.subi %sign3A_155, %sign3A_158 : i32
    %ne3A_160 = arith.cmpi ne, %sign3A_152, %sign3A_159 : i32
    %rem3A_161 = arith.remsi %sub3A_143, %jit3A_144 : i32
    %ne3A_162 = arith.constant 0 : i32
    %ne3A_163 = arith.cmpi ne, %rem3A_161, %ne3A_162 : i32
    %and3A_164 = arith.andi %ne3A_160, %ne3A_163 : i1
    %sub3A_165 = arith.constant 1 : i32
    %sub3A_166 = arith.subi %div3A_145, %sub3A_165 : i32
    %select_n3A_167 = arith.select %and3A_164, %sub3A_166, %div3A_145 : i32
    %mul3A_168 = arith.constant 512 : i32
    %mul3A_169 = arith.muli %select_n3A_167, %mul3A_168 : i32
    %add3A_170 = arith.addi %add3A_112, %mul3A_169 : i32
    %eq3A_171 = arith.constant 3 : i32
    %eq3A_172 = vector.broadcast %eq3A_171 : i32 to vector<128x128xi32>
    %eq3A_173 = arith.cmpi eq, %get3A_1, %eq3A_172 : vector<128x128xi32>
    %convert_element_type3A_174 = arith.extui %eq3A_173 : vector<128x128xi1> to vector<128x128xi32>
    %convert_element_type3A_175 = arith.sitofp %convert_element_type3A_174 : vector<128x128xi32> to vector<128x128xf32>
    %dot_general3A_176 = arith.constant dense<0.000000e+00> : vector<128x128xf32>
    %dot_general3A_177 = tpu.matmul %convert_element_type3A_175, %convert_element_type3A_3, %dot_general3A_176 {dimension_numbers = #tpu.dot_dimension_numbers<[1], [0], [0], [1], [0, 0, 1, 1], [], []>, transpose_lhs_hint = false} : vector<128x128xf32>, vector<128x128xf32>, vector<128x128xf32> -> vector<128x128xf32>
    %reduce_sum3A_178 = arith.constant dense<0.000000e+00> : vector<128xf32>
    %reduce_sum3A_179 = vector.multi_reduction <add>, %convert_element_type3A_175, %reduce_sum3A_178 [1] : vector<128x128xf32> to vector<128xf32>
    %broadcast_in_dim3A_180 = vector.shape_cast %reduce_sum3A_179 : vector<128xf32> to vector<128x1xf32>
    %dot_general3A_181 = arith.constant dense<0.000000e+00> : vector<128x1xf32>
    %dot_general3A_182 = tpu.matmul %convert_element_type3A_6, %broadcast_in_dim3A_180, %dot_general3A_181 {dimension_numbers = #tpu.dot_dimension_numbers<[1], [0], [0], [1], [0, 0, 1, 1], [], []>, transpose_lhs_hint = false} : vector<128x128xf32>, vector<128x1xf32>, vector<128x1xf32> -> vector<128x1xf32>
    %add3A_183 = vector.broadcast %dot_general3A_182 : vector<128x1xf32> to vector<128x128xf32>
    %add3A_184 = arith.addf %dot_general3A_177, %add3A_183 : vector<128x128xf32>
    %convert_element_type3A_185 = arith.fptosi %add3A_184 : vector<128x128xf32> to vector<128x128xi32>
    %convert_element_type3A_186 = arith.extui %eq3A_173 : vector<128x128xi1> to vector<128x128xi32>
    %reduce_sum3A_187 = vector.shape_cast %convert_element_type3A_186 : vector<128x128xi32> to vector<1x128x128xi32>
    %reduce_sum3A_188 = arith.constant dense<0> : vector<1xi32>
    %reduce_sum3A_189 = vector.multi_reduction <add>, %reduce_sum3A_187, %reduce_sum3A_188 [1, 2] : vector<1x128x128xi32> to vector<1xi32>
    %reduce_sum3A_190 = vector.shape_cast %reduce_sum3A_189 : vector<1xi32> to vector<1x1x1xi32>
    %reduce_sum3A_191 = vector.extract %reduce_sum3A_190[0, 0, 0] : i32 from vector<1x1x1xi32>
    %add3A_192 = vector.broadcast %add3A_170 : i32 to vector<128x128xi32>
    %add3A_193 = arith.addi %add3A_192, %convert_element_type3A_185 : vector<128x128xi32>
    %jit3A_194 = arith.constant 0 : i32
    %broadcast_in_dim3A_195 = vector.broadcast %jit3A_194 : i32 to vector<128x128xi32>
    %select_n3A_196 = arith.select %eq3A_173, %add3A_193, %broadcast_in_dim3A_195 : vector<128x128xi1>, vector<128x128xi32>
    %add3A_197 = arith.addi %add3A_139, %select_n3A_196 : vector<128x128xi32>
    %add3A_198 = arith.constant 512 : i32
    %add3A_199 = arith.addi %reduce_sum3A_191, %add3A_198 : i32
    %sub3A_200 = arith.constant 1 : i32
    %sub3A_201 = arith.subi %add3A_199, %sub3A_200 : i32
    %jit3A_202 = arith.constant 512 : i32
    %div3A_203 = arith.divsi %sub3A_201, %jit3A_202 : i32
    %sign3A_204 = arith.constant 0 : i32
    %sign3A_205 = arith.cmpi sgt, %sub3A_201, %sign3A_204 : i32
    %sign3A_206 = arith.extui %sign3A_205 : i1 to i32
    %sign3A_207 = arith.constant 0 : i32
    %sign3A_208 = arith.cmpi slt, %sub3A_201, %sign3A_207 : i32
    %sign3A_209 = arith.extui %sign3A_208 : i1 to i32
    %sign3A_210 = arith.subi %sign3A_206, %sign3A_209 : i32
    %sign3A_211 = arith.constant 0 : i32
    %sign3A_212 = arith.cmpi sgt, %jit3A_202, %sign3A_211 : i32
    %sign3A_213 = arith.extui %sign3A_212 : i1 to i32
    %sign3A_214 = arith.constant 0 : i32
    %sign3A_215 = arith.cmpi slt, %jit3A_202, %sign3A_214 : i32
    %sign3A_216 = arith.extui %sign3A_215 : i1 to i32
    %sign3A_217 = arith.subi %sign3A_213, %sign3A_216 : i32
    %ne3A_218 = arith.cmpi ne, %sign3A_210, %sign3A_217 : i32
    %rem3A_219 = arith.remsi %sub3A_201, %jit3A_202 : i32
    %ne3A_220 = arith.constant 0 : i32
    %ne3A_221 = arith.cmpi ne, %rem3A_219, %ne3A_220 : i32
    %and3A_222 = arith.andi %ne3A_218, %ne3A_221 : i1
    %sub3A_223 = arith.constant 1 : i32
    %sub3A_224 = arith.subi %div3A_203, %sub3A_223 : i32
    %select_n3A_225 = arith.select %and3A_222, %sub3A_224, %div3A_203 : i32
    %mul3A_226 = arith.constant 512 : i32
    %mul3A_227 = arith.muli %select_n3A_225, %mul3A_226 : i32
    %add3A_228 = arith.addi %add3A_170, %mul3A_227 : i32
    %eq3A_229 = arith.constant 4 : i32
    %eq3A_230 = vector.broadcast %eq3A_229 : i32 to vector<128x128xi32>
    %eq3A_231 = arith.cmpi eq, %get3A_1, %eq3A_230 : vector<128x128xi32>
    %convert_element_type3A_232 = arith.extui %eq3A_231 : vector<128x128xi1> to vector<128x128xi32>
    %convert_element_type3A_233 = arith.sitofp %convert_element_type3A_232 : vector<128x128xi32> to vector<128x128xf32>
    %dot_general3A_234 = arith.constant dense<0.000000e+00> : vector<128x128xf32>
    %dot_general3A_235 = tpu.matmul %convert_element_type3A_233, %convert_element_type3A_3, %dot_general3A_234 {dimension_numbers = #tpu.dot_dimension_numbers<[1], [0], [0], [1], [0, 0, 1, 1], [], []>, transpose_lhs_hint = false} : vector<128x128xf32>, vector<128x128xf32>, vector<128x128xf32> -> vector<128x128xf32>
    %reduce_sum3A_236 = arith.constant dense<0.000000e+00> : vector<128xf32>
    %reduce_sum3A_237 = vector.multi_reduction <add>, %convert_element_type3A_233, %reduce_sum3A_236 [1] : vector<128x128xf32> to vector<128xf32>
    %broadcast_in_dim3A_238 = vector.shape_cast %reduce_sum3A_237 : vector<128xf32> to vector<128x1xf32>
    %dot_general3A_239 = arith.constant dense<0.000000e+00> : vector<128x1xf32>
    %dot_general3A_240 = tpu.matmul %convert_element_type3A_6, %broadcast_in_dim3A_238, %dot_general3A_239 {dimension_numbers = #tpu.dot_dimension_numbers<[1], [0], [0], [1], [0, 0, 1, 1], [], []>, transpose_lhs_hint = false} : vector<128x128xf32>, vector<128x1xf32>, vector<128x1xf32> -> vector<128x1xf32>
    %add3A_241 = vector.broadcast %dot_general3A_240 : vector<128x1xf32> to vector<128x128xf32>
    %add3A_242 = arith.addf %dot_general3A_235, %add3A_241 : vector<128x128xf32>
    %convert_element_type3A_243 = arith.fptosi %add3A_242 : vector<128x128xf32> to vector<128x128xi32>
    %convert_element_type3A_244 = arith.extui %eq3A_231 : vector<128x128xi1> to vector<128x128xi32>
    %reduce_sum3A_245 = vector.shape_cast %convert_element_type3A_244 : vector<128x128xi32> to vector<1x128x128xi32>
    %reduce_sum3A_246 = arith.constant dense<0> : vector<1xi32>
    %reduce_sum3A_247 = vector.multi_reduction <add>, %reduce_sum3A_245, %reduce_sum3A_246 [1, 2] : vector<1x128x128xi32> to vector<1xi32>
    %reduce_sum3A_248 = vector.shape_cast %reduce_sum3A_247 : vector<1xi32> to vector<1x1x1xi32>
    %reduce_sum3A_249 = vector.extract %reduce_sum3A_248[0, 0, 0] : i32 from vector<1x1x1xi32>
    %add3A_250 = vector.broadcast %add3A_228 : i32 to vector<128x128xi32>
    %add3A_251 = arith.addi %add3A_250, %convert_element_type3A_243 : vector<128x128xi32>
    %jit3A_252 = arith.constant 0 : i32
    %broadcast_in_dim3A_253 = vector.broadcast %jit3A_252 : i32 to vector<128x128xi32>
    %select_n3A_254 = arith.select %eq3A_231, %add3A_251, %broadcast_in_dim3A_253 : vector<128x128xi1>, vector<128x128xi32>
    %add3A_255 = arith.addi %add3A_197, %select_n3A_254 : vector<128x128xi32>
    %add3A_256 = arith.constant 512 : i32
    %add3A_257 = arith.addi %reduce_sum3A_249, %add3A_256 : i32
    %sub3A_258 = arith.constant 1 : i32
    %sub3A_259 = arith.subi %add3A_257, %sub3A_258 : i32
    %jit3A_260 = arith.constant 512 : i32
    %div3A_261 = arith.divsi %sub3A_259, %jit3A_260 : i32
    %sign3A_262 = arith.constant 0 : i32
    %sign3A_263 = arith.cmpi sgt, %sub3A_259, %sign3A_262 : i32
    %sign3A_264 = arith.extui %sign3A_263 : i1 to i32
    %sign3A_265 = arith.constant 0 : i32
    %sign3A_266 = arith.cmpi slt, %sub3A_259, %sign3A_265 : i32
    %sign3A_267 = arith.extui %sign3A_266 : i1 to i32
    %sign3A_268 = arith.subi %sign3A_264, %sign3A_267 : i32
    %sign3A_269 = arith.constant 0 : i32
    %sign3A_270 = arith.cmpi sgt, %jit3A_260, %sign3A_269 : i32
    %sign3A_271 = arith.extui %sign3A_270 : i1 to i32
    %sign3A_272 = arith.constant 0 : i32
    %sign3A_273 = arith.cmpi slt, %jit3A_260, %sign3A_272 : i32
    %sign3A_274 = arith.extui %sign3A_273 : i1 to i32
    %sign3A_275 = arith.subi %sign3A_271, %sign3A_274 : i32
    %ne3A_276 = arith.cmpi ne, %sign3A_268, %sign3A_275 : i32
    %rem3A_277 = arith.remsi %sub3A_259, %jit3A_260 : i32
    %ne3A_278 = arith.constant 0 : i32
    %ne3A_279 = arith.cmpi ne, %rem3A_277, %ne3A_278 : i32
    %and3A_280 = arith.andi %ne3A_276, %ne3A_279 : i1
    %sub3A_281 = arith.constant 1 : i32
    %sub3A_282 = arith.subi %div3A_261, %sub3A_281 : i32
    %select_n3A_283 = arith.select %and3A_280, %sub3A_282, %div3A_261 : i32
    %mul3A_284 = arith.constant 512 : i32
    %mul3A_285 = arith.muli %select_n3A_283, %mul3A_284 : i32
    %add3A_286 = arith.addi %add3A_228, %mul3A_285 : i32
    %eq3A_287 = arith.constant 5 : i32
    %eq3A_288 = vector.broadcast %eq3A_287 : i32 to vector<128x128xi32>
    %eq3A_289 = arith.cmpi eq, %get3A_1, %eq3A_288 : vector<128x128xi32>
    %convert_element_type3A_290 = arith.extui %eq3A_289 : vector<128x128xi1> to vector<128x128xi32>
    %convert_element_type3A_291 = arith.sitofp %convert_element_type3A_290 : vector<128x128xi32> to vector<128x128xf32>
    %dot_general3A_292 = arith.constant dense<0.000000e+00> : vector<128x128xf32>
    %dot_general3A_293 = tpu.matmul %convert_element_type3A_291, %convert_element_type3A_3, %dot_general3A_292 {dimension_numbers = #tpu.dot_dimension_numbers<[1], [0], [0], [1], [0, 0, 1, 1], [], []>, transpose_lhs_hint = false} : vector<128x128xf32>, vector<128x128xf32>, vector<128x128xf32> -> vector<128x128xf32>
    %reduce_sum3A_294 = arith.constant dense<0.000000e+00> : vector<128xf32>
    %reduce_sum3A_295 = vector.multi_reduction <add>, %convert_element_type3A_291, %reduce_sum3A_294 [1] : vector<128x128xf32> to vector<128xf32>
    %broadcast_in_dim3A_296 = vector.shape_cast %reduce_sum3A_295 : vector<128xf32> to vector<128x1xf32>
    %dot_general3A_297 = arith.constant dense<0.000000e+00> : vector<128x1xf32>
    %dot_general3A_298 = tpu.matmul %convert_element_type3A_6, %broadcast_in_dim3A_296, %dot_general3A_297 {dimension_numbers = #tpu.dot_dimension_numbers<[1], [0], [0], [1], [0, 0, 1, 1], [], []>, transpose_lhs_hint = false} : vector<128x128xf32>, vector<128x1xf32>, vector<128x1xf32> -> vector<128x1xf32>
    %add3A_299 = vector.broadcast %dot_general3A_298 : vector<128x1xf32> to vector<128x128xf32>
    %add3A_300 = arith.addf %dot_general3A_293, %add3A_299 : vector<128x128xf32>
    %convert_element_type3A_301 = arith.fptosi %add3A_300 : vector<128x128xf32> to vector<128x128xi32>
    %convert_element_type3A_302 = arith.extui %eq3A_289 : vector<128x128xi1> to vector<128x128xi32>
    %reduce_sum3A_303 = vector.shape_cast %convert_element_type3A_302 : vector<128x128xi32> to vector<1x128x128xi32>
    %reduce_sum3A_304 = arith.constant dense<0> : vector<1xi32>
    %reduce_sum3A_305 = vector.multi_reduction <add>, %reduce_sum3A_303, %reduce_sum3A_304 [1, 2] : vector<1x128x128xi32> to vector<1xi32>
    %reduce_sum3A_306 = vector.shape_cast %reduce_sum3A_305 : vector<1xi32> to vector<1x1x1xi32>
    %reduce_sum3A_307 = vector.extract %reduce_sum3A_306[0, 0, 0] : i32 from vector<1x1x1xi32>
    %add3A_308 = vector.broadcast %add3A_286 : i32 to vector<128x128xi32>
    %add3A_309 = arith.addi %add3A_308, %convert_element_type3A_301 : vector<128x128xi32>
    %jit3A_310 = arith.constant 0 : i32
    %broadcast_in_dim3A_311 = vector.broadcast %jit3A_310 : i32 to vector<128x128xi32>
    %select_n3A_312 = arith.select %eq3A_289, %add3A_309, %broadcast_in_dim3A_311 : vector<128x128xi1>, vector<128x128xi32>
    %add3A_313 = arith.addi %add3A_255, %select_n3A_312 : vector<128x128xi32>
    %add3A_314 = arith.constant 512 : i32
    %add3A_315 = arith.addi %reduce_sum3A_307, %add3A_314 : i32
    %sub3A_316 = arith.constant 1 : i32
    %sub3A_317 = arith.subi %add3A_315, %sub3A_316 : i32
    %jit3A_318 = arith.constant 512 : i32
    %div3A_319 = arith.divsi %sub3A_317, %jit3A_318 : i32
    %sign3A_320 = arith.constant 0 : i32
    %sign3A_321 = arith.cmpi sgt, %sub3A_317, %sign3A_320 : i32
    %sign3A_322 = arith.extui %sign3A_321 : i1 to i32
    %sign3A_323 = arith.constant 0 : i32
    %sign3A_324 = arith.cmpi slt, %sub3A_317, %sign3A_323 : i32
    %sign3A_325 = arith.extui %sign3A_324 : i1 to i32
    %sign3A_326 = arith.subi %sign3A_322, %sign3A_325 : i32
    %sign3A_327 = arith.constant 0 : i32
    %sign3A_328 = arith.cmpi sgt, %jit3A_318, %sign3A_327 : i32
    %sign3A_329 = arith.extui %sign3A_328 : i1 to i32
    %sign3A_330 = arith.constant 0 : i32
    %sign3A_331 = arith.cmpi slt, %jit3A_318, %sign3A_330 : i32
    %sign3A_332 = arith.extui %sign3A_331 : i1 to i32
    %sign3A_333 = arith.subi %sign3A_329, %sign3A_332 : i32
    %ne3A_334 = arith.cmpi ne, %sign3A_326, %sign3A_333 : i32
    %rem3A_335 = arith.remsi %sub3A_317, %jit3A_318 : i32
    %ne3A_336 = arith.constant 0 : i32
    %ne3A_337 = arith.cmpi ne, %rem3A_335, %ne3A_336 : i32
    %and3A_338 = arith.andi %ne3A_334, %ne3A_337 : i1
    %sub3A_339 = arith.constant 1 : i32
    %sub3A_340 = arith.subi %div3A_319, %sub3A_339 : i32
    %select_n3A_341 = arith.select %and3A_338, %sub3A_340, %div3A_319 : i32
    %mul3A_342 = arith.constant 512 : i32
    %mul3A_343 = arith.muli %select_n3A_341, %mul3A_342 : i32
    %add3A_344 = arith.addi %add3A_286, %mul3A_343 : i32
    %eq3A_345 = arith.constant 6 : i32
    %eq3A_346 = vector.broadcast %eq3A_345 : i32 to vector<128x128xi32>
    %eq3A_347 = arith.cmpi eq, %get3A_1, %eq3A_346 : vector<128x128xi32>
    %convert_element_type3A_348 = arith.extui %eq3A_347 : vector<128x128xi1> to vector<128x128xi32>
    %convert_element_type3A_349 = arith.sitofp %convert_element_type3A_348 : vector<128x128xi32> to vector<128x128xf32>
    %dot_general3A_350 = arith.constant dense<0.000000e+00> : vector<128x128xf32>
    %dot_general3A_351 = tpu.matmul %convert_element_type3A_349, %convert_element_type3A_3, %dot_general3A_350 {dimension_numbers = #tpu.dot_dimension_numbers<[1], [0], [0], [1], [0, 0, 1, 1], [], []>, transpose_lhs_hint = false} : vector<128x128xf32>, vector<128x128xf32>, vector<128x128xf32> -> vector<128x128xf32>
    %reduce_sum3A_352 = arith.constant dense<0.000000e+00> : vector<128xf32>
    %reduce_sum3A_353 = vector.multi_reduction <add>, %convert_element_type3A_349, %reduce_sum3A_352 [1] : vector<128x128xf32> to vector<128xf32>
    %broadcast_in_dim3A_354 = vector.shape_cast %reduce_sum3A_353 : vector<128xf32> to vector<128x1xf32>
    %dot_general3A_355 = arith.constant dense<0.000000e+00> : vector<128x1xf32>
    %dot_general3A_356 = tpu.matmul %convert_element_type3A_6, %broadcast_in_dim3A_354, %dot_general3A_355 {dimension_numbers = #tpu.dot_dimension_numbers<[1], [0], [0], [1], [0, 0, 1, 1], [], []>, transpose_lhs_hint = false} : vector<128x128xf32>, vector<128x1xf32>, vector<128x1xf32> -> vector<128x1xf32>
    %add3A_357 = vector.broadcast %dot_general3A_356 : vector<128x1xf32> to vector<128x128xf32>
    %add3A_358 = arith.addf %dot_general3A_351, %add3A_357 : vector<128x128xf32>
    %convert_element_type3A_359 = arith.fptosi %add3A_358 : vector<128x128xf32> to vector<128x128xi32>
    %convert_element_type3A_360 = arith.extui %eq3A_347 : vector<128x128xi1> to vector<128x128xi32>
    %reduce_sum3A_361 = vector.shape_cast %convert_element_type3A_360 : vector<128x128xi32> to vector<1x128x128xi32>
    %reduce_sum3A_362 = arith.constant dense<0> : vector<1xi32>
    %reduce_sum3A_363 = vector.multi_reduction <add>, %reduce_sum3A_361, %reduce_sum3A_362 [1, 2] : vector<1x128x128xi32> to vector<1xi32>
    %reduce_sum3A_364 = vector.shape_cast %reduce_sum3A_363 : vector<1xi32> to vector<1x1x1xi32>
    %reduce_sum3A_365 = vector.extract %reduce_sum3A_364[0, 0, 0] : i32 from vector<1x1x1xi32>
    %add3A_366 = vector.broadcast %add3A_344 : i32 to vector<128x128xi32>
    %add3A_367 = arith.addi %add3A_366, %convert_element_type3A_359 : vector<128x128xi32>
    %jit3A_368 = arith.constant 0 : i32
    %broadcast_in_dim3A_369 = vector.broadcast %jit3A_368 : i32 to vector<128x128xi32>
    %select_n3A_370 = arith.select %eq3A_347, %add3A_367, %broadcast_in_dim3A_369 : vector<128x128xi1>, vector<128x128xi32>
    %add3A_371 = arith.addi %add3A_313, %select_n3A_370 : vector<128x128xi32>
    %add3A_372 = arith.constant 512 : i32
    %add3A_373 = arith.addi %reduce_sum3A_365, %add3A_372 : i32
    %sub3A_374 = arith.constant 1 : i32
    %sub3A_375 = arith.subi %add3A_373, %sub3A_374 : i32
    %jit3A_376 = arith.constant 512 : i32
    %div3A_377 = arith.divsi %sub3A_375, %jit3A_376 : i32
    %sign3A_378 = arith.constant 0 : i32
    %sign3A_379 = arith.cmpi sgt, %sub3A_375, %sign3A_378 : i32
    %sign3A_380 = arith.extui %sign3A_379 : i1 to i32
    %sign3A_381 = arith.constant 0 : i32
    %sign3A_382 = arith.cmpi slt, %sub3A_375, %sign3A_381 : i32
    %sign3A_383 = arith.extui %sign3A_382 : i1 to i32
    %sign3A_384 = arith.subi %sign3A_380, %sign3A_383 : i32
    %sign3A_385 = arith.constant 0 : i32
    %sign3A_386 = arith.cmpi sgt, %jit3A_376, %sign3A_385 : i32
    %sign3A_387 = arith.extui %sign3A_386 : i1 to i32
    %sign3A_388 = arith.constant 0 : i32
    %sign3A_389 = arith.cmpi slt, %jit3A_376, %sign3A_388 : i32
    %sign3A_390 = arith.extui %sign3A_389 : i1 to i32
    %sign3A_391 = arith.subi %sign3A_387, %sign3A_390 : i32
    %ne3A_392 = arith.cmpi ne, %sign3A_384, %sign3A_391 : i32
    %rem3A_393 = arith.remsi %sub3A_375, %jit3A_376 : i32
    %ne3A_394 = arith.constant 0 : i32
    %ne3A_395 = arith.cmpi ne, %rem3A_393, %ne3A_394 : i32
    %and3A_396 = arith.andi %ne3A_392, %ne3A_395 : i1
    %sub3A_397 = arith.constant 1 : i32
    %sub3A_398 = arith.subi %div3A_377, %sub3A_397 : i32
    %select_n3A_399 = arith.select %and3A_396, %sub3A_398, %div3A_377 : i32
    %mul3A_400 = arith.constant 512 : i32
    %mul3A_401 = arith.muli %select_n3A_399, %mul3A_400 : i32
    %add3A_402 = arith.addi %add3A_344, %mul3A_401 : i32
    %eq3A_403 = arith.constant 7 : i32
    %eq3A_404 = vector.broadcast %eq3A_403 : i32 to vector<128x128xi32>
    %eq3A_405 = arith.cmpi eq, %get3A_1, %eq3A_404 : vector<128x128xi32>
    %convert_element_type3A_406 = arith.extui %eq3A_405 : vector<128x128xi1> to vector<128x128xi32>
    %convert_element_type3A_407 = arith.sitofp %convert_element_type3A_406 : vector<128x128xi32> to vector<128x128xf32>
    %dot_general3A_408 = arith.constant dense<0.000000e+00> : vector<128x128xf32>
    %dot_general3A_409 = tpu.matmul %convert_element_type3A_407, %convert_element_type3A_3, %dot_general3A_408 {dimension_numbers = #tpu.dot_dimension_numbers<[1], [0], [0], [1], [0, 0, 1, 1], [], []>, transpose_lhs_hint = false} : vector<128x128xf32>, vector<128x128xf32>, vector<128x128xf32> -> vector<128x128xf32>
    %reduce_sum3A_410 = arith.constant dense<0.000000e+00> : vector<128xf32>
    %reduce_sum3A_411 = vector.multi_reduction <add>, %convert_element_type3A_407, %reduce_sum3A_410 [1] : vector<128x128xf32> to vector<128xf32>
    %broadcast_in_dim3A_412 = vector.shape_cast %reduce_sum3A_411 : vector<128xf32> to vector<128x1xf32>
    %dot_general3A_413 = arith.constant dense<0.000000e+00> : vector<128x1xf32>
    %dot_general3A_414 = tpu.matmul %convert_element_type3A_6, %broadcast_in_dim3A_412, %dot_general3A_413 {dimension_numbers = #tpu.dot_dimension_numbers<[1], [0], [0], [1], [0, 0, 1, 1], [], []>, transpose_lhs_hint = false} : vector<128x128xf32>, vector<128x1xf32>, vector<128x1xf32> -> vector<128x1xf32>
    %add3A_415 = vector.broadcast %dot_general3A_414 : vector<128x1xf32> to vector<128x128xf32>
    %add3A_416 = arith.addf %dot_general3A_409, %add3A_415 : vector<128x128xf32>
    %convert_element_type3A_417 = arith.fptosi %add3A_416 : vector<128x128xf32> to vector<128x128xi32>
    %convert_element_type3A_418 = arith.extui %eq3A_405 : vector<128x128xi1> to vector<128x128xi32>
    %reduce_sum3A_419 = vector.shape_cast %convert_element_type3A_418 : vector<128x128xi32> to vector<1x128x128xi32>
    %reduce_sum3A_420 = arith.constant dense<0> : vector<1xi32>
    %reduce_sum3A_421 = vector.multi_reduction <add>, %reduce_sum3A_419, %reduce_sum3A_420 [1, 2] : vector<1x128x128xi32> to vector<1xi32>
    %reduce_sum3A_422 = vector.shape_cast %reduce_sum3A_421 : vector<1xi32> to vector<1x1x1xi32>
    %reduce_sum3A_423 = vector.extract %reduce_sum3A_422[0, 0, 0] : i32 from vector<1x1x1xi32>
    %add3A_424 = vector.broadcast %add3A_402 : i32 to vector<128x128xi32>
    %add3A_425 = arith.addi %add3A_424, %convert_element_type3A_417 : vector<128x128xi32>
    %jit3A_426 = arith.constant 0 : i32
    %broadcast_in_dim3A_427 = vector.broadcast %jit3A_426 : i32 to vector<128x128xi32>
    %select_n3A_428 = arith.select %eq3A_405, %add3A_425, %broadcast_in_dim3A_427 : vector<128x128xi1>, vector<128x128xi32>
    %add3A_429 = arith.addi %add3A_371, %select_n3A_428 : vector<128x128xi32>
    %add3A_430 = arith.constant 512 : i32
    %add3A_431 = arith.addi %reduce_sum3A_423, %add3A_430 : i32
    %sub3A_432 = arith.constant 1 : i32
    %sub3A_433 = arith.subi %add3A_431, %sub3A_432 : i32
    %jit3A_434 = arith.constant 512 : i32
    %div3A_435 = arith.divsi %sub3A_433, %jit3A_434 : i32
    %sign3A_436 = arith.constant 0 : i32
    %sign3A_437 = arith.cmpi sgt, %sub3A_433, %sign3A_436 : i32
    %sign3A_438 = arith.extui %sign3A_437 : i1 to i32
    %sign3A_439 = arith.constant 0 : i32
    %sign3A_440 = arith.cmpi slt, %sub3A_433, %sign3A_439 : i32
    %sign3A_441 = arith.extui %sign3A_440 : i1 to i32
    %sign3A_442 = arith.subi %sign3A_438, %sign3A_441 : i32
    %sign3A_443 = arith.constant 0 : i32
    %sign3A_444 = arith.cmpi sgt, %jit3A_434, %sign3A_443 : i32
    %sign3A_445 = arith.extui %sign3A_444 : i1 to i32
    %sign3A_446 = arith.constant 0 : i32
    %sign3A_447 = arith.cmpi slt, %jit3A_434, %sign3A_446 : i32
    %sign3A_448 = arith.extui %sign3A_447 : i1 to i32
    %sign3A_449 = arith.subi %sign3A_445, %sign3A_448 : i32
    %ne3A_450 = arith.cmpi ne, %sign3A_442, %sign3A_449 : i32
    %rem3A_451 = arith.remsi %sub3A_433, %jit3A_434 : i32
    %ne3A_452 = arith.constant 0 : i32
    %ne3A_453 = arith.cmpi ne, %rem3A_451, %ne3A_452 : i32
    %and3A_454 = arith.andi %ne3A_450, %ne3A_453 : i1
    %sub3A_455 = arith.constant 1 : i32
    %sub3A_456 = arith.subi %div3A_435, %sub3A_455 : i32
    %select_n3A_457 = arith.select %and3A_454, %sub3A_456, %div3A_435 : i32
    %mul3A_458 = arith.constant 512 : i32
    %mul3A_459 = arith.muli %select_n3A_457, %mul3A_458 : i32
    %add3A_460 = arith.addi %add3A_402, %mul3A_459 : i32
    %swap3A = arith.constant 0 : index
    %swap3A_461 = arith.constant 0 : index
    %swap3A_462 = vector.load %arg1[%swap3A, %swap3A_461] : memref<128x128xi32, #tpu.memory_space<vmem>>, vector<128x128xi32>
    tpu.vector_store %arg1[%swap3A, %swap3A_461], %add3A_429 {strides = array<i32>} : memref<128x128xi32, #tpu.memory_space<vmem>>, vector<128x128xi32>,
    %iota3A_463 = tpu.iota {dimensions = array<i32: 1>} : vector<1x40xi32>
    %mul3A_464 = arith.constant 512 : i32
    %mul3A_465 = vector.broadcast %mul3A_464 : i32 to vector<1x40xi32>
    %mul3A_466 = arith.muli %iota3A_463, %mul3A_465 : vector<1x40xi32>
    %broadcast_in_dim3A_467 = arith.constant 0 : i32
    %broadcast_in_dim3A_468 = vector.broadcast %broadcast_in_dim3A_467 : i32 to vector<1x40xi32>
    %broadcast_in_dim3A_469 = arith.constant 0 : i32
    %broadcast_in_dim3A_470 = vector.broadcast %broadcast_in_dim3A_469 : i32 to vector<1x40xi32>
    %ge3A = arith.constant 0 : i32
    %ge3A_471 = vector.broadcast %ge3A : i32 to vector<1x40xi32>
    %ge3A_472 = arith.cmpi sge, %mul3A_466, %ge3A_471 : vector<1x40xi32>
    %lt3A_473 = vector.broadcast %add3A_54 : i32 to vector<1x40xi32>
    %lt3A_474 = arith.cmpi slt, %mul3A_466, %lt3A_473 : vector<1x40xi32>
    %and3A_475 = arith.andi %ge3A_472, %lt3A_474 : vector<1x40xi1>
    %jit3A_476 = arith.constant 0 : i32
    %jit3A_477 = arith.constant 0 : i32
    %broadcast_in_dim3A_478 = vector.broadcast %jit3A_476 : i32 to vector<1x40xi32>
    %broadcast_in_dim3A_479 = vector.broadcast %jit3A_477 : i32 to vector<1x40xi32>
    %select_n3A_480 = arith.select %and3A_475, %broadcast_in_dim3A_478, %broadcast_in_dim3A_479 : vector<1x40xi1>, vector<1x40xi32>
    %add3A_481 = arith.addi %broadcast_in_dim3A_468, %select_n3A_480 : vector<1x40xi32>
    %add3A_482 = arith.constant 0 : i32
    %add3A_483 = arith.addi %add3A_482, %reduce_sum3A_24 : i32
    %jit3A_484 = arith.constant 0 : i32
    %broadcast_in_dim3A_485 = vector.broadcast %add3A_483 : i32 to vector<1x40xi32>
    %broadcast_in_dim3A_486 = vector.broadcast %jit3A_484 : i32 to vector<1x40xi32>
    %select_n3A_487 = arith.select %and3A_475, %broadcast_in_dim3A_485, %broadcast_in_dim3A_486 : vector<1x40xi1>, vector<1x40xi32>
    %add3A_488 = arith.addi %broadcast_in_dim3A_470, %select_n3A_487 : vector<1x40xi32>
    %ge3A_489 = vector.broadcast %add3A_54 : i32 to vector<1x40xi32>
    %ge3A_490 = arith.cmpi sge, %mul3A_466, %ge3A_489 : vector<1x40xi32>
    %lt3A_491 = vector.broadcast %add3A_112 : i32 to vector<1x40xi32>
    %lt3A_492 = arith.cmpi slt, %mul3A_466, %lt3A_491 : vector<1x40xi32>
    %and3A_493 = arith.andi %ge3A_490, %lt3A_492 : vector<1x40xi1>
    %jit3A_494 = arith.constant 1 : i32
    %jit3A_495 = arith.constant 0 : i32
    %broadcast_in_dim3A_496 = vector.broadcast %jit3A_494 : i32 to vector<1x40xi32>
    %broadcast_in_dim3A_497 = vector.broadcast %jit3A_495 : i32 to vector<1x40xi32>
    %select_n3A_498 = arith.select %and3A_493, %broadcast_in_dim3A_496, %broadcast_in_dim3A_497 : vector<1x40xi1>, vector<1x40xi32>
    %add3A_499 = arith.addi %add3A_481, %select_n3A_498 : vector<1x40xi32>
    %add3A_500 = arith.addi %add3A_54, %reduce_sum3A_75 : i32
    %jit3A_501 = arith.constant 0 : i32
    %broadcast_in_dim3A_502 = vector.broadcast %add3A_500 : i32 to vector<1x40xi32>
    %broadcast_in_dim3A_503 = vector.broadcast %jit3A_501 : i32 to vector<1x40xi32>
    %select_n3A_504 = arith.select %and3A_493, %broadcast_in_dim3A_502, %broadcast_in_dim3A_503 : vector<1x40xi1>, vector<1x40xi32>
    %add3A_505 = arith.addi %add3A_488, %select_n3A_504 : vector<1x40xi32>
    %ge3A_506 = vector.broadcast %add3A_112 : i32 to vector<1x40xi32>
    %ge3A_507 = arith.cmpi sge, %mul3A_466, %ge3A_506 : vector<1x40xi32>
    %lt3A_508 = vector.broadcast %add3A_170 : i32 to vector<1x40xi32>
    %lt3A_509 = arith.cmpi slt, %mul3A_466, %lt3A_508 : vector<1x40xi32>
    %and3A_510 = arith.andi %ge3A_507, %lt3A_509 : vector<1x40xi1>
    %jit3A_511 = arith.constant 2 : i32
    %jit3A_512 = arith.constant 0 : i32
    %broadcast_in_dim3A_513 = vector.broadcast %jit3A_511 : i32 to vector<1x40xi32>
    %broadcast_in_dim3A_514 = vector.broadcast %jit3A_512 : i32 to vector<1x40xi32>
    %select_n3A_515 = arith.select %and3A_510, %broadcast_in_dim3A_513, %broadcast_in_dim3A_514 : vector<1x40xi1>, vector<1x40xi32>
    %add3A_516 = arith.addi %add3A_499, %select_n3A_515 : vector<1x40xi32>
    %add3A_517 = arith.addi %add3A_112, %reduce_sum3A_133 : i32
    %jit3A_518 = arith.constant 0 : i32
    %broadcast_in_dim3A_519 = vector.broadcast %add3A_517 : i32 to vector<1x40xi32>
    %broadcast_in_dim3A_520 = vector.broadcast %jit3A_518 : i32 to vector<1x40xi32>
    %select_n3A_521 = arith.select %and3A_510, %broadcast_in_dim3A_519, %broadcast_in_dim3A_520 : vector<1x40xi1>, vector<1x40xi32>
    %add3A_522 = arith.addi %add3A_505, %select_n3A_521 : vector<1x40xi32>
    %ge3A_523 = vector.broadcast %add3A_170 : i32 to vector<1x40xi32>
    %ge3A_524 = arith.cmpi sge, %mul3A_466, %ge3A_523 : vector<1x40xi32>
    %lt3A_525 = vector.broadcast %add3A_228 : i32 to vector<1x40xi32>
    %lt3A_526 = arith.cmpi slt, %mul3A_466, %lt3A_525 : vector<1x40xi32>
    %and3A_527 = arith.andi %ge3A_524, %lt3A_526 : vector<1x40xi1>
    %jit3A_528 = arith.constant 3 : i32
    %jit3A_529 = arith.constant 0 : i32
    %broadcast_in_dim3A_530 = vector.broadcast %jit3A_528 : i32 to vector<1x40xi32>
    %broadcast_in_dim3A_531 = vector.broadcast %jit3A_529 : i32 to vector<1x40xi32>
    %select_n3A_532 = arith.select %and3A_527, %broadcast_in_dim3A_530, %broadcast_in_dim3A_531 : vector<1x40xi1>, vector<1x40xi32>
    %add3A_533 = arith.addi %add3A_516, %select_n3A_532 : vector<1x40xi32>
    %add3A_534 = arith.addi %add3A_170, %reduce_sum3A_191 : i32
    %jit3A_535 = arith.constant 0 : i32
    %broadcast_in_dim3A_536 = vector.broadcast %add3A_534 : i32 to vector<1x40xi32>
    %broadcast_in_dim3A_537 = vector.broadcast %jit3A_535 : i32 to vector<1x40xi32>
    %select_n3A_538 = arith.select %and3A_527, %broadcast_in_dim3A_536, %broadcast_in_dim3A_537 : vector<1x40xi1>, vector<1x40xi32>
    %add3A_539 = arith.addi %add3A_522, %select_n3A_538 : vector<1x40xi32>
    %ge3A_540 = vector.broadcast %add3A_228 : i32 to vector<1x40xi32>
    %ge3A_541 = arith.cmpi sge, %mul3A_466, %ge3A_540 : vector<1x40xi32>
    %lt3A_542 = vector.broadcast %add3A_286 : i32 to vector<1x40xi32>
    %lt3A_543 = arith.cmpi slt, %mul3A_466, %lt3A_542 : vector<1x40xi32>
    %and3A_544 = arith.andi %ge3A_541, %lt3A_543 : vector<1x40xi1>
    %jit3A_545 = arith.constant 4 : i32
    %jit3A_546 = arith.constant 0 : i32
    %broadcast_in_dim3A_547 = vector.broadcast %jit3A_545 : i32 to vector<1x40xi32>
    %broadcast_in_dim3A_548 = vector.broadcast %jit3A_546 : i32 to vector<1x40xi32>
    %select_n3A_549 = arith.select %and3A_544, %broadcast_in_dim3A_547, %broadcast_in_dim3A_548 : vector<1x40xi1>, vector<1x40xi32>
    %add3A_550 = arith.addi %add3A_533, %select_n3A_549 : vector<1x40xi32>
    %add3A_551 = arith.addi %add3A_228, %reduce_sum3A_249 : i32
    %jit3A_552 = arith.constant 0 : i32
    %broadcast_in_dim3A_553 = vector.broadcast %add3A_551 : i32 to vector<1x40xi32>
    %broadcast_in_dim3A_554 = vector.broadcast %jit3A_552 : i32 to vector<1x40xi32>
    %select_n3A_555 = arith.select %and3A_544, %broadcast_in_dim3A_553, %broadcast_in_dim3A_554 : vector<1x40xi1>, vector<1x40xi32>
    %add3A_556 = arith.addi %add3A_539, %select_n3A_555 : vector<1x40xi32>
    %ge3A_557 = vector.broadcast %add3A_286 : i32 to vector<1x40xi32>
    %ge3A_558 = arith.cmpi sge, %mul3A_466, %ge3A_557 : vector<1x40xi32>
    %lt3A_559 = vector.broadcast %add3A_344 : i32 to vector<1x40xi32>
    %lt3A_560 = arith.cmpi slt, %mul3A_466, %lt3A_559 : vector<1x40xi32>
    %and3A_561 = arith.andi %ge3A_558, %lt3A_560 : vector<1x40xi1>
    %jit3A_562 = arith.constant 5 : i32
    %jit3A_563 = arith.constant 0 : i32
    %broadcast_in_dim3A_564 = vector.broadcast %jit3A_562 : i32 to vector<1x40xi32>
    %broadcast_in_dim3A_565 = vector.broadcast %jit3A_563 : i32 to vector<1x40xi32>
    %select_n3A_566 = arith.select %and3A_561, %broadcast_in_dim3A_564, %broadcast_in_dim3A_565 : vector<1x40xi1>, vector<1x40xi32>
    %add3A_567 = arith.addi %add3A_550, %select_n3A_566 : vector<1x40xi32>
    %add3A_568 = arith.addi %add3A_286, %reduce_sum3A_307 : i32
    %jit3A_569 = arith.constant 0 : i32
    %broadcast_in_dim3A_570 = vector.broadcast %add3A_568 : i32 to vector<1x40xi32>
    %broadcast_in_dim3A_571 = vector.broadcast %jit3A_569 : i32 to vector<1x40xi32>
    %select_n3A_572 = arith.select %and3A_561, %broadcast_in_dim3A_570, %broadcast_in_dim3A_571 : vector<1x40xi1>, vector<1x40xi32>
    %add3A_573 = arith.addi %add3A_556, %select_n3A_572 : vector<1x40xi32>
    %ge3A_574 = vector.broadcast %add3A_344 : i32 to vector<1x40xi32>
    %ge3A_575 = arith.cmpi sge, %mul3A_466, %ge3A_574 : vector<1x40xi32>
    %lt3A_576 = vector.broadcast %add3A_402 : i32 to vector<1x40xi32>
    %lt3A_577 = arith.cmpi slt, %mul3A_466, %lt3A_576 : vector<1x40xi32>
    %and3A_578 = arith.andi %ge3A_575, %lt3A_577 : vector<1x40xi1>
    %jit3A_579 = arith.constant 6 : i32
    %jit3A_580 = arith.constant 0 : i32
    %broadcast_in_dim3A_581 = vector.broadcast %jit3A_579 : i32 to vector<1x40xi32>
    %broadcast_in_dim3A_582 = vector.broadcast %jit3A_580 : i32 to vector<1x40xi32>
    %select_n3A_583 = arith.select %and3A_578, %broadcast_in_dim3A_581, %broadcast_in_dim3A_582 : vector<1x40xi1>, vector<1x40xi32>
    %add3A_584 = arith.addi %add3A_567, %select_n3A_583 : vector<1x40xi32>
    %add3A_585 = arith.addi %add3A_344, %reduce_sum3A_365 : i32
    %jit3A_586 = arith.constant 0 : i32
    %broadcast_in_dim3A_587 = vector.broadcast %add3A_585 : i32 to vector<1x40xi32>
    %broadcast_in_dim3A_588 = vector.broadcast %jit3A_586 : i32 to vector<1x40xi32>
    %select_n3A_589 = arith.select %and3A_578, %broadcast_in_dim3A_587, %broadcast_in_dim3A_588 : vector<1x40xi1>, vector<1x40xi32>
    %add3A_590 = arith.addi %add3A_573, %select_n3A_589 : vector<1x40xi32>
    %ge3A_591 = vector.broadcast %add3A_402 : i32 to vector<1x40xi32>
    %ge3A_592 = arith.cmpi sge, %mul3A_466, %ge3A_591 : vector<1x40xi32>
    %lt3A_593 = vector.broadcast %add3A_460 : i32 to vector<1x40xi32>
    %lt3A_594 = arith.cmpi slt, %mul3A_466, %lt3A_593 : vector<1x40xi32>
    %and3A_595 = arith.andi %ge3A_592, %lt3A_594 : vector<1x40xi1>
    %jit3A_596 = arith.constant 7 : i32
    %jit3A_597 = arith.constant 0 : i32
    %broadcast_in_dim3A_598 = vector.broadcast %jit3A_596 : i32 to vector<1x40xi32>
    %broadcast_in_dim3A_599 = vector.broadcast %jit3A_597 : i32 to vector<1x40xi32>
    %select_n3A_600 = arith.select %and3A_595, %broadcast_in_dim3A_598, %broadcast_in_dim3A_599 : vector<1x40xi1>, vector<1x40xi32>
    %add3A_601 = arith.addi %add3A_584, %select_n3A_600 : vector<1x40xi32>
    %add3A_602 = arith.addi %add3A_402, %reduce_sum3A_423 : i32
    %jit3A_603 = arith.constant 0 : i32
    %broadcast_in_dim3A_604 = vector.broadcast %add3A_602 : i32 to vector<1x40xi32>
    %broadcast_in_dim3A_605 = vector.broadcast %jit3A_603 : i32 to vector<1x40xi32>
    %select_n3A_606 = arith.select %and3A_595, %broadcast_in_dim3A_604, %broadcast_in_dim3A_605 : vector<1x40xi1>, vector<1x40xi32>
    %add3A_607 = arith.addi %add3A_590, %select_n3A_606 : vector<1x40xi32>
    %swap3A_608 = arith.constant 0 : index
    %swap3A_609 = arith.constant 0 : index
    %swap3A_610 = vector.load %arg2[%swap3A_608, %swap3A_609] : memref<1x40xi32, #tpu.memory_space<vmem>>, vector<1x40xi32>
    tpu.vector_store %arg2[%swap3A_608, %swap3A_609], %add3A_601 {strides = array<i32>} : memref<1x40xi32, #tpu.memory_space<vmem>>, vector<1x40xi32>,
    %swap3A_611 = arith.constant 0 : index
    %swap3A_612 = arith.constant 0 : index
    %swap3A_613 = vector.load %arg3[%swap3A_611, %swap3A_612] : memref<1x40xi32, #tpu.memory_space<vmem>>, vector<1x40xi32>
    tpu.vector_store %arg3[%swap3A_611, %swap3A_612], %add3A_607 {strides = array<i32>} : memref<1x40xi32, #tpu.memory_space<vmem>>, vector<1x40xi32>,
    return
  }
}

</mosaic_0001>

<sc_bundles>
// kernel: kernel.6.cloned.1.call-start
scs
__scs_entry_jumppad:
0x0: {  	(pc) =	sbr.rel $0x88, $3  }
0x1: {  	(tag) =	ssettag $0x0;
	lr =	simm.s32 $0x1  }
0x2: {  	[smem:$0x3F9B] =	sst lr;
	_ =	strace $0xD0000000  }
0x3: {  	_ = 	snop  }
0x4: {  	_ = 	snop  }
0x5: {  	_ = 	snop  }
0x6: {  	_ = 	snop  }
0x7: {  	_ = 	snop  }
__scs_overlays_trampoline_lowered:
0x8: {  	[smem:$0x3FAA] =	sst s0  }
0x9: {  	[smem:$0x3FAB] =	sst s1  }
0xa: {  	[smem:$0x3FAC] =	sst s2  }
0xb: {  	[smem:$0x3FAD] =	sst s3  }
0xc: {  	[smem:$0x3FAE] =	sst s4  }
0xd: {  	[smem:$0x3FAF] =	sst s5  }
0xe: {  	[smem:$0x3FB0] =	sst s6  }
0xf: {  	[smem:$0x3FB1] =	sst s7  }
0x10: {  	[smem:$0x3FB2] =	sst s8  }
0x11: {  	[smem:$0x3FB3] =	sst s9;
	s0 =	simm.s32 @!p0 $0x0  }
0x12: {  	s1 =	sld [smem:$0x3F99];
	s0 =	simm.s32 @p0 $0x1  }
0x13: {  	[smem:$0x3FB4] =	sst s0;
	s0 =	simm.s32 @!p1 $0x0  }
0x14: {  	s2 =	sld [smem:$0x3F98];
	s0 =	simm.s32 @p1 $0x1  }
0x15: {  	[smem:$0x3FB5] =	sst s0;
	s0 =	simm.s32 @!p2 $0x0  }
0x16: {  	s3 =	sld [smem:$0x3FDB];
	s0 =	simm.s32 @p2 $0x1  }
0x17: {  	s4 =	simm.s32 $0x1BF5;
	[smem:$0x3FB7] =	sst s0  }
0x18: {  	s0 =	sld [smem:$0x3F9A];
	_ =	swait.ge [sflag:s4], $0x0  }
0x19: {  	s7 =	sld [smem:$0x3F9B]  }
0x1a: {  	s8 =	sadd.s32 $0xFFFFE003, lr  }
0x1b: {  	s9 =	sadd.s32 $0xFFFFFEF7, lr;
	s5 =	simm.s32 $0xFFFFFFFF;
	p2 =	slt.u32 s8, $0xFFFFF086  }
0x1c: {  	p1 =	slt.u32 s9, $0xF7A;
	s5 =	simm.s32 @!p2 $0x0  }
0x1d: {  	s5 =	simm.s32 @p1 $0x1;
	p0 =	seq.s32 s7, s2  }
0x1e: {  	s7 =	smul.u32 @!p0 $0xF7A, s2;
	p2 =	seq.s32 @!p0 s5, $0x0  }
0x1f: {  	s9 =	smul.u32 $0xF7A, s1;
	s8 =	simm.s32 @!p0 $0x1BF5;
	p2 =	por !p2, p0  }
0x20: {  	[sflag:s8] =	ssyncset.s32 @!p0 $0xFFFFF086;
	s6 =	sadd.s32 @!p0 s3, s7;
	s7 =	simm.s32 @!p0 $0x108  }
0x21: {  	s3 =	sadd.s32 s3, s9;
	s6 =	sadd.s32 @!p0 $0x88, s6;
	s7 =	simm.s32 @p2 $0x1082  }
0x22: {  	[simem:s7], [sflag:s8] =	dma.local @!p0 [hbm:s6], $0xF7A  }
0x23: {  	s9 =	sor.u32 $0xD0000000, s2;
	s6 =	simm.s32 $0x108;
	_ =	swait.ge @!p0 [sflag:s8], $0x0  }
0x24: {  	s3 =	sadd.s32 $0x88, s3;
	s6 =	simm.s32 @!p1 $0x1082;
	[sflag:s4] =	ssyncset.s32 $0xFFFFF086  }
0x25: {  	[simem:s6], [sflag:s4] =	dma.local [hbm:s3], $0xF7A  }
0x26: {  	[smem:$0x3F9B] =	sst s1;
	(tag) =	ssettag s2;
	_ =	strace s9  }
0x27: {  	s1 =	sld [smem:$0x3FAB]  }
0x28: {  	s2 =	sld [smem:$0x3FAC]  }
0x29: {  	s4 =	sld [smem:$0x3FAE]  }
0x2a: {  	p0 =	seq.s32 s5, $0x0;
	s5 =	sld [smem:$0x3FAF]  }
0x2b: {  	s6 =	sld [smem:$0x3FB0]  }
0x2c: {  	s7 =	sld [smem:$0x3FB1]  }
0x2d: {  	s3 =	simm.s32 $0x108;
	s8 =	sld [smem:$0x3FB2]  }
0x2e: {  	s3 =	simm.s32 @!p0 $0x1082;
	s9 =	sld [smem:$0x3FB3]  }
0x2f: {  	lr =	sadd.s32 s0, s3;
	s0 =	sld [smem:$0x3FAA]  }
0x30: {  	s3 =	sld [smem:$0x3FAD]  }
0x31: {  	[smem:$0x3FB6] =	sst s10  }
0x32: {  	s10 =	sld [smem:$0x3FB4];
	_ =	sdelay $0x3  }
0x33: {  	p0 =	seq.s32 s10, $0x1;
	s10 =	sld [smem:$0x3FB6];
	_ =	sdelay $0x3  }
0x34: {  	[smem:$0x3FB6] =	sst s10  }
0x35: {  	s10 =	sld [smem:$0x3FB5];
	_ =	sdelay $0x3  }
0x36: {  	p1 =	seq.s32 s10, $0x1;
	s10 =	sld [smem:$0x3FB6];
	_ =	sdelay $0x3  }
0x37: {  	[smem:$0x3FB6] =	sst s10  }
0x38: {  	s10 =	sld [smem:$0x3FB7]  }
0x39: {  	_ = 	snop;
	(pc) =	sbr.ind lr, $3  }
0x3a: {  	_ = 	snop  }
0x3b: {  	_ = 	snop  }
0x3c: {  	p2 =	seq.s32 s10, $0x1;
	s10 =	sld [smem:$0x3FB6]  }
0x3d: {  	_ =	shalt  }
0x3e: {  	_ =	shalt  }
0x3f: {  	_ =	shalt  }
0x40: {  	_ =	shalt  }
0x41: {  	_ =	shalt  }
0x42: {  	_ =	shalt  }
0x43: {  	_ =	shalt  }
0x44: {  	_ =	shalt  }
0x45: {  	_ =	shalt  }
0x46: {  	_ =	shalt  }
0x47: {  	_ =	shalt  }
0x48: {  	_ =	shalt  }
0x49: {  	_ =	shalt  }
0x4a: {  	_ =	shalt  }
0x4b: {  	_ =	shalt  }
0x4c: {  	_ =	shalt  }
0x4d: {  	_ =	shalt  }
0x4e: {  	_ =	shalt  }
0x4f: {  	_ =	shalt  }
0x50: {  	_ =	shalt  }
0x51: {  	_ =	shalt  }
0x52: {  	_ =	shalt  }
0x53: {  	_ =	shalt  }
0x54: {  	_ =	shalt  }
0x55: {  	_ =	shalt  }
0x56: {  	_ =	shalt  }
0x57: {  	_ =	shalt  }
0x58: {  	_ =	shalt  }
0x59: {  	_ =	shalt  }
0x5a: {  	_ =	shalt  }
0x5b: {  	_ =	shalt  }
0x5c: {  	_ =	shalt  }
0x5d: {  	_ =	shalt  }
0x5e: {  	_ =	shalt  }
0x5f: {  	_ =	shalt  }
0x60: {  	_ =	shalt  }
0x61: {  	_ =	shalt  }
0x62: {  	_ =	shalt  }
0x63: {  	_ =	shalt  }
0x64: {  	_ =	shalt  }
0x65: {  	_ =	shalt  }
0x66: {  	_ =	shalt  }
0x67: {  	_ =	shalt  }
0x68: {  	_ =	shalt  }
0x69: {  	_ =	shalt  }
0x6a: {  	_ =	shalt  }
0x6b: {  	_ =	shalt  }
0x6c: {  	_ =	shalt  }
0x6d: {  	_ =	shalt  }
0x6e: {  	_ =	shalt  }
0x6f: {  	_ =	shalt  }
0x70: {  	_ =	shalt  }
0x71: {  	_ =	shalt  }
0x72: {  	_ =	shalt  }
0x73: {  	_ =	shalt  }
0x74: {  	_ =	shalt  }
0x75: {  	_ =	shalt  }
0x76: {  	_ =	shalt  }
0x77: {  	_ =	shalt  }
0x78: {  	_ =	shalt  }
0x79: {  	_ =	shalt  }
0x7a: {  	_ =	shalt  }
0x7b: {  	_ =	shalt  }
0x7c: {  	_ =	shalt  }
0x7d: {  	_ =	shalt  }
0x7e: {  	_ =	shalt  }
0x7f: {  	_ =	shalt  }
0x80: {  	_ =	shalt  }
0x81: {  	_ =	shalt  }
0x82: {  	_ =	shalt  }
0x83: {  	_ =	shalt  }
0x84: {  	_ =	shalt  }
0x85: {  	_ =	shalt  }
0x86: {  	_ =	shalt  }
0x87: {  	_ =	shalt  }
.Lfunc_end0:
.L_simem_size_0:
called_computation_lowered:
.L_overlay_start_0:
0x88: {  	s2 =	sld [smem:$0x3FD9]  }
0x89: {  	s3 =	sld [smem:$0x3FFE];
	_ =	sdelay $0x1  }
0x8a: {  	s1 =	srdreg.scid  }
0x8b: {  	s0 =	sand.u32 $0x1, s1  }
0x8c: {  	s17 =	sshll.u32 s0, $0xA;
	s2 =	sadd.s32 s3, s2  }
0x8d: {  	s2 =	sadd.s32 s2, s17  }
0x8e: {  	[smem:$0x3FC2] =	sst s2  }
0x8f: {  	_ = 	snop  }
0x90: {  	s2 =	sld [smem:$0x3FC9];
	(tm) =	ssettm $0x1  }
0x91: {  	s18 =	sld [smem:$0x3FFB];
	_ =	sdelay $0x3  }
0x92: {  	_ =	strace s18  }
0x93: {  	s3 =	sld [smem:$0x3FFC];
	_ =	sdelay $0x3  }
0x94: {  	_ =	strace s3  }
0x95: {  	s3 =	sld [smem:$0x3FFD];
	_ =	sdelay $0x3  }
0x96: {  	_ =	strace s3  }
0x97: {  	_ =	strace $0x8FFFFFFF  }
0x98: {  	s19 =	sld [smem:$0x3FDB];
	_ =	sdelay $0x1  }
0x99: {  	s4 =	simm.s32 $_scs_section_size  }
0x9a: {  	s5 =	simm.s32 $_size__tile_overlayer_lowered;
	s6 =	simm.s32 $_tile_overlayer_lowered  }
0x9b: {  	s22 =	simm.s32 $0x1BFF;
	s21 =	sshll.u32 s6, $0x1;
	s3 =	sadd.s32 s4, s19  }
0x9c: {  	s7 =	simm.s32 $0x0;
	s20 =	sshll.u32 s5, $0x1;
	s5 =	sadd.s32 s21, s3  }
0x9d: {  	[timem:s7], [sflag:s22] =	dma.local [hbm:s5], s20  }
0x9e: {  	_ =	swait.ge [sflag:s22], s20  }
0x9f: {  	s4 =	ssub.s32 $0x0, s20;
	[sflag:s22] =	ssyncset.done $0x0  }
0xa0: {  	[sflag:s22] =	ssyncadd.s32 s4;
	_ =	sdelay $0x1  }
0xa1: {  	s23 =	simm.s32 $0x1B8B  }
0xa2: {  	_ =	swait.ge [sflag:s23], $0x1  }
0xa3: {  	[sflag:s23] =	ssyncset.done $0x0  }
0xa4: {  	s25 =	simm.s32 $0x1B8E;
	s24 =	sld [smem:$0x3FFE];
	[sflag:s23] =	ssyncadd.s32 $0xFFFFFFFF  }
0xa5: {  	s26 =	simm.s32 $execute0_lowered;
	[smem:$0x3FD2] =	sst s25  }
0xa6: {  	s5 =	sshll.u32 s26, $0x1;
	_ =	strace $0x80000046;
	[dreg:$0x1] =	wrdreg $0xFFFFFFFF  }
0xa7: {  	s28 =	simm.s32 $_size_execute0_lowered;
	s3 =	sadd.s32 s3, s5;
	[dreg:$0x0] =	wrdreg $0x0  }
0xa8: {  	s5 =	sshll.u32 s28, $0x1;
	[dreg:$0x2] =	wrdreg s3  }
0xa9: {  	[dreg:$0x3] =	wrdreg s5  }
0xaa: {  	[dreg:$0x4] =	wrdreg $0xC0  }
0xab: {  	_ =	task [dreg:s7], $0x5FFFF  }
0xac: {  	[dreg:$0x1] =	wrdreg $0xFFFFFFFF  }
0xad: {  	[dreg:$0x0] =	wrdreg $0x60  }
0xae: {  	[dreg:$0x2] =	wrdreg s2  }
0xaf: {  	[dreg:$0x3] =	wrdreg s24  }
0xb0: {  	[dreg:$0x4] =	wrdreg $0x9  }
0xb1: {  	_ =	task.clear_ibuf [dreg:s7], $0x5FFFF;
	_ =	strace $0x90000046  }
0xb2: {  	s29 =	simm.s32 $0x9;
	_ =	strace $0x80000048  }
0xb3: {  	_ =	swait.ge [sflag:s29], $0x1  }
0xb4: {  	[sflag:s29] =	ssyncadd.s32 $0xFFFFFFFF  }
0xb5: {  	_ =	strace $0x90000048  }
0xb6: {  	_ =	sfence  }
0xb7: {  	s30 =	sld [smem:$0x0];
	_ =	sdelay $0x2  }
0xb8: {  	s31 =	sshll.u32 s1, $0xD;
	s1 =	sshrl.u32 s1, $0x2  }
0xb9: {  	s3 =	sand.u32 $0x4000, s31;
	s1 =	sadd.s32 s1, s30  }
0xba: {  	s0 =	sor.u32 s3, s0;
	s1 =	sshll.u32 s1, $0x11  }
0xbb: {  	s0 =	sor.u32 s1, s0  }
0xbc: {  	s0 =	sadd.s32 $0x8F2B, s0  }
0xbd: {  	[sflag:s0] =	ssyncadd.remote.s32 $0x1  }
0xbe: {  	_ =	sfence.sel $0xFFFF  }
0xbf: {  	[dreg:$0x0] =	wrdreg $0xFFFFFFFF;
	(pc) =	sbr.abs _section_cstart, $3  }
0xc0: {  	[dreg:$0x1] =	wrdreg $0xFFFFFFFF  }
0xc1: {  	_ =	task.clear_ibuf [dreg:s7], $0x2FFFF;
	_ =	strace $0x9FFFFFFF  }
0xc2: {  	(tm) =	ssettm $0x7FFFFFFF  }
0xc3: {  	_ =	shalt  }
tec
execute0_lowered:
.L_overlay_start_1:
0x0: {  	(tag) =	ssettag $0x1  }
0x1: {  	s0 =	srdreg.scid  }
0x2: {  	s1 =	rddreg [dreg:$0x0];
	s2 =	stileid.u32  }
0x3: {  	s4 =	rddreg [dreg:$0x1];
	s29 =	simm.s32 $0x200;
	s0 =	sand.u32 $0x1, s0  }
0x4: {  	s3 =	sshll.u32 s2, $0x7;
	s2 =	simm.s32 $0x0;
	s5 =	sshll.u32 s0, $0x6  }
0x5: {  	[smem:$0x7FF] =	sst s2;
	s0 =	ssub.s32 $0x2, s0;
	s3 =	sor.u32 s5, s3  }
0x6: {  	_ =	strace $0x80000047;
	s30 =	sshrl.u32 s0, $0x1;
	s5 =	smul.u32 $0x300, s3  }
0x7: {  	s6 =	smul.u32 $0x1800, s3;
	s7 =	sadd.s32 s3, s4;
	s3 =	sadd.s32 $0x2000, s4  }
0x8: {  	s0 =	ssub.s32 s0, s30;
	s7 =	sadd.s32 $0x1800, s7;
	s8 =	sadd.s32 s1, s5  }
0x9: {  	s26 =	sshrl.u32 s6, $0x3;
	[dreg:$0x3] =	wrdreg s7;
	s5 =	sadd.s32 $0x2100, s4  }
0xa: {  	[dreg:$0x7] =	wrdreg s8;
	s28 =	sadd.s32 $0x3000, s8;
	s1 =	sadd.s32 s1, s26  }
0xb: {  	v2 =	vlaneseq.u32;
	s6 =	sadd.s32 $0x2200, s4;
	[dreg:$0x4] =	wrdreg s28;
	s31 =	sadd.s32 $0x6000, s1  }
0xc: {  	vm0 =	vmmov $0xffff;
	v1 =	vshrl.u32 v2, $0x3;
	s7 =	smax.u32 s0, $0x1;
	s1 =	sadd.s32 $0x9000, s1;
	[dreg:$0x5] =	wrdreg s31  }
0xd: {  	v0 =	vand.u32 $0x7, v2;
	v2 =	vor.u32 $0x8, v2;
	v1 =	vmul.u32 $0x8, v1;
	s4 =	simm.s32 $0x1;
	s8 =	simm.s32 $0x2;
	[dreg:$0x6] =	wrdreg s1  }
.LBB2_1:
0xe: {  	s10 =	rddreg [dreg:$0x3]  }
0xf: {  	[tilespmem:s2], [sflag:$0x2] =	stream.linear.gather [hbm4b:s10+s2], $0x200, $0x38;
	[tilespmem:$0x18200] =	vst v63  }
0x10: {  	_ =	swait.ge [sflag:s8], $0x200  }
0x11: {  	[sflag:s8] =	ssyncset.done $0x0  }
0x12: {  	s17 =	rddreg [dreg:$0x7];
	[sflag:s8] =	ssyncadd.s32 $0xFFFFFE00  }
0x13: {  	[tilespmem:s29], [sflag:$0x2] =	stream.linear.gather [hbm4b:s17+s2], $0x18000, $0x38;
	[tilespmem:$0x18200] =	vst v63  }
0x14: {  	_ =	swait.ge [sflag:s8], $0x18000  }
0x15: {  	[sflag:s8] =	ssyncset.done $0x0  }
0x16: {  	[sflag:s8] =	ssyncadd.s32 $0xFFFE8000  }
0x17: {  	v3 =	vld [tilespmem:$0x0];
	_ =	sdelay $0x4  }
0x18: {  	v4 =	vshrl.u32 v3, $0x3  }
0x19: {  	v4 =	vmul.u32 $0x30, v4  }
0x1a: {  	v3 =	vand.u32 $0x7, v3  }
0x1b: {  	v3 =	vor.u32 v3, v4  }
0x1c: {  	v4 =	vperm.xlane v3, v0;
	_ =	sdelay $0x1  }
0x1d: {  	v4 =	vadd.s32 v1, v4;
	_ =	sdelay $0x3  }
0x1e: {  	v3 =	vperm.xlane v3, v2  }
0x1f: {  	[hbm4b:s3+s2] =	stream.indirect_vreg.scatter [tilespmem:s29], [sflag:$0x1], $0x80, v4, vm0, $0xb8;
	[tilespmem:$0x18200] =	vst v63  }
0x20: {  	s0 =	simm.s32 $0xA00;
	v3 =	vadd.s32 v1, v3  }
0x21: {  	[hbm4b:s5+s2] =	stream.indirect_vreg.scatter [tilespmem:s0], [sflag:$0x1], $0x80, v4, vm0, $0xb8;
	[tilespmem:$0x18200] =	vst v63  }
0x22: {  	s18 =	simm.s32 $0x1200  }
0x23: {  	[hbm4b:s6+s2] =	stream.indirect_vreg.scatter [tilespmem:s18], [sflag:$0x1], $0x80, v4, vm0, $0xb8;
	[tilespmem:$0x18200] =	vst v63  }
0x24: {  	s19 =	simm.s32 $0x1A00  }
0x25: {  	[hbm4b:s3+s2] =	stream.indirect_vreg.scatter [tilespmem:s19], [sflag:$0x1], $0x80, v3, vm0, $0xb8;
	[tilespmem:$0x18200] =	vst v63  }
0x26: {  	s20 =	simm.s32 $0x2200  }
0x27: {  	[hbm4b:s5+s2] =	stream.indirect_vreg.scatter [tilespmem:s20], [sflag:$0x1], $0x80, v3, vm0, $0xb8;
	[tilespmem:$0x18200] =	vst v63  }
0x28: {  	s21 =	simm.s32 $0x2A00  }
0x29: {  	[hbm4b:s6+s2] =	stream.indirect_vreg.scatter [tilespmem:s21], [sflag:$0x1], $0x80, v3, vm0, $0xb8;
	[tilespmem:$0x18200] =	vst v63  }
0x2a: {  	v3 =	vld [tilespmem:$0x10];
	_ =	sdelay $0x4  }
0x2b: {  	v33 =	vshrl.u32 v3, $0x3  }
0x2c: {  	v4 =	vmul.u32 $0x30, v33  }
0x2d: {  	v3 =	vand.u32 $0x7, v3  }
0x2e: {  	v3 =	vor.u32 v3, v4  }
0x2f: {  	v4 =	vperm.xlane v3, v0;
	_ =	sdelay $0x1  }
0x30: {  	v4 =	vadd.s32 v1, v4;
	_ =	sdelay $0x3  }
0x31: {  	s22 =	simm.s32 $0x3200;
	v3 =	vperm.xlane v3, v2  }
0x32: {  	[hbm4b:s3+s2] =	stream.indirect_vreg.scatter [tilespmem:s22], [sflag:$0x1], $0x80, v4, vm0, $0xb8;
	[tilespmem:$0x18200] =	vst v63  }
0x33: {  	s23 =	simm.s32 $0x3A00;
	v3 =	vadd.s32 v1, v3  }
0x34: {  	[hbm4b:s5+s2] =	stream.indirect_vreg.scatter [tilespmem:s23], [sflag:$0x1], $0x80, v4, vm0, $0xb8;
	[tilespmem:$0x18200] =	vst v63  }
0x35: {  	s24 =	simm.s32 $0x4200  }
0x36: {  	[hbm4b:s6+s2] =	stream.indirect_vreg.scatter [tilespmem:s24], [sflag:$0x1], $0x80, v4, vm0, $0xb8;
	[tilespmem:$0x18200] =	vst v63  }
0x37: {  	s25 =	simm.s32 $0x4A00  }
0x38: {  	[hbm4b:s3+s2] =	stream.indirect_vreg.scatter [tilespmem:s25], [sflag:$0x1], $0x80, v3, vm0, $0xb8;
	[tilespmem:$0x18200] =	vst v63  }
0x39: {  	s26 =	simm.s32 $0x5200  }
0x3a: {  	[hbm4b:s5+s2] =	stream.indirect_vreg.scatter [tilespmem:s26], [sflag:$0x1], $0x80, v3, vm0, $0xb8;
	[tilespmem:$0x18200] =	vst v63  }
0x3b: {  	s28 =	simm.s32 $0x5A00  }
0x3c: {  	[hbm4b:s6+s2] =	stream.indirect_vreg.scatter [tilespmem:s28], [sflag:$0x1], $0x80, v3, vm0, $0xb8;
	[tilespmem:$0x18200] =	vst v63  }
0x3d: {  	v3 =	vld [tilespmem:$0x20];
	_ =	sdelay $0x4  }
0x3e: {  	v34 =	vshrl.u32 v3, $0x3  }
0x3f: {  	v4 =	vmul.u32 $0x30, v34  }
0x40: {  	v3 =	vand.u32 $0x7, v3  }
0x41: {  	v3 =	vor.u32 v3, v4  }
0x42: {  	v4 =	vperm.xlane v3, v0;
	_ =	sdelay $0x1  }
0x43: {  	v4 =	vadd.s32 v1, v4;
	_ =	sdelay $0x3  }
0x44: {  	s30 =	simm.s32 $0x6200;
	v3 =	vperm.xlane v3, v2  }
0x45: {  	[hbm4b:s3+s2] =	stream.indirect_vreg.scatter [tilespmem:s30], [sflag:$0x1], $0x80, v4, vm0, $0xb8;
	[tilespmem:$0x18200] =	vst v63  }
0x46: {  	s31 =	simm.s32 $0x6A00;
	v3 =	vadd.s32 v1, v3  }
0x47: {  	[hbm4b:s5+s2] =	stream.indirect_vreg.scatter [tilespmem:s31], [sflag:$0x1], $0x80, v4, vm0, $0xb8;
	[tilespmem:$0x18200] =	vst v63  }
0x48: {  	s1 =	simm.s32 $0x7200  }
0x49: {  	[hbm4b:s6+s2] =	stream.indirect_vreg.scatter [tilespmem:s1], [sflag:$0x1], $0x80, v4, vm0, $0xb8;
	[tilespmem:$0x18200] =	vst v63  }
0x4a: {  	s9 =	simm.s32 $0x7A00  }
0x4b: {  	[hbm4b:s3+s2] =	stream.indirect_vreg.scatter [tilespmem:s9], [sflag:$0x1], $0x80, v3, vm0, $0xb8;
	[tilespmem:$0x18200] =	vst v63  }
0x4c: {  	s10 =	simm.s32 $0x8200  }
0x4d: {  	[hbm4b:s5+s2] =	stream.indirect_vreg.scatter [tilespmem:s10], [sflag:$0x1], $0x80, v3, vm0, $0xb8;
	[tilespmem:$0x18200] =	vst v63  }
0x4e: {  	s11 =	simm.s32 $0x8A00  }
0x4f: {  	[hbm4b:s6+s2] =	stream.indirect_vreg.scatter [tilespmem:s11], [sflag:$0x1], $0x80, v3, vm0, $0xb8;
	[tilespmem:$0x18200] =	vst v63  }
0x50: {  	v3 =	vld [tilespmem:$0x30];
	_ =	sdelay $0x4  }
0x51: {  	v35 =	vshrl.u32 v3, $0x3  }
0x52: {  	v4 =	vmul.u32 $0x30, v35  }
0x53: {  	v3 =	vand.u32 $0x7, v3  }
0x54: {  	v3 =	vor.u32 v3, v4  }
0x55: {  	v4 =	vperm.xlane v3, v0;
	_ =	sdelay $0x1  }
0x56: {  	v4 =	vadd.s32 v1, v4;
	_ =	sdelay $0x3  }
0x57: {  	s12 =	simm.s32 $0x9200;
	v3 =	vperm.xlane v3, v2  }
0x58: {  	[hbm4b:s3+s2] =	stream.indirect_vreg.scatter [tilespmem:s12], [sflag:$0x1], $0x80, v4, vm0, $0xb8;
	[tilespmem:$0x18200] =	vst v63  }
0x59: {  	s15 =	simm.s32 $0x9A00;
	v3 =	vadd.s32 v1, v3  }
0x5a: {  	[hbm4b:s5+s2] =	stream.indirect_vreg.scatter [tilespmem:s15], [sflag:$0x1], $0x80, v4, vm0, $0xb8;
	[tilespmem:$0x18200] =	vst v63  }
0x5b: {  	s16 =	simm.s32 $0xA200  }
0x5c: {  	[hbm4b:s6+s2] =	stream.indirect_vreg.scatter [tilespmem:s16], [sflag:$0x1], $0x80, v4, vm0, $0xb8;
	[tilespmem:$0x18200] =	vst v63  }
0x5d: {  	s19 =	simm.s32 $0xAA00  }
0x5e: {  	[hbm4b:s3+s2] =	stream.indirect_vreg.scatter [tilespmem:s19], [sflag:$0x1], $0x80, v3, vm0, $0xb8;
	[tilespmem:$0x18200] =	vst v63  }
0x5f: {  	s20 =	simm.s32 $0xB200  }
0x60: {  	[hbm4b:s5+s2] =	stream.indirect_vreg.scatter [tilespmem:s20], [sflag:$0x1], $0x80, v3, vm0, $0xb8;
	[tilespmem:$0x18200] =	vst v63  }
0x61: {  	s23 =	simm.s32 $0xBA00  }
0x62: {  	[hbm4b:s6+s2] =	stream.indirect_vreg.scatter [tilespmem:s23], [sflag:$0x1], $0x80, v3, vm0, $0xb8;
	[tilespmem:$0x18200] =	vst v63  }
0x63: {  	v3 =	vld [tilespmem:$0x40];
	_ =	sdelay $0x4  }
0x64: {  	v36 =	vshrl.u32 v3, $0x3  }
0x65: {  	v4 =	vmul.u32 $0x30, v36  }
0x66: {  	v3 =	vand.u32 $0x7, v3  }
0x67: {  	v3 =	vor.u32 v3, v4  }
0x68: {  	v4 =	vperm.xlane v3, v0;
	_ =	sdelay $0x1  }
0x69: {  	v4 =	vadd.s32 v1, v4;
	_ =	sdelay $0x3  }
0x6a: {  	s24 =	simm.s32 $0xC200;
	v3 =	vperm.xlane v3, v2  }
0x6b: {  	[hbm4b:s3+s2] =	stream.indirect_vreg.scatter [tilespmem:s24], [sflag:$0x1], $0x80, v4, vm0, $0xb8;
	[tilespmem:$0x18200] =	vst v63  }
0x6c: {  	s25 =	simm.s32 $0xCA00;
	v3 =	vadd.s32 v1, v3  }
0x6d: {  	[hbm4b:s5+s2] =	stream.indirect_vreg.scatter [tilespmem:s25], [sflag:$0x1], $0x80, v4, vm0, $0xb8;
	[tilespmem:$0x18200] =	vst v63  }
0x6e: {  	s26 =	simm.s32 $0xD200  }
0x6f: {  	[hbm4b:s6+s2] =	stream.indirect_vreg.scatter [tilespmem:s26], [sflag:$0x1], $0x80, v4, vm0, $0xb8;
	[tilespmem:$0x18200] =	vst v63  }
0x70: {  	s28 =	simm.s32 $0xDA00  }
0x71: {  	[hbm4b:s3+s2] =	stream.indirect_vreg.scatter [tilespmem:s28], [sflag:$0x1], $0x80, v3, vm0, $0xb8;
	[tilespmem:$0x18200] =	vst v63  }
0x72: {  	s30 =	simm.s32 $0xE200  }
0x73: {  	[hbm4b:s5+s2] =	stream.indirect_vreg.scatter [tilespmem:s30], [sflag:$0x1], $0x80, v3, vm0, $0xb8;
	[tilespmem:$0x18200] =	vst v63  }
0x74: {  	s31 =	simm.s32 $0xEA00  }
0x75: {  	[hbm4b:s6+s2] =	stream.indirect_vreg.scatter [tilespmem:s31], [sflag:$0x1], $0x80, v3, vm0, $0xb8;
	[tilespmem:$0x18200] =	vst v63  }
0x76: {  	v3 =	vld [tilespmem:$0x50];
	_ =	sdelay $0x4  }
0x77: {  	v37 =	vshrl.u32 v3, $0x3  }
0x78: {  	v4 =	vmul.u32 $0x30, v37  }
0x79: {  	v3 =	vand.u32 $0x7, v3  }
0x7a: {  	v3 =	vor.u32 v3, v4  }
0x7b: {  	v4 =	vperm.xlane v3, v0;
	_ =	sdelay $0x1  }
0x7c: {  	v4 =	vadd.s32 v1, v4;
	_ =	sdelay $0x3  }
0x7d: {  	s0 =	simm.s32 $0xF200;
	v3 =	vperm.xlane v3, v2  }
0x7e: {  	[hbm4b:s3+s2] =	stream.indirect_vreg.scatter [tilespmem:s0], [sflag:$0x1], $0x80, v4, vm0, $0xb8;
	[tilespmem:$0x18200] =	vst v63  }
0x7f: {  	s1 =	simm.s32 $0xFA00;
	v3 =	vadd.s32 v1, v3  }
0x80: {  	[hbm4b:s5+s2] =	stream.indirect_vreg.scatter [tilespmem:s1], [sflag:$0x1], $0x80, v4, vm0, $0xb8;
	[tilespmem:$0x18200] =	vst v63  }
0x81: {  	s9 =	simm.s32 $0x10200  }
0x82: {  	[hbm4b:s6+s2] =	stream.indirect_vreg.scatter [tilespmem:s9], [sflag:$0x1], $0x80, v4, vm0, $0xb8;
	[tilespmem:$0x18200] =	vst v63  }
0x83: {  	s11 =	simm.s32 $0x10A00  }
0x84: {  	[hbm4b:s3+s2] =	stream.indirect_vreg.scatter [tilespmem:s11], [sflag:$0x1], $0x80, v3, vm0, $0xb8;
	[tilespmem:$0x18200] =	vst v63  }
0x85: {  	s12 =	simm.s32 $0x11200  }
0x86: {  	[hbm4b:s5+s2] =	stream.indirect_vreg.scatter [tilespmem:s12], [sflag:$0x1], $0x80, v3, vm0, $0xb8;
	[tilespmem:$0x18200] =	vst v63  }
0x87: {  	s15 =	simm.s32 $0x11A00  }
0x88: {  	[hbm4b:s6+s2] =	stream.indirect_vreg.scatter [tilespmem:s15], [sflag:$0x1], $0x80, v3, vm0, $0xb8;
	[tilespmem:$0x18200] =	vst v63  }
0x89: {  	v3 =	vld [tilespmem:$0x60];
	_ =	sdelay $0x4  }
0x8a: {  	v38 =	vshrl.u32 v3, $0x3  }
0x8b: {  	v4 =	vmul.u32 $0x30, v38  }
0x8c: {  	v3 =	vand.u32 $0x7, v3  }
0x8d: {  	v3 =	vor.u32 v3, v4  }
0x8e: {  	v4 =	vperm.xlane v3, v0;
	_ =	sdelay $0x1  }
0x8f: {  	v4 =	vadd.s32 v1, v4;
	_ =	sdelay $0x3  }
0x90: {  	s16 =	simm.s32 $0x12200;
	v3 =	vperm.xlane v3, v2  }
0x91: {  	[hbm4b:s3+s2] =	stream.indirect_vreg.scatter [tilespmem:s16], [sflag:$0x1], $0x80, v4, vm0, $0xb8;
	[tilespmem:$0x18200] =	vst v63  }
0x92: {  	s19 =	simm.s32 $0x12A00;
	v3 =	vadd.s32 v1, v3  }
0x93: {  	[hbm4b:s5+s2] =	stream.indirect_vreg.scatter [tilespmem:s19], [sflag:$0x1], $0x80, v4, vm0, $0xb8;
	[tilespmem:$0x18200] =	vst v63  }
0x94: {  	s20 =	simm.s32 $0x13200  }
0x95: {  	[hbm4b:s6+s2] =	stream.indirect_vreg.scatter [tilespmem:s20], [sflag:$0x1], $0x80, v4, vm0, $0xb8;
	[tilespmem:$0x18200] =	vst v63  }
0x96: {  	s31 =	simm.s32 $0x13A00  }
0x97: {  	[hbm4b:s3+s2] =	stream.indirect_vreg.scatter [tilespmem:s31], [sflag:$0x1], $0x80, v3, vm0, $0xb8;
	[tilespmem:$0x18200] =	vst v63  }
0x98: {  	s0 =	simm.s32 $0x14200  }
0x99: {  	[hbm4b:s5+s2] =	stream.indirect_vreg.scatter [tilespmem:s0], [sflag:$0x1], $0x80, v3, vm0, $0xb8;
	[tilespmem:$0x18200] =	vst v63  }
0x9a: {  	s1 =	simm.s32 $0x14A00  }
0x9b: {  	[hbm4b:s6+s2] =	stream.indirect_vreg.scatter [tilespmem:s1], [sflag:$0x1], $0x80, v3, vm0, $0xb8;
	[tilespmem:$0x18200] =	vst v63  }
0x9c: {  	v3 =	vld [tilespmem:$0x70];
	_ =	sdelay $0x4  }
0x9d: {  	v39 =	vshrl.u32 v3, $0x3  }
0x9e: {  	v4 =	vmul.u32 $0x30, v39  }
0x9f: {  	v3 =	vand.u32 $0x7, v3  }
0xa0: {  	v3 =	vor.u32 v3, v4  }
0xa1: {  	v4 =	vperm.xlane v3, v0;
	_ =	sdelay $0x1  }
0xa2: {  	v4 =	vadd.s32 v1, v4;
	_ =	sdelay $0x3  }
0xa3: {  	s9 =	simm.s32 $0x15200;
	v3 =	vperm.xlane v3, v2  }
0xa4: {  	[hbm4b:s3+s2] =	stream.indirect_vreg.scatter [tilespmem:s9], [sflag:$0x1], $0x80, v4, vm0, $0xb8;
	[tilespmem:$0x18200] =	vst v63  }
0xa5: {  	s11 =	simm.s32 $0x15A00;
	v3 =	vadd.s32 v1, v3  }
0xa6: {  	[hbm4b:s5+s2] =	stream.indirect_vreg.scatter [tilespmem:s11], [sflag:$0x1], $0x80, v4, vm0, $0xb8;
	[tilespmem:$0x18200] =	vst v63  }
0xa7: {  	s12 =	simm.s32 $0x16200  }
0xa8: {  	[hbm4b:s6+s2] =	stream.indirect_vreg.scatter [tilespmem:s12], [sflag:$0x1], $0x80, v4, vm0, $0xb8;
	[tilespmem:$0x18200] =	vst v63  }
0xa9: {  	s15 =	simm.s32 $0x16A00  }
0xaa: {  	[hbm4b:s3+s2] =	stream.indirect_vreg.scatter [tilespmem:s15], [sflag:$0x1], $0x80, v3, vm0, $0xb8;
	[tilespmem:$0x18200] =	vst v63  }
0xab: {  	s16 =	simm.s32 $0x17200  }
0xac: {  	[hbm4b:s5+s2] =	stream.indirect_vreg.scatter [tilespmem:s16], [sflag:$0x1], $0x80, v3, vm0, $0xb8;
	[tilespmem:$0x18200] =	vst v63  }
0xad: {  	s19 =	simm.s32 $0x17A00  }
0xae: {  	[hbm4b:s6+s2] =	stream.indirect_vreg.scatter [tilespmem:s19], [sflag:$0x1], $0x80, v3, vm0, $0xb8;
	[tilespmem:$0x18200] =	vst v63  }
0xaf: {  	_ =	swait.ge [sflag:s4], $0x18000  }
0xb0: {  	[sflag:s4] =	ssyncset.done $0x0  }
0xb1: {  	s20 =	rddreg [dreg:$0x4];
	[sflag:s4] =	ssyncadd.s32 $0xFFFE8000  }
0xb2: {  	[tilespmem:s29], [sflag:$0x2] =	stream.linear.gather [hbm4b:s20+s2], $0x18000, $0x38;
	[tilespmem:$0x18200] =	vst v63  }
0xb3: {  	_ =	swait.ge [sflag:s8], $0x18000  }
0xb4: {  	[sflag:s8] =	ssyncset.done $0x0  }
0xb5: {  	[sflag:s8] =	ssyncadd.s32 $0xFFFE8000  }
0xb6: {  	v3 =	vld [tilespmem:$0x80];
	_ =	sdelay $0x4  }
0xb7: {  	v40 =	vshrl.u32 v3, $0x3  }
0xb8: {  	v4 =	vmul.u32 $0x30, v40  }
0xb9: {  	v3 =	vand.u32 $0x7, v3  }
0xba: {  	v3 =	vor.u32 v3, v4  }
0xbb: {  	v4 =	vperm.xlane v3, v0;
	_ =	sdelay $0x1  }
0xbc: {  	v4 =	vadd.s32 v1, v4;
	_ =	sdelay $0x3  }
0xbd: {  	v3 =	vperm.xlane v3, v2  }
0xbe: {  	[hbm4b:s3+s2] =	stream.indirect_vreg.scatter [tilespmem:s29], [sflag:$0x1], $0x80, v4, vm0, $0xb8;
	[tilespmem:$0x18200] =	vst v63  }
0xbf: {  	s1 =	simm.s32 $0xA00;
	v3 =	vadd.s32 v1, v3  }
0xc0: {  	[hbm4b:s5+s2] =	stream.indirect_vreg.scatter [tilespmem:s1], [sflag:$0x1], $0x80, v4, vm0, $0xb8;
	[tilespmem:$0x18200] =	vst v63  }
0xc1: {  	s9 =	simm.s32 $0x1200  }
0xc2: {  	[hbm4b:s6+s2] =	stream.indirect_vreg.scatter [tilespmem:s9], [sflag:$0x1], $0x80, v4, vm0, $0xb8;
	[tilespmem:$0x18200] =	vst v63  }
0xc3: {  	s11 =	simm.s32 $0x1A00  }
0xc4: {  	[hbm4b:s3+s2] =	stream.indirect_vreg.scatter [tilespmem:s11], [sflag:$0x1], $0x80, v3, vm0, $0xb8;
	[tilespmem:$0x18200] =	vst v63  }
0xc5: {  	s12 =	simm.s32 $0x2200  }
0xc6: {  	[hbm4b:s5+s2] =	stream.indirect_vreg.scatter [tilespmem:s12], [sflag:$0x1], $0x80, v3, vm0, $0xb8;
	[tilespmem:$0x18200] =	vst v63  }
0xc7: {  	s13 =	simm.s32 $0x2A00  }
0xc8: {  	[hbm4b:s6+s2] =	stream.indirect_vreg.scatter [tilespmem:s13], [sflag:$0x1], $0x80, v3, vm0, $0xb8;
	[tilespmem:$0x18200] =	vst v63  }
0xc9: {  	v3 =	vld [tilespmem:$0x90];
	_ =	sdelay $0x4  }
0xca: {  	v41 =	vshrl.u32 v3, $0x3  }
0xcb: {  	v4 =	vmul.u32 $0x30, v41  }
0xcc: {  	v3 =	vand.u32 $0x7, v3  }
0xcd: {  	v3 =	vor.u32 v3, v4  }
0xce: {  	v4 =	vperm.xlane v3, v0;
	_ =	sdelay $0x1  }
0xcf: {  	v4 =	vadd.s32 v1, v4;
	_ =	sdelay $0x3  }
0xd0: {  	s14 =	simm.s32 $0x3200;
	v3 =	vperm.xlane v3, v2  }
0xd1: {  	[hbm4b:s3+s2] =	stream.indirect_vreg.scatter [tilespmem:s14], [sflag:$0x1], $0x80, v4, vm0, $0xb8;
	[tilespmem:$0x18200] =	vst v63  }
0xd2: {  	s13 =	simm.s32 $0x3A00;
	v3 =	vadd.s32 v1, v3  }
0xd3: {  	[hbm4b:s5+s2] =	stream.indirect_vreg.scatter [tilespmem:s13], [sflag:$0x1], $0x80, v4, vm0, $0xb8;
	[tilespmem:$0x18200] =	vst v63  }
0xd4: {  	s14 =	simm.s32 $0x4200  }
0xd5: {  	[hbm4b:s6+s2] =	stream.indirect_vreg.scatter [tilespmem:s14], [sflag:$0x1], $0x80, v4, vm0, $0xb8;
	[tilespmem:$0x18200] =	vst v63  }
0xd6: {  	s15 =	simm.s32 $0x4A00  }
0xd7: {  	[hbm4b:s3+s2] =	stream.indirect_vreg.scatter [tilespmem:s15], [sflag:$0x1], $0x80, v3, vm0, $0xb8;
	[tilespmem:$0x18200] =	vst v63  }
0xd8: {  	s16 =	simm.s32 $0x5200  }
0xd9: {  	[hbm4b:s5+s2] =	stream.indirect_vreg.scatter [tilespmem:s16], [sflag:$0x1], $0x80, v3, vm0, $0xb8;
	[tilespmem:$0x18200] =	vst v63  }
0xda: {  	s17 =	simm.s32 $0x5A00  }
0xdb: {  	[hbm4b:s6+s2] =	stream.indirect_vreg.scatter [tilespmem:s17], [sflag:$0x1], $0x80, v3, vm0, $0xb8;
	[tilespmem:$0x18200] =	vst v63  }
0xdc: {  	v3 =	vld [tilespmem:$0xA0];
	_ =	sdelay $0x4  }
0xdd: {  	v42 =	vshrl.u32 v3, $0x3  }
0xde: {  	v4 =	vmul.u32 $0x30, v42  }
0xdf: {  	v3 =	vand.u32 $0x7, v3  }
0xe0: {  	v3 =	vor.u32 v3, v4  }
0xe1: {  	v4 =	vperm.xlane v3, v0;
	_ =	sdelay $0x1  }
0xe2: {  	v4 =	vadd.s32 v1, v4;
	_ =	sdelay $0x3  }
0xe3: {  	s18 =	simm.s32 $0x6200;
	v3 =	vperm.xlane v3, v2  }
0xe4: {  	[hbm4b:s3+s2] =	stream.indirect_vreg.scatter [tilespmem:s18], [sflag:$0x1], $0x80, v4, vm0, $0xb8;
	[tilespmem:$0x18200] =	vst v63  }
0xe5: {  	s17 =	simm.s32 $0x6A00;
	v3 =	vadd.s32 v1, v3  }
0xe6: {  	[hbm4b:s5+s2] =	stream.indirect_vreg.scatter [tilespmem:s17], [sflag:$0x1], $0x80, v4, vm0, $0xb8;
	[tilespmem:$0x18200] =	vst v63  }
0xe7: {  	s18 =	simm.s32 $0x7200  }
0xe8: {  	[hbm4b:s6+s2] =	stream.indirect_vreg.scatter [tilespmem:s18], [sflag:$0x1], $0x80, v4, vm0, $0xb8;
	[tilespmem:$0x18200] =	vst v63  }
0xe9: {  	s19 =	simm.s32 $0x7A00  }
0xea: {  	[hbm4b:s3+s2] =	stream.indirect_vreg.scatter [tilespmem:s19], [sflag:$0x1], $0x80, v3, vm0, $0xb8;
	[tilespmem:$0x18200] =	vst v63  }
0xeb: {  	s20 =	simm.s32 $0x8200  }
0xec: {  	[hbm4b:s5+s2] =	stream.indirect_vreg.scatter [tilespmem:s20], [sflag:$0x1], $0x80, v3, vm0, $0xb8;
	[tilespmem:$0x18200] =	vst v63  }
0xed: {  	s21 =	simm.s32 $0x8A00  }
0xee: {  	[hbm4b:s6+s2] =	stream.indirect_vreg.scatter [tilespmem:s21], [sflag:$0x1], $0x80, v3, vm0, $0xb8;
	[tilespmem:$0x18200] =	vst v63  }
0xef: {  	v3 =	vld [tilespmem:$0xB0];
	_ =	sdelay $0x4  }
0xf0: {  	v43 =	vshrl.u32 v3, $0x3  }
0xf1: {  	v4 =	vmul.u32 $0x30, v43  }
0xf2: {  	v3 =	vand.u32 $0x7, v3  }
0xf3: {  	v3 =	vor.u32 v3, v4  }
0xf4: {  	v4 =	vperm.xlane v3, v0;
	_ =	sdelay $0x1  }
0xf5: {  	v4 =	vadd.s32 v1, v4;
	_ =	sdelay $0x3  }
0xf6: {  	s22 =	simm.s32 $0x9200;
	v3 =	vperm.xlane v3, v2  }
0xf7: {  	[hbm4b:s3+s2] =	stream.indirect_vreg.scatter [tilespmem:s22], [sflag:$0x1], $0x80, v4, vm0, $0xb8;
	[tilespmem:$0x18200] =	vst v63  }
0xf8: {  	s21 =	simm.s32 $0x9A00;
	v3 =	vadd.s32 v1, v3  }
0xf9: {  	[hbm4b:s5+s2] =	stream.indirect_vreg.scatter [tilespmem:s21], [sflag:$0x1], $0x80, v4, vm0, $0xb8;
	[tilespmem:$0x18200] =	vst v63  }
0xfa: {  	s22 =	simm.s32 $0xA200  }
0xfb: {  	[hbm4b:s6+s2] =	stream.indirect_vreg.scatter [tilespmem:s22], [sflag:$0x1], $0x80, v4, vm0, $0xb8;
	[tilespmem:$0x18200] =	vst v63  }
0xfc: {  	s0 =	simm.s32 $0xAA00  }
0xfd: {  	[hbm4b:s3+s2] =	stream.indirect_vreg.scatter [tilespmem:s0], [sflag:$0x1], $0x80, v3, vm0, $0xb8;
	[tilespmem:$0x18200] =	vst v63  }
0xfe: {  	s10 =	simm.s32 $0xB200  }
0xff: {  	[hbm4b:s5+s2] =	stream.indirect_vreg.scatter [tilespmem:s10], [sflag:$0x1], $0x80, v3, vm0, $0xb8;
	[tilespmem:$0x18200] =	vst v63  }
0x100: {  	s23 =	simm.s32 $0xBA00  }
0x101: {  	[hbm4b:s6+s2] =	stream.indirect_vreg.scatter [tilespmem:s23], [sflag:$0x1], $0x80, v3, vm0, $0xb8;
	[tilespmem:$0x18200] =	vst v63  }
0x102: {  	v3 =	vld [tilespmem:$0xC0];
	_ =	sdelay $0x4  }
0x103: {  	v44 =	vshrl.u32 v3, $0x3  }
0x104: {  	v4 =	vmul.u32 $0x30, v44  }
0x105: {  	v3 =	vand.u32 $0x7, v3  }
0x106: {  	v3 =	vor.u32 v3, v4  }
0x107: {  	v4 =	vperm.xlane v3, v0;
	_ =	sdelay $0x1  }
0x108: {  	v4 =	vadd.s32 v1, v4;
	_ =	sdelay $0x3  }
0x109: {  	s24 =	simm.s32 $0xC200;
	v3 =	vperm.xlane v3, v2  }
0x10a: {  	[hbm4b:s3+s2] =	stream.indirect_vreg.scatter [tilespmem:s24], [sflag:$0x1], $0x80, v4, vm0, $0xb8;
	[tilespmem:$0x18200] =	vst v63  }
0x10b: {  	s23 =	simm.s32 $0xCA00;
	v3 =	vadd.s32 v1, v3  }
0x10c: {  	[hbm4b:s5+s2] =	stream.indirect_vreg.scatter [tilespmem:s23], [sflag:$0x1], $0x80, v4, vm0, $0xb8;
	[tilespmem:$0x18200] =	vst v63  }
0x10d: {  	s24 =	simm.s32 $0xD200  }
0x10e: {  	[hbm4b:s6+s2] =	stream.indirect_vreg.scatter [tilespmem:s24], [sflag:$0x1], $0x80, v4, vm0, $0xb8;
	[tilespmem:$0x18200] =	vst v63  }
0x10f: {  	s10 =	simm.s32 $0xDA00  }
0x110: {  	[hbm4b:s3+s2] =	stream.indirect_vreg.scatter [tilespmem:s10], [sflag:$0x1], $0x80, v3, vm0, $0xb8;
	[tilespmem:$0x18200] =	vst v63  }
0x111: {  	s10 =	simm.s32 $0xE200  }
0x112: {  	[hbm4b:s5+s2] =	stream.indirect_vreg.scatter [tilespmem:s10], [sflag:$0x1], $0x80, v3, vm0, $0xb8;
	[tilespmem:$0x18200] =	vst v63  }
0x113: {  	s25 =	simm.s32 $0xEA00  }
0x114: {  	[hbm4b:s6+s2] =	stream.indirect_vreg.scatter [tilespmem:s25], [sflag:$0x1], $0x80, v3, vm0, $0xb8;
	[tilespmem:$0x18200] =	vst v63  }
0x115: {  	v3 =	vld [tilespmem:$0xD0];
	_ =	sdelay $0x4  }
0x116: {  	v45 =	vshrl.u32 v3, $0x3  }
0x117: {  	v4 =	vmul.u32 $0x30, v45  }
0x118: {  	v3 =	vand.u32 $0x7, v3  }
0x119: {  	v3 =	vor.u32 v3, v4  }
0x11a: {  	v4 =	vperm.xlane v3, v0;
	_ =	sdelay $0x1  }
0x11b: {  	v4 =	vadd.s32 v1, v4;
	_ =	sdelay $0x3  }
0x11c: {  	s26 =	simm.s32 $0xF200;
	v3 =	vperm.xlane v3, v2  }
0x11d: {  	[hbm4b:s3+s2] =	stream.indirect_vreg.scatter [tilespmem:s26], [sflag:$0x1], $0x80, v4, vm0, $0xb8;
	[tilespmem:$0x18200] =	vst v63  }
0x11e: {  	s25 =	simm.s32 $0xFA00;
	v3 =	vadd.s32 v1, v3  }
0x11f: {  	[hbm4b:s5+s2] =	stream.indirect_vreg.scatter [tilespmem:s25], [sflag:$0x1], $0x80, v4, vm0, $0xb8;
	[tilespmem:$0x18200] =	vst v63  }
0x120: {  	s26 =	simm.s32 $0x10200  }
0x121: {  	[hbm4b:s6+s2] =	stream.indirect_vreg.scatter [tilespmem:s26], [sflag:$0x1], $0x80, v4, vm0, $0xb8;
	[tilespmem:$0x18200] =	vst v63  }
0x122: {  	s25 =	simm.s32 $0x10A00  }
0x123: {  	[hbm4b:s3+s2] =	stream.indirect_vreg.scatter [tilespmem:s25], [sflag:$0x1], $0x80, v3, vm0, $0xb8;
	[tilespmem:$0x18200] =	vst v63  }
0x124: {  	s26 =	simm.s32 $0x11200  }
0x125: {  	[hbm4b:s5+s2] =	stream.indirect_vreg.scatter [tilespmem:s26], [sflag:$0x1], $0x80, v3, vm0, $0xb8;
	[tilespmem:$0x18200] =	vst v63  }
0x126: {  	s28 =	simm.s32 $0x11A00  }
0x127: {  	[hbm4b:s6+s2] =	stream.indirect_vreg.scatter [tilespmem:s28], [sflag:$0x1], $0x80, v3, vm0, $0xb8;
	[tilespmem:$0x18200] =	vst v63  }
0x128: {  	v3 =	vld [tilespmem:$0xE0];
	_ =	sdelay $0x4  }
0x129: {  	v46 =	vshrl.u32 v3, $0x3  }
0x12a: {  	v4 =	vmul.u32 $0x30, v46  }
0x12b: {  	v3 =	vand.u32 $0x7, v3  }
0x12c: {  	v3 =	vor.u32 v3, v4  }
0x12d: {  	v4 =	vperm.xlane v3, v0;
	_ =	sdelay $0x1  }
0x12e: {  	v4 =	vadd.s32 v1, v4;
	_ =	sdelay $0x3  }
0x12f: {  	s30 =	simm.s32 $0x12200;
	v3 =	vperm.xlane v3, v2  }
0x130: {  	[hbm4b:s3+s2] =	stream.indirect_vreg.scatter [tilespmem:s30], [sflag:$0x1], $0x80, v4, vm0, $0xb8;
	[tilespmem:$0x18200] =	vst v63  }
0x131: {  	s25 =	simm.s32 $0x12A00;
	v3 =	vadd.s32 v1, v3  }
0x132: {  	[hbm4b:s5+s2] =	stream.indirect_vreg.scatter [tilespmem:s25], [sflag:$0x1], $0x80, v4, vm0, $0xb8;
	[tilespmem:$0x18200] =	vst v63  }
0x133: {  	s26 =	simm.s32 $0x13200  }
0x134: {  	[hbm4b:s6+s2] =	stream.indirect_vreg.scatter [tilespmem:s26], [sflag:$0x1], $0x80, v4, vm0, $0xb8;
	[tilespmem:$0x18200] =	vst v63  }
0x135: {  	s28 =	simm.s32 $0x13A00  }
0x136: {  	[hbm4b:s3+s2] =	stream.indirect_vreg.scatter [tilespmem:s28], [sflag:$0x1], $0x80, v3, vm0, $0xb8;
	[tilespmem:$0x18200] =	vst v63  }
0x137: {  	s30 =	simm.s32 $0x14200  }
0x138: {  	[hbm4b:s5+s2] =	stream.indirect_vreg.scatter [tilespmem:s30], [sflag:$0x1], $0x80, v3, vm0, $0xb8;
	[tilespmem:$0x18200] =	vst v63  }
0x139: {  	s31 =	simm.s32 $0x14A00  }
0x13a: {  	[hbm4b:s6+s2] =	stream.indirect_vreg.scatter [tilespmem:s31], [sflag:$0x1], $0x80, v3, vm0, $0xb8;
	[tilespmem:$0x18200] =	vst v63  }
0x13b: {  	v3 =	vld [tilespmem:$0xF0];
	_ =	sdelay $0x4  }
0x13c: {  	v47 =	vshrl.u32 v3, $0x3  }
0x13d: {  	v4 =	vmul.u32 $0x30, v47  }
0x13e: {  	v3 =	vand.u32 $0x7, v3  }
0x13f: {  	v3 =	vor.u32 v3, v4  }
0x140: {  	v4 =	vperm.xlane v3, v0;
	_ =	sdelay $0x1  }
0x141: {  	v4 =	vadd.s32 v1, v4;
	_ =	sdelay $0x3  }
0x142: {  	s25 =	simm.s32 $0x15200;
	v3 =	vperm.xlane v3, v2  }
0x143: {  	[hbm4b:s3+s2] =	stream.indirect_vreg.scatter [tilespmem:s25], [sflag:$0x1], $0x80, v4, vm0, $0xb8;
	[tilespmem:$0x18200] =	vst v63  }
0x144: {  	s26 =	simm.s32 $0x15A00;
	v3 =	vadd.s32 v1, v3  }
0x145: {  	[hbm4b:s5+s2] =	stream.indirect_vreg.scatter [tilespmem:s26], [sflag:$0x1], $0x80, v4, vm0, $0xb8;
	[tilespmem:$0x18200] =	vst v63  }
0x146: {  	s28 =	simm.s32 $0x16200  }
0x147: {  	[hbm4b:s6+s2] =	stream.indirect_vreg.scatter [tilespmem:s28], [sflag:$0x1], $0x80, v4, vm0, $0xb8;
	[tilespmem:$0x18200] =	vst v63  }
0x148: {  	s30 =	simm.s32 $0x16A00  }
0x149: {  	[hbm4b:s3+s2] =	stream.indirect_vreg.scatter [tilespmem:s30], [sflag:$0x1], $0x80, v3, vm0, $0xb8;
	[tilespmem:$0x18200] =	vst v63  }
0x14a: {  	s31 =	simm.s32 $0x17200  }
0x14b: {  	[hbm4b:s5+s2] =	stream.indirect_vreg.scatter [tilespmem:s31], [sflag:$0x1], $0x80, v3, vm0, $0xb8;
	[tilespmem:$0x18200] =	vst v63  }
0x14c: {  	s25 =	simm.s32 $0x17A00  }
0x14d: {  	[hbm4b:s6+s2] =	stream.indirect_vreg.scatter [tilespmem:s25], [sflag:$0x1], $0x80, v3, vm0, $0xb8;
	[tilespmem:$0x18200] =	vst v63  }
0x14e: {  	_ =	swait.ge [sflag:s4], $0x18000  }
0x14f: {  	[sflag:s4] =	ssyncset.done $0x0  }
0x150: {  	s26 =	rddreg [dreg:$0x5];
	[sflag:s4] =	ssyncadd.s32 $0xFFFE8000  }
0x151: {  	[tilespmem:s29], [sflag:$0x2] =	stream.linear.gather [hbm4b:s26+s2], $0x18000, $0x38;
	[tilespmem:$0x18200] =	vst v63  }
0x152: {  	_ =	swait.ge [sflag:s8], $0x18000  }
0x153: {  	[sflag:s8] =	ssyncset.done $0x0  }
0x154: {  	[sflag:s8] =	ssyncadd.s32 $0xFFFE8000  }
0x155: {  	v3 =	vld [tilespmem:$0x100];
	_ =	sdelay $0x4  }
0x156: {  	v48 =	vshrl.u32 v3, $0x3  }
0x157: {  	v4 =	vmul.u32 $0x30, v48  }
0x158: {  	v3 =	vand.u32 $0x7, v3  }
0x159: {  	v3 =	vor.u32 v3, v4  }
0x15a: {  	v4 =	vperm.xlane v3, v0;
	_ =	sdelay $0x1  }
0x15b: {  	v4 =	vadd.s32 v1, v4;
	_ =	sdelay $0x3  }
0x15c: {  	v3 =	vperm.xlane v3, v2  }
0x15d: {  	[hbm4b:s3+s2] =	stream.indirect_vreg.scatter [tilespmem:s29], [sflag:$0x1], $0x80, v4, vm0, $0xb8;
	[tilespmem:$0x18200] =	vst v63  }
0x15e: {  	v3 =	vadd.s32 v1, v3  }
0x15f: {  	[hbm4b:s5+s2] =	stream.indirect_vreg.scatter [tilespmem:s1], [sflag:$0x1], $0x80, v4, vm0, $0xb8;
	[tilespmem:$0x18200] =	vst v63  }
0x160: {  	_ = 	snop  }
0x161: {  	[hbm4b:s6+s2] =	stream.indirect_vreg.scatter [tilespmem:s9], [sflag:$0x1], $0x80, v4, vm0, $0xb8;
	[tilespmem:$0x18200] =	vst v63  }
0x162: {  	_ = 	snop  }
0x163: {  	[hbm4b:s3+s2] =	stream.indirect_vreg.scatter [tilespmem:s11], [sflag:$0x1], $0x80, v3, vm0, $0xb8;
	[tilespmem:$0x18200] =	vst v63  }
0x164: {  	_ = 	snop  }
0x165: {  	[hbm4b:s5+s2] =	stream.indirect_vreg.scatter [tilespmem:s12], [sflag:$0x1], $0x80, v3, vm0, $0xb8;
	[tilespmem:$0x18200] =	vst v63  }
0x166: {  	s28 =	simm.s32 $0x2A00  }
0x167: {  	[hbm4b:s6+s2] =	stream.indirect_vreg.scatter [tilespmem:s28], [sflag:$0x1], $0x80, v3, vm0, $0xb8;
	[tilespmem:$0x18200] =	vst v63  }
0x168: {  	v3 =	vld [tilespmem:$0x110];
	_ =	sdelay $0x4  }
0x169: {  	v49 =	vshrl.u32 v3, $0x3  }
0x16a: {  	v4 =	vmul.u32 $0x30, v49  }
0x16b: {  	v3 =	vand.u32 $0x7, v3  }
0x16c: {  	v3 =	vor.u32 v3, v4  }
0x16d: {  	v4 =	vperm.xlane v3, v0;
	_ =	sdelay $0x1  }
0x16e: {  	v4 =	vadd.s32 v1, v4;
	_ =	sdelay $0x3  }
0x16f: {  	s30 =	simm.s32 $0x3200;
	v3 =	vperm.xlane v3, v2  }
0x170: {  	[hbm4b:s3+s2] =	stream.indirect_vreg.scatter [tilespmem:s30], [sflag:$0x1], $0x80, v4, vm0, $0xb8;
	[tilespmem:$0x18200] =	vst v63  }
0x171: {  	v3 =	vadd.s32 v1, v3  }
0x172: {  	[hbm4b:s5+s2] =	stream.indirect_vreg.scatter [tilespmem:s13], [sflag:$0x1], $0x80, v4, vm0, $0xb8;
	[tilespmem:$0x18200] =	vst v63  }
0x173: {  	_ = 	snop  }
0x174: {  	[hbm4b:s6+s2] =	stream.indirect_vreg.scatter [tilespmem:s14], [sflag:$0x1], $0x80, v4, vm0, $0xb8;
	[tilespmem:$0x18200] =	vst v63  }
0x175: {  	_ = 	snop  }
0x176: {  	[hbm4b:s3+s2] =	stream.indirect_vreg.scatter [tilespmem:s15], [sflag:$0x1], $0x80, v3, vm0, $0xb8;
	[tilespmem:$0x18200] =	vst v63  }
0x177: {  	_ = 	snop  }
0x178: {  	[hbm4b:s5+s2] =	stream.indirect_vreg.scatter [tilespmem:s16], [sflag:$0x1], $0x80, v3, vm0, $0xb8;
	[tilespmem:$0x18200] =	vst v63  }
0x179: {  	s31 =	simm.s32 $0x5A00  }
0x17a: {  	[hbm4b:s6+s2] =	stream.indirect_vreg.scatter [tilespmem:s31], [sflag:$0x1], $0x80, v3, vm0, $0xb8;
	[tilespmem:$0x18200] =	vst v63  }
0x17b: {  	v3 =	vld [tilespmem:$0x120];
	_ =	sdelay $0x4  }
0x17c: {  	v50 =	vshrl.u32 v3, $0x3  }
0x17d: {  	v4 =	vmul.u32 $0x30, v50  }
0x17e: {  	v3 =	vand.u32 $0x7, v3  }
0x17f: {  	v3 =	vor.u32 v3, v4  }
0x180: {  	v4 =	vperm.xlane v3, v0;
	_ =	sdelay $0x1  }
0x181: {  	v4 =	vadd.s32 v1, v4;
	_ =	sdelay $0x3  }
0x182: {  	s25 =	simm.s32 $0x6200;
	v3 =	vperm.xlane v3, v2  }
0x183: {  	[hbm4b:s3+s2] =	stream.indirect_vreg.scatter [tilespmem:s25], [sflag:$0x1], $0x80, v4, vm0, $0xb8;
	[tilespmem:$0x18200] =	vst v63  }
0x184: {  	v3 =	vadd.s32 v1, v3  }
0x185: {  	[hbm4b:s5+s2] =	stream.indirect_vreg.scatter [tilespmem:s17], [sflag:$0x1], $0x80, v4, vm0, $0xb8;
	[tilespmem:$0x18200] =	vst v63  }
0x186: {  	_ = 	snop  }
0x187: {  	[hbm4b:s6+s2] =	stream.indirect_vreg.scatter [tilespmem:s18], [sflag:$0x1], $0x80, v4, vm0, $0xb8;
	[tilespmem:$0x18200] =	vst v63  }
0x188: {  	_ = 	snop  }
0x189: {  	[hbm4b:s3+s2] =	stream.indirect_vreg.scatter [tilespmem:s19], [sflag:$0x1], $0x80, v3, vm0, $0xb8;
	[tilespmem:$0x18200] =	vst v63  }
0x18a: {  	_ = 	snop  }
0x18b: {  	[hbm4b:s5+s2] =	stream.indirect_vreg.scatter [tilespmem:s20], [sflag:$0x1], $0x80, v3, vm0, $0xb8;
	[tilespmem:$0x18200] =	vst v63  }
0x18c: {  	s26 =	simm.s32 $0x8A00  }
0x18d: {  	[hbm4b:s6+s2] =	stream.indirect_vreg.scatter [tilespmem:s26], [sflag:$0x1], $0x80, v3, vm0, $0xb8;
	[tilespmem:$0x18200] =	vst v63  }
0x18e: {  	v3 =	vld [tilespmem:$0x130];
	_ =	sdelay $0x4  }
0x18f: {  	v51 =	vshrl.u32 v3, $0x3  }
0x190: {  	v4 =	vmul.u32 $0x30, v51  }
0x191: {  	v3 =	vand.u32 $0x7, v3  }
0x192: {  	v3 =	vor.u32 v3, v4  }
0x193: {  	v4 =	vperm.xlane v3, v0;
	_ =	sdelay $0x1  }
0x194: {  	v4 =	vadd.s32 v1, v4;
	_ =	sdelay $0x3  }
0x195: {  	s28 =	simm.s32 $0x9200;
	v3 =	vperm.xlane v3, v2  }
0x196: {  	[hbm4b:s3+s2] =	stream.indirect_vreg.scatter [tilespmem:s28], [sflag:$0x1], $0x80, v4, vm0, $0xb8;
	[tilespmem:$0x18200] =	vst v63  }
0x197: {  	v3 =	vadd.s32 v1, v3  }
0x198: {  	[hbm4b:s5+s2] =	stream.indirect_vreg.scatter [tilespmem:s21], [sflag:$0x1], $0x80, v4, vm0, $0xb8;
	[tilespmem:$0x18200] =	vst v63  }
0x199: {  	_ = 	snop  }
0x19a: {  	[hbm4b:s6+s2] =	stream.indirect_vreg.scatter [tilespmem:s22], [sflag:$0x1], $0x80, v4, vm0, $0xb8;
	[tilespmem:$0x18200] =	vst v63  }
0x19b: {  	_ = 	snop  }
0x19c: {  	[hbm4b:s3+s2] =	stream.indirect_vreg.scatter [tilespmem:s0], [sflag:$0x1], $0x80, v3, vm0, $0xb8;
	[tilespmem:$0x18200] =	vst v63  }
0x19d: {  	s30 =	simm.s32 $0xB200  }
0x19e: {  	[hbm4b:s5+s2] =	stream.indirect_vreg.scatter [tilespmem:s30], [sflag:$0x1], $0x80, v3, vm0, $0xb8;
	[tilespmem:$0x18200] =	vst v63  }
0x19f: {  	s31 =	simm.s32 $0xBA00  }
0x1a0: {  	[hbm4b:s6+s2] =	stream.indirect_vreg.scatter [tilespmem:s31], [sflag:$0x1], $0x80, v3, vm0, $0xb8;
	[tilespmem:$0x18200] =	vst v63  }
0x1a1: {  	v3 =	vld [tilespmem:$0x140];
	_ =	sdelay $0x4  }
0x1a2: {  	v52 =	vshrl.u32 v3, $0x3  }
0x1a3: {  	v4 =	vmul.u32 $0x30, v52  }
0x1a4: {  	v3 =	vand.u32 $0x7, v3  }
0x1a5: {  	v3 =	vor.u32 v3, v4  }
0x1a6: {  	v4 =	vperm.xlane v3, v0;
	_ =	sdelay $0x1  }
0x1a7: {  	v4 =	vadd.s32 v1, v4;
	_ =	sdelay $0x3  }
0x1a8: {  	s25 =	simm.s32 $0xC200;
	v3 =	vperm.xlane v3, v2  }
0x1a9: {  	[hbm4b:s3+s2] =	stream.indirect_vreg.scatter [tilespmem:s25], [sflag:$0x1], $0x80, v4, vm0, $0xb8;
	[tilespmem:$0x18200] =	vst v63  }
0x1aa: {  	s23 =	simm.s32 $0xCA00;
	v3 =	vadd.s32 v1, v3  }
0x1ab: {  	[hbm4b:s5+s2] =	stream.indirect_vreg.scatter [tilespmem:s23], [sflag:$0x1], $0x80, v4, vm0, $0xb8;
	[tilespmem:$0x18200] =	vst v63  }
0x1ac: {  	s24 =	simm.s32 $0xD200  }
0x1ad: {  	[hbm4b:s6+s2] =	stream.indirect_vreg.scatter [tilespmem:s24], [sflag:$0x1], $0x80, v4, vm0, $0xb8;
	[tilespmem:$0x18200] =	vst v63  }
0x1ae: {  	s26 =	simm.s32 $0xDA00  }
0x1af: {  	[hbm4b:s3+s2] =	stream.indirect_vreg.scatter [tilespmem:s26], [sflag:$0x1], $0x80, v3, vm0, $0xb8;
	[tilespmem:$0x18200] =	vst v63  }
0x1b0: {  	s28 =	simm.s32 $0xE200  }
0x1b1: {  	[hbm4b:s5+s2] =	stream.indirect_vreg.scatter [tilespmem:s28], [sflag:$0x1], $0x80, v3, vm0, $0xb8;
	[tilespmem:$0x18200] =	vst v63  }
0x1b2: {  	s30 =	simm.s32 $0xEA00  }
0x1b3: {  	[hbm4b:s6+s2] =	stream.indirect_vreg.scatter [tilespmem:s30], [sflag:$0x1], $0x80, v3, vm0, $0xb8;
	[tilespmem:$0x18200] =	vst v63  }
0x1b4: {  	v3 =	vld [tilespmem:$0x150];
	_ =	sdelay $0x4  }
0x1b5: {  	v53 =	vshrl.u32 v3, $0x3  }
0x1b6: {  	v4 =	vmul.u32 $0x30, v53  }
0x1b7: {  	v3 =	vand.u32 $0x7, v3  }
0x1b8: {  	v3 =	vor.u32 v3, v4  }
0x1b9: {  	v4 =	vperm.xlane v3, v0;
	_ =	sdelay $0x1  }
0x1ba: {  	v4 =	vadd.s32 v1, v4;
	_ =	sdelay $0x3  }
0x1bb: {  	s31 =	simm.s32 $0xF200;
	v3 =	vperm.xlane v3, v2  }
0x1bc: {  	[hbm4b:s3+s2] =	stream.indirect_vreg.scatter [tilespmem:s31], [sflag:$0x1], $0x80, v4, vm0, $0xb8;
	[tilespmem:$0x18200] =	vst v63  }
0x1bd: {  	s28 =	simm.s32 $0xFA00;
	v3 =	vadd.s32 v1, v3  }
0x1be: {  	[hbm4b:s5+s2] =	stream.indirect_vreg.scatter [tilespmem:s28], [sflag:$0x1], $0x80, v4, vm0, $0xb8;
	[tilespmem:$0x18200] =	vst v63  }
0x1bf: {  	s30 =	simm.s32 $0x10200  }
0x1c0: {  	[hbm4b:s6+s2] =	stream.indirect_vreg.scatter [tilespmem:s30], [sflag:$0x1], $0x80, v4, vm0, $0xb8;
	[tilespmem:$0x18200] =	vst v63  }
0x1c1: {  	s31 =	simm.s32 $0x10A00  }
0x1c2: {  	[hbm4b:s3+s2] =	stream.indirect_vreg.scatter [tilespmem:s31], [sflag:$0x1], $0x80, v3, vm0, $0xb8;
	[tilespmem:$0x18200] =	vst v63  }
0x1c3: {  	s10 =	simm.s32 $0x11200  }
0x1c4: {  	[hbm4b:s5+s2] =	stream.indirect_vreg.scatter [tilespmem:s10], [sflag:$0x1], $0x80, v3, vm0, $0xb8;
	[tilespmem:$0x18200] =	vst v63  }
0x1c5: {  	s10 =	simm.s32 $0x11A00  }
0x1c6: {  	[hbm4b:s6+s2] =	stream.indirect_vreg.scatter [tilespmem:s10], [sflag:$0x1], $0x80, v3, vm0, $0xb8;
	[tilespmem:$0x18200] =	vst v63  }
0x1c7: {  	v3 =	vld [tilespmem:$0x160];
	_ =	sdelay $0x4  }
0x1c8: {  	v54 =	vshrl.u32 v3, $0x3  }
0x1c9: {  	v4 =	vmul.u32 $0x30, v54  }
0x1ca: {  	v3 =	vand.u32 $0x7, v3  }
0x1cb: {  	v3 =	vor.u32 v3, v4  }
0x1cc: {  	v4 =	vperm.xlane v3, v0;
	_ =	sdelay $0x1  }
0x1cd: {  	v4 =	vadd.s32 v1, v4;
	_ =	sdelay $0x3  }
0x1ce: {  	s10 =	simm.s32 $0x12200;
	v3 =	vperm.xlane v3, v2  }
0x1cf: {  	[hbm4b:s3+s2] =	stream.indirect_vreg.scatter [tilespmem:s10], [sflag:$0x1], $0x80, v4, vm0, $0xb8;
	[tilespmem:$0x18200] =	vst v63  }
0x1d0: {  	v3 =	vadd.s32 v1, v3;
	s10 =	simm.s32 $0x12A00  }
0x1d1: {  	[hbm4b:s5+s2] =	stream.indirect_vreg.scatter [tilespmem:s10], [sflag:$0x1], $0x80, v4, vm0, $0xb8;
	[tilespmem:$0x18200] =	vst v63  }
0x1d2: {  	s10 =	simm.s32 $0x13200  }
0x1d3: {  	[hbm4b:s6+s2] =	stream.indirect_vreg.scatter [tilespmem:s10], [sflag:$0x1], $0x80, v4, vm0, $0xb8;
	[tilespmem:$0x18200] =	vst v63  }
0x1d4: {  	s10 =	simm.s32 $0x13A00  }
0x1d5: {  	[hbm4b:s3+s2] =	stream.indirect_vreg.scatter [tilespmem:s10], [sflag:$0x1], $0x80, v3, vm0, $0xb8;
	[tilespmem:$0x18200] =	vst v63  }
0x1d6: {  	s10 =	simm.s32 $0x14200  }
0x1d7: {  	[hbm4b:s5+s2] =	stream.indirect_vreg.scatter [tilespmem:s10], [sflag:$0x1], $0x80, v3, vm0, $0xb8;
	[tilespmem:$0x18200] =	vst v63  }
0x1d8: {  	s10 =	simm.s32 $0x14A00  }
0x1d9: {  	[hbm4b:s6+s2] =	stream.indirect_vreg.scatter [tilespmem:s10], [sflag:$0x1], $0x80, v3, vm0, $0xb8;
	[tilespmem:$0x18200] =	vst v63  }
0x1da: {  	v3 =	vld [tilespmem:$0x170];
	_ =	sdelay $0x4  }
0x1db: {  	v55 =	vshrl.u32 v3, $0x3  }
0x1dc: {  	v4 =	vmul.u32 $0x30, v55  }
0x1dd: {  	v3 =	vand.u32 $0x7, v3  }
0x1de: {  	v3 =	vor.u32 v3, v4  }
0x1df: {  	v4 =	vperm.xlane v3, v0;
	_ =	sdelay $0x1  }
0x1e0: {  	v4 =	vadd.s32 v1, v4;
	_ =	sdelay $0x3  }
0x1e1: {  	s10 =	simm.s32 $0x15200;
	v3 =	vperm.xlane v3, v2  }
0x1e2: {  	[hbm4b:s3+s2] =	stream.indirect_vreg.scatter [tilespmem:s10], [sflag:$0x1], $0x80, v4, vm0, $0xb8;
	[tilespmem:$0x18200] =	vst v63  }
0x1e3: {  	v3 =	vadd.s32 v1, v3;
	s10 =	simm.s32 $0x15A00  }
0x1e4: {  	[hbm4b:s5+s2] =	stream.indirect_vreg.scatter [tilespmem:s10], [sflag:$0x1], $0x80, v4, vm0, $0xb8;
	[tilespmem:$0x18200] =	vst v63  }
0x1e5: {  	s10 =	simm.s32 $0x16200  }
0x1e6: {  	[hbm4b:s6+s2] =	stream.indirect_vreg.scatter [tilespmem:s10], [sflag:$0x1], $0x80, v4, vm0, $0xb8;
	[tilespmem:$0x18200] =	vst v63  }
0x1e7: {  	s10 =	simm.s32 $0x16A00  }
0x1e8: {  	[hbm4b:s3+s2] =	stream.indirect_vreg.scatter [tilespmem:s10], [sflag:$0x1], $0x80, v3, vm0, $0xb8;
	[tilespmem:$0x18200] =	vst v63  }
0x1e9: {  	s10 =	simm.s32 $0x17200  }
0x1ea: {  	[hbm4b:s5+s2] =	stream.indirect_vreg.scatter [tilespmem:s10], [sflag:$0x1], $0x80, v3, vm0, $0xb8;
	[tilespmem:$0x18200] =	vst v63  }
0x1eb: {  	s10 =	simm.s32 $0x17A00  }
0x1ec: {  	[hbm4b:s6+s2] =	stream.indirect_vreg.scatter [tilespmem:s10], [sflag:$0x1], $0x80, v3, vm0, $0xb8;
	[tilespmem:$0x18200] =	vst v63  }
0x1ed: {  	_ =	swait.ge [sflag:s4], $0x18000  }
0x1ee: {  	[sflag:s4] =	ssyncset.done $0x0  }
0x1ef: {  	s10 =	rddreg [dreg:$0x6];
	[sflag:s4] =	ssyncadd.s32 $0xFFFE8000  }
0x1f0: {  	[tilespmem:s29], [sflag:$0x2] =	stream.linear.gather [hbm4b:s10+s2], $0x18000, $0x38;
	[tilespmem:$0x18200] =	vst v63  }
0x1f1: {  	_ =	swait.ge [sflag:s8], $0x18000  }
0x1f2: {  	[sflag:s8] =	ssyncset.done $0x0  }
0x1f3: {  	[sflag:s8] =	ssyncadd.s32 $0xFFFE8000  }
0x1f4: {  	v3 =	vld [tilespmem:$0x180];
	_ =	sdelay $0x4  }
0x1f5: {  	v56 =	vshrl.u32 v3, $0x3  }
0x1f6: {  	v4 =	vmul.u32 $0x30, v56  }
0x1f7: {  	v3 =	vand.u32 $0x7, v3  }
0x1f8: {  	v3 =	vor.u32 v3, v4  }
0x1f9: {  	v4 =	vperm.xlane v3, v0;
	_ =	sdelay $0x1  }
0x1fa: {  	v4 =	vadd.s32 v1, v4;
	_ =	sdelay $0x3  }
0x1fb: {  	v3 =	vperm.xlane v3, v2  }
0x1fc: {  	[hbm4b:s3+s2] =	stream.indirect_vreg.scatter [tilespmem:s29], [sflag:$0x1], $0x80, v4, vm0, $0xb8;
	[tilespmem:$0x18200] =	vst v63  }
0x1fd: {  	s1 =	simm.s32 $0xA00;
	v3 =	vadd.s32 v1, v3  }
0x1fe: {  	[hbm4b:s5+s2] =	stream.indirect_vreg.scatter [tilespmem:s1], [sflag:$0x1], $0x80, v4, vm0, $0xb8;
	[tilespmem:$0x18200] =	vst v63  }
0x1ff: {  	s9 =	simm.s32 $0x1200  }
0x200: {  	[hbm4b:s6+s2] =	stream.indirect_vreg.scatter [tilespmem:s9], [sflag:$0x1], $0x80, v4, vm0, $0xb8;
	[tilespmem:$0x18200] =	vst v63  }
0x201: {  	s11 =	simm.s32 $0x1A00  }
0x202: {  	[hbm4b:s3+s2] =	stream.indirect_vreg.scatter [tilespmem:s11], [sflag:$0x1], $0x80, v3, vm0, $0xb8;
	[tilespmem:$0x18200] =	vst v63  }
0x203: {  	s12 =	simm.s32 $0x2200  }
0x204: {  	[hbm4b:s5+s2] =	stream.indirect_vreg.scatter [tilespmem:s12], [sflag:$0x1], $0x80, v3, vm0, $0xb8;
	[tilespmem:$0x18200] =	vst v63  }
0x205: {  	s11 =	simm.s32 $0x2A00  }
0x206: {  	[hbm4b:s6+s2] =	stream.indirect_vreg.scatter [tilespmem:s11], [sflag:$0x1], $0x80, v3, vm0, $0xb8;
	[tilespmem:$0x18200] =	vst v63  }
0x207: {  	v3 =	vld [tilespmem:$0x190];
	_ =	sdelay $0x4  }
0x208: {  	v57 =	vshrl.u32 v3, $0x3  }
0x209: {  	v4 =	vmul.u32 $0x30, v57  }
0x20a: {  	v3 =	vand.u32 $0x7, v3  }
0x20b: {  	v3 =	vor.u32 v3, v4  }
0x20c: {  	v4 =	vperm.xlane v3, v0;
	_ =	sdelay $0x1  }
0x20d: {  	v4 =	vadd.s32 v1, v4;
	_ =	sdelay $0x3  }
0x20e: {  	s12 =	simm.s32 $0x3200;
	v3 =	vperm.xlane v3, v2  }
0x20f: {  	[hbm4b:s3+s2] =	stream.indirect_vreg.scatter [tilespmem:s12], [sflag:$0x1], $0x80, v4, vm0, $0xb8;
	[tilespmem:$0x18200] =	vst v63  }
0x210: {  	s13 =	simm.s32 $0x3A00;
	v3 =	vadd.s32 v1, v3  }
0x211: {  	[hbm4b:s5+s2] =	stream.indirect_vreg.scatter [tilespmem:s13], [sflag:$0x1], $0x80, v4, vm0, $0xb8;
	[tilespmem:$0x18200] =	vst v63  }
0x212: {  	s14 =	simm.s32 $0x4200  }
0x213: {  	[hbm4b:s6+s2] =	stream.indirect_vreg.scatter [tilespmem:s14], [sflag:$0x1], $0x80, v4, vm0, $0xb8;
	[tilespmem:$0x18200] =	vst v63  }
0x214: {  	s15 =	simm.s32 $0x4A00  }
0x215: {  	[hbm4b:s3+s2] =	stream.indirect_vreg.scatter [tilespmem:s15], [sflag:$0x1], $0x80, v3, vm0, $0xb8;
	[tilespmem:$0x18200] =	vst v63  }
0x216: {  	s16 =	simm.s32 $0x5200  }
0x217: {  	[hbm4b:s5+s2] =	stream.indirect_vreg.scatter [tilespmem:s16], [sflag:$0x1], $0x80, v3, vm0, $0xb8;
	[tilespmem:$0x18200] =	vst v63  }
0x218: {  	s15 =	simm.s32 $0x5A00  }
0x219: {  	[hbm4b:s6+s2] =	stream.indirect_vreg.scatter [tilespmem:s15], [sflag:$0x1], $0x80, v3, vm0, $0xb8;
	[tilespmem:$0x18200] =	vst v63  }
0x21a: {  	v3 =	vld [tilespmem:$0x1A0];
	_ =	sdelay $0x4  }
0x21b: {  	v58 =	vshrl.u32 v3, $0x3  }
0x21c: {  	v4 =	vmul.u32 $0x30, v58  }
0x21d: {  	v3 =	vand.u32 $0x7, v3  }
0x21e: {  	v3 =	vor.u32 v3, v4  }
0x21f: {  	v4 =	vperm.xlane v3, v0;
	_ =	sdelay $0x1  }
0x220: {  	v4 =	vadd.s32 v1, v4;
	_ =	sdelay $0x3  }
0x221: {  	s16 =	simm.s32 $0x6200;
	v3 =	vperm.xlane v3, v2  }
0x222: {  	[hbm4b:s3+s2] =	stream.indirect_vreg.scatter [tilespmem:s16], [sflag:$0x1], $0x80, v4, vm0, $0xb8;
	[tilespmem:$0x18200] =	vst v63  }
0x223: {  	s17 =	simm.s32 $0x6A00;
	v3 =	vadd.s32 v1, v3  }
0x224: {  	[hbm4b:s5+s2] =	stream.indirect_vreg.scatter [tilespmem:s17], [sflag:$0x1], $0x80, v4, vm0, $0xb8;
	[tilespmem:$0x18200] =	vst v63  }
0x225: {  	s18 =	simm.s32 $0x7200  }
0x226: {  	[hbm4b:s6+s2] =	stream.indirect_vreg.scatter [tilespmem:s18], [sflag:$0x1], $0x80, v4, vm0, $0xb8;
	[tilespmem:$0x18200] =	vst v63  }
0x227: {  	s19 =	simm.s32 $0x7A00  }
0x228: {  	[hbm4b:s3+s2] =	stream.indirect_vreg.scatter [tilespmem:s19], [sflag:$0x1], $0x80, v3, vm0, $0xb8;
	[tilespmem:$0x18200] =	vst v63  }
0x229: {  	s20 =	simm.s32 $0x8200  }
0x22a: {  	[hbm4b:s5+s2] =	stream.indirect_vreg.scatter [tilespmem:s20], [sflag:$0x1], $0x80, v3, vm0, $0xb8;
	[tilespmem:$0x18200] =	vst v63  }
0x22b: {  	s9 =	simm.s32 $0x8A00  }
0x22c: {  	[hbm4b:s6+s2] =	stream.indirect_vreg.scatter [tilespmem:s9], [sflag:$0x1], $0x80, v3, vm0, $0xb8;
	[tilespmem:$0x18200] =	vst v63  }
0x22d: {  	v3 =	vld [tilespmem:$0x1B0];
	_ =	sdelay $0x4  }
0x22e: {  	v59 =	vshrl.u32 v3, $0x3  }
0x22f: {  	v4 =	vmul.u32 $0x30, v59  }
0x230: {  	v3 =	vand.u32 $0x7, v3  }
0x231: {  	v3 =	vor.u32 v3, v4  }
0x232: {  	v4 =	vperm.xlane v3, v0;
	_ =	sdelay $0x1  }
0x233: {  	v4 =	vadd.s32 v1, v4;
	_ =	sdelay $0x3  }
0x234: {  	s10 =	simm.s32 $0x9200;
	v3 =	vperm.xlane v3, v2  }
0x235: {  	[hbm4b:s3+s2] =	stream.indirect_vreg.scatter [tilespmem:s10], [sflag:$0x1], $0x80, v4, vm0, $0xb8;
	[tilespmem:$0x18200] =	vst v63  }
0x236: {  	s21 =	simm.s32 $0x9A00;
	v3 =	vadd.s32 v1, v3  }
0x237: {  	[hbm4b:s5+s2] =	stream.indirect_vreg.scatter [tilespmem:s21], [sflag:$0x1], $0x80, v4, vm0, $0xb8;
	[tilespmem:$0x18200] =	vst v63  }
0x238: {  	s22 =	simm.s32 $0xA200  }
0x239: {  	[hbm4b:s6+s2] =	stream.indirect_vreg.scatter [tilespmem:s22], [sflag:$0x1], $0x80, v4, vm0, $0xb8;
	[tilespmem:$0x18200] =	vst v63  }
0x23a: {  	s0 =	simm.s32 $0xAA00  }
0x23b: {  	[hbm4b:s3+s2] =	stream.indirect_vreg.scatter [tilespmem:s0], [sflag:$0x1], $0x80, v3, vm0, $0xb8;
	[tilespmem:$0x18200] =	vst v63  }
0x23c: {  	s11 =	simm.s32 $0xB200  }
0x23d: {  	[hbm4b:s5+s2] =	stream.indirect_vreg.scatter [tilespmem:s11], [sflag:$0x1], $0x80, v3, vm0, $0xb8;
	[tilespmem:$0x18200] =	vst v63  }
0x23e: {  	s12 =	simm.s32 $0xBA00  }
0x23f: {  	[hbm4b:s6+s2] =	stream.indirect_vreg.scatter [tilespmem:s12], [sflag:$0x1], $0x80, v3, vm0, $0xb8;
	[tilespmem:$0x18200] =	vst v63  }
0x240: {  	v3 =	vld [tilespmem:$0x1C0];
	_ =	sdelay $0x4  }
0x241: {  	v60 =	vshrl.u32 v3, $0x3  }
0x242: {  	v4 =	vmul.u32 $0x30, v60  }
0x243: {  	v3 =	vand.u32 $0x7, v3  }
0x244: {  	v3 =	vor.u32 v3, v4  }
0x245: {  	v4 =	vperm.xlane v3, v0;
	_ =	sdelay $0x1  }
0x246: {  	v4 =	vadd.s32 v1, v4;
	_ =	sdelay $0x3  }
0x247: {  	s13 =	simm.s32 $0xC200;
	v3 =	vperm.xlane v3, v2  }
0x248: {  	[hbm4b:s3+s2] =	stream.indirect_vreg.scatter [tilespmem:s13], [sflag:$0x1], $0x80, v4, vm0, $0xb8;
	[tilespmem:$0x18200] =	vst v63  }
0x249: {  	s23 =	simm.s32 $0xCA00;
	v3 =	vadd.s32 v1, v3  }
0x24a: {  	[hbm4b:s5+s2] =	stream.indirect_vreg.scatter [tilespmem:s23], [sflag:$0x1], $0x80, v4, vm0, $0xb8;
	[tilespmem:$0x18200] =	vst v63  }
0x24b: {  	s24 =	simm.s32 $0xD200  }
0x24c: {  	[hbm4b:s6+s2] =	stream.indirect_vreg.scatter [tilespmem:s24], [sflag:$0x1], $0x80, v4, vm0, $0xb8;
	[tilespmem:$0x18200] =	vst v63  }
0x24d: {  	s25 =	simm.s32 $0xDA00  }
0x24e: {  	[hbm4b:s3+s2] =	stream.indirect_vreg.scatter [tilespmem:s25], [sflag:$0x1], $0x80, v3, vm0, $0xb8;
	[tilespmem:$0x18200] =	vst v63  }
0x24f: {  	s26 =	simm.s32 $0xE200  }
0x250: {  	[hbm4b:s5+s2] =	stream.indirect_vreg.scatter [tilespmem:s26], [sflag:$0x1], $0x80, v3, vm0, $0xb8;
	[tilespmem:$0x18200] =	vst v63  }
0x251: {  	s14 =	simm.s32 $0xEA00  }
0x252: {  	[hbm4b:s6+s2] =	stream.indirect_vreg.scatter [tilespmem:s14], [sflag:$0x1], $0x80, v3, vm0, $0xb8;
	[tilespmem:$0x18200] =	vst v63  }
0x253: {  	v3 =	vld [tilespmem:$0x1D0];
	_ =	sdelay $0x4  }
0x254: {  	v61 =	vshrl.u32 v3, $0x3  }
0x255: {  	v4 =	vmul.u32 $0x30, v61  }
0x256: {  	v3 =	vand.u32 $0x7, v3  }
0x257: {  	v3 =	vor.u32 v3, v4  }
0x258: {  	v4 =	vperm.xlane v3, v0;
	_ =	sdelay $0x1  }
0x259: {  	v4 =	vadd.s32 v1, v4;
	_ =	sdelay $0x3  }
0x25a: {  	s15 =	simm.s32 $0xF200;
	v3 =	vperm.xlane v3, v2  }
0x25b: {  	[hbm4b:s3+s2] =	stream.indirect_vreg.scatter [tilespmem:s15], [sflag:$0x1], $0x80, v4, vm0, $0xb8;
	[tilespmem:$0x18200] =	vst v63  }
0x25c: {  	s28 =	simm.s32 $0xFA00;
	v3 =	vadd.s32 v1, v3  }
0x25d: {  	[hbm4b:s5+s2] =	stream.indirect_vreg.scatter [tilespmem:s28], [sflag:$0x1], $0x80, v4, vm0, $0xb8;
	[tilespmem:$0x18200] =	vst v63  }
0x25e: {  	s30 =	simm.s32 $0x10200  }
0x25f: {  	[hbm4b:s6+s2] =	stream.indirect_vreg.scatter [tilespmem:s30], [sflag:$0x1], $0x80, v4, vm0, $0xb8;
	[tilespmem:$0x18200] =	vst v63  }
0x260: {  	s31 =	simm.s32 $0x10A00  }
0x261: {  	[hbm4b:s3+s2] =	stream.indirect_vreg.scatter [tilespmem:s31], [sflag:$0x1], $0x80, v3, vm0, $0xb8;
	[tilespmem:$0x18200] =	vst v63  }
0x262: {  	s16 =	simm.s32 $0x11200  }
0x263: {  	[hbm4b:s5+s2] =	stream.indirect_vreg.scatter [tilespmem:s16], [sflag:$0x1], $0x80, v3, vm0, $0xb8;
	[tilespmem:$0x18200] =	vst v63  }
0x264: {  	s17 =	simm.s32 $0x11A00  }
0x265: {  	[hbm4b:s6+s2] =	stream.indirect_vreg.scatter [tilespmem:s17], [sflag:$0x1], $0x80, v3, vm0, $0xb8;
	[tilespmem:$0x18200] =	vst v63  }
0x266: {  	v3 =	vld [tilespmem:$0x1E0];
	_ =	sdelay $0x4  }
0x267: {  	v62 =	vshrl.u32 v3, $0x3  }
0x268: {  	v4 =	vmul.u32 $0x30, v62  }
0x269: {  	v3 =	vand.u32 $0x7, v3  }
0x26a: {  	v3 =	vor.u32 v3, v4  }
0x26b: {  	v4 =	vperm.xlane v3, v0;
	_ =	sdelay $0x1  }
0x26c: {  	v4 =	vadd.s32 v1, v4;
	_ =	sdelay $0x3  }
0x26d: {  	s18 =	simm.s32 $0x12200;
	v3 =	vperm.xlane v3, v2  }
0x26e: {  	[hbm4b:s3+s2] =	stream.indirect_vreg.scatter [tilespmem:s18], [sflag:$0x1], $0x80, v4, vm0, $0xb8;
	[tilespmem:$0x18200] =	vst v63  }
0x26f: {  	s19 =	simm.s32 $0x12A00;
	v3 =	vadd.s32 v1, v3  }
0x270: {  	[hbm4b:s5+s2] =	stream.indirect_vreg.scatter [tilespmem:s19], [sflag:$0x1], $0x80, v4, vm0, $0xb8;
	[tilespmem:$0x18200] =	vst v63  }
0x271: {  	s20 =	simm.s32 $0x13200  }
0x272: {  	[hbm4b:s6+s2] =	stream.indirect_vreg.scatter [tilespmem:s20], [sflag:$0x1], $0x80, v4, vm0, $0xb8;
	[tilespmem:$0x18200] =	vst v63  }
0x273: {  	s21 =	simm.s32 $0x13A00  }
0x274: {  	[hbm4b:s3+s2] =	stream.indirect_vreg.scatter [tilespmem:s21], [sflag:$0x1], $0x80, v3, vm0, $0xb8;
	[tilespmem:$0x18200] =	vst v63  }
0x275: {  	s22 =	simm.s32 $0x14200  }
0x276: {  	[hbm4b:s5+s2] =	stream.indirect_vreg.scatter [tilespmem:s22], [sflag:$0x1], $0x80, v3, vm0, $0xb8;
	[tilespmem:$0x18200] =	vst v63  }
0x277: {  	s23 =	simm.s32 $0x14A00  }
0x278: {  	[hbm4b:s6+s2] =	stream.indirect_vreg.scatter [tilespmem:s23], [sflag:$0x1], $0x80, v3, vm0, $0xb8;
	[tilespmem:$0x18200] =	vst v63  }
0x279: {  	v3 =	vld [tilespmem:$0x1F0];
	_ =	sdelay $0x4  }
0x27a: {  	v63 =	vshrl.u32 v3, $0x3  }
0x27b: {  	v4 =	vmul.u32 $0x30, v63  }
0x27c: {  	v3 =	vand.u32 $0x7, v3  }
0x27d: {  	v3 =	vor.u32 v3, v4  }
0x27e: {  	v4 =	vperm.xlane v3, v0;
	_ =	sdelay $0x1  }
0x27f: {  	v4 =	vadd.s32 v1, v4;
	_ =	sdelay $0x3  }
0x280: {  	s24 =	simm.s32 $0x15200;
	v3 =	vperm.xlane v3, v2  }
0x281: {  	[hbm4b:s3+s2] =	stream.indirect_vreg.scatter [tilespmem:s24], [sflag:$0x1], $0x80, v4, vm0, $0xb8;
	[tilespmem:$0x18200] =	vst v63  }
0x282: {  	s25 =	simm.s32 $0x15A00;
	v3 =	vadd.s32 v1, v3  }
0x283: {  	[hbm4b:s5+s2] =	stream.indirect_vreg.scatter [tilespmem:s25], [sflag:$0x1], $0x80, v4, vm0, $0xb8;
	[tilespmem:$0x18200] =	vst v63  }
0x284: {  	s26 =	simm.s32 $0x16200  }
0x285: {  	[hbm4b:s6+s2] =	stream.indirect_vreg.scatter [tilespmem:s26], [sflag:$0x1], $0x80, v4, vm0, $0xb8;
	[tilespmem:$0x18200] =	vst v63  }
0x286: {  	s28 =	simm.s32 $0x16A00  }
0x287: {  	[hbm4b:s3+s2] =	stream.indirect_vreg.scatter [tilespmem:s28], [sflag:$0x1], $0x80, v3, vm0, $0xb8;
	[tilespmem:$0x18200] =	vst v63  }
0x288: {  	p0 =	sne.s32 s7, $0x1;
	s30 =	simm.s32 $0x17200  }
0x289: {  	[hbm4b:s5+s2] =	stream.indirect_vreg.scatter [tilespmem:s30], [sflag:$0x1], $0x80, v3, vm0, $0xb8;
	[tilespmem:$0x18200] =	vst v63  }
.Ltmp0:
0x28a: {  	s31 =	simm.s32 $0x17A00;
	(pc) =	sbr.rel @p0 .LBB2_1-.Ltmp0, $4  }
0x28b: {  	[hbm4b:s6+s2] =	stream.indirect_vreg.scatter [tilespmem:s31], [sflag:$0x1], $0x80, v3, vm0, $0xb8;
	[tilespmem:$0x18200] =	vst v63  }
0x28c: {  	_ =	swait.ge [sflag:s4], $0x18000  }
0x28d: {  	[sflag:s4] =	ssyncset.done $0x0  }
0x28e: {  	s7 =	sadd.s32 $0xFFFFFFFF, s7;
	[sflag:s4] =	ssyncadd.s32 $0xFFFE8000  }
0x28f: {  	_ =	sfence.sel $0x180000  }
0x290: {  	[bflag:$0x0] =	sbarrier.arrive $0xFFFF  }
0x291: {  	_ =	strace $0x90000047  }
0x292: {  	s0 =	stileid.u32;
	[bflag:$0x2] =	sbarrier.arrive $0xFFFF  }
0x293: {  	p0 =	sne.s32 s0, $0x0;
	s0 =	rddreg [dreg:$0x2]  }
0x294: {  	s0 =	sadd.s32 @!p0 $0x100000, s0  }
0x295: {  	[sflag:s0] =	ssyncadd.tile.s32 @!p0 $0x1;
	_ =	shalt  }
.Lfunc_end2:
_tile_overlayer_lowered:
.L_overlay_start_2:
0x296: {  	(tag) =	ssettag $0x2  }
0x297: {  	s0 =	rddreg [dreg:$0x0];
	s2 =	stileid.u32  }
0x298: {  	s1 =	rddreg [dreg:$0x1];
	p0 =	sne.s32 s2, $0x0  }
0x299: {  	s3 =	rddreg [dreg:$0x2];
	[bflag:$0x3] =	sbarrier.arrive $0xFFFF;
	s2 =	simm.s32 @!p0 $0x1C02  }
0x29a: {  	[timem:s3], [sflag:s2] =	dma.local @!p0 [hbm:s0], s1  }
0x29b: {  	s0 =	simm.s32 @!p0 $0x2  }
0x29c: {  	_ =	swait.ge @!p0 [sflag:s0], s1  }
0x29d: {  	s1 =	ssub.s32 @!p0 $0x0, s1;
	[sflag:s0] =	ssyncset.done @!p0 $0x0  }
0x29e: {  	[sflag:s0] =	ssyncadd.s32 @!p0 s1  }
0x29f: {  	[bflag:$0x3] =	sbarrier.arrive $0xFFFF  }
0x2a0: {  	_ =	shalt  }

// kernel: kernel.9.cloned.1.call-start
scs
__scs_entry_jumppad:
0x0: {  	(pc) =	sbr.rel $0x88, $3  }
0x1: {  	(tag) =	ssettag $0x0;
	lr =	simm.s32 $0x1  }
0x2: {  	[smem:$0x3F9B] =	sst lr;
	_ =	strace $0xD0000000  }
0x3: {  	_ = 	snop  }
0x4: {  	_ = 	snop  }
0x5: {  	_ = 	snop  }
0x6: {  	_ = 	snop  }
0x7: {  	_ = 	snop  }
__scs_overlays_trampoline_lowered:
0x8: {  	[smem:$0x3FAA] =	sst s0  }
0x9: {  	[smem:$0x3FAB] =	sst s1  }
0xa: {  	[smem:$0x3FAC] =	sst s2  }
0xb: {  	[smem:$0x3FAD] =	sst s3  }
0xc: {  	[smem:$0x3FAE] =	sst s4  }
0xd: {  	[smem:$0x3FAF] =	sst s5  }
0xe: {  	[smem:$0x3FB0] =	sst s6  }
0xf: {  	[smem:$0x3FB1] =	sst s7  }
0x10: {  	[smem:$0x3FB2] =	sst s8  }
0x11: {  	[smem:$0x3FB3] =	sst s9;
	s0 =	simm.s32 @!p0 $0x0  }
0x12: {  	s1 =	sld [smem:$0x3F99];
	s0 =	simm.s32 @p0 $0x1  }
0x13: {  	[smem:$0x3FB4] =	sst s0;
	s0 =	simm.s32 @!p1 $0x0  }
0x14: {  	s2 =	sld [smem:$0x3F98];
	s0 =	simm.s32 @p1 $0x1  }
0x15: {  	[smem:$0x3FB5] =	sst s0;
	s0 =	simm.s32 @!p2 $0x0  }
0x16: {  	s3 =	sld [smem:$0x3FDB];
	s0 =	simm.s32 @p2 $0x1  }
0x17: {  	s4 =	simm.s32 $0x1BF5;
	[smem:$0x3FB7] =	sst s0  }
0x18: {  	s0 =	sld [smem:$0x3F9A];
	_ =	swait.ge [sflag:s4], $0x0  }
0x19: {  	s7 =	sld [smem:$0x3F9B]  }
0x1a: {  	s8 =	sadd.s32 $0xFFFFE003, lr  }
0x1b: {  	s9 =	sadd.s32 $0xFFFFFEF7, lr;
	s5 =	simm.s32 $0xFFFFFFFF;
	p2 =	slt.u32 s8, $0xFFFFF086  }
0x1c: {  	p1 =	slt.u32 s9, $0xF7A;
	s5 =	simm.s32 @!p2 $0x0  }
0x1d: {  	s5 =	simm.s32 @p1 $0x1;
	p0 =	seq.s32 s7, s2  }
0x1e: {  	s7 =	smul.u32 @!p0 $0xF7A, s2;
	p2 =	seq.s32 @!p0 s5, $0x0  }
0x1f: {  	s9 =	smul.u32 $0xF7A, s1;
	s8 =	simm.s32 @!p0 $0x1BF5;
	p2 =	por !p2, p0  }
0x20: {  	[sflag:s8] =	ssyncset.s32 @!p0 $0xFFFFF086;
	s6 =	sadd.s32 @!p0 s3, s7;
	s7 =	simm.s32 @!p0 $0x108  }
0x21: {  	s3 =	sadd.s32 s3, s9;
	s6 =	sadd.s32 @!p0 $0x88, s6;
	s7 =	simm.s32 @p2 $0x1082  }
0x22: {  	[simem:s7], [sflag:s8] =	dma.local @!p0 [hbm:s6], $0xF7A  }
0x23: {  	s9 =	sor.u32 $0xD0000000, s2;
	s6 =	simm.s32 $0x108;
	_ =	swait.ge @!p0 [sflag:s8], $0x0  }
0x24: {  	s3 =	sadd.s32 $0x88, s3;
	s6 =	simm.s32 @!p1 $0x1082;
	[sflag:s4] =	ssyncset.s32 $0xFFFFF086  }
0x25: {  	[simem:s6], [sflag:s4] =	dma.local [hbm:s3], $0xF7A  }
0x26: {  	[smem:$0x3F9B] =	sst s1;
	(tag) =	ssettag s2;
	_ =	strace s9  }
0x27: {  	s1 =	sld [smem:$0x3FAB]  }
0x28: {  	s2 =	sld [smem:$0x3FAC]  }
0x29: {  	s4 =	sld [smem:$0x3FAE]  }
0x2a: {  	p0 =	seq.s32 s5, $0x0;
	s5 =	sld [smem:$0x3FAF]  }
0x2b: {  	s6 =	sld [smem:$0x3FB0]  }
0x2c: {  	s7 =	sld [smem:$0x3FB1]  }
0x2d: {  	s3 =	simm.s32 $0x108;
	s8 =	sld [smem:$0x3FB2]  }
0x2e: {  	s3 =	simm.s32 @!p0 $0x1082;
	s9 =	sld [smem:$0x3FB3]  }
0x2f: {  	lr =	sadd.s32 s0, s3;
	s0 =	sld [smem:$0x3FAA]  }
0x30: {  	s3 =	sld [smem:$0x3FAD]  }
0x31: {  	[smem:$0x3FB6] =	sst s10  }
0x32: {  	s10 =	sld [smem:$0x3FB4];
	_ =	sdelay $0x3  }
0x33: {  	p0 =	seq.s32 s10, $0x1;
	s10 =	sld [smem:$0x3FB6];
	_ =	sdelay $0x3  }
0x34: {  	[smem:$0x3FB6] =	sst s10  }
0x35: {  	s10 =	sld [smem:$0x3FB5];
	_ =	sdelay $0x3  }
0x36: {  	p1 =	seq.s32 s10, $0x1;
	s10 =	sld [smem:$0x3FB6];
	_ =	sdelay $0x3  }
0x37: {  	[smem:$0x3FB6] =	sst s10  }
0x38: {  	s10 =	sld [smem:$0x3FB7]  }
0x39: {  	_ = 	snop;
	(pc) =	sbr.ind lr, $3  }
0x3a: {  	_ = 	snop  }
0x3b: {  	_ = 	snop  }
0x3c: {  	p2 =	seq.s32 s10, $0x1;
	s10 =	sld [smem:$0x3FB6]  }
0x3d: {  	_ =	shalt  }
0x3e: {  	_ =	shalt  }
0x3f: {  	_ =	shalt  }
0x40: {  	_ =	shalt  }
0x41: {  	_ =	shalt  }
0x42: {  	_ =	shalt  }
0x43: {  	_ =	shalt  }
0x44: {  	_ =	shalt  }
0x45: {  	_ =	shalt  }
0x46: {  	_ =	shalt  }
0x47: {  	_ =	shalt  }
0x48: {  	_ =	shalt  }
0x49: {  	_ =	shalt  }
0x4a: {  	_ =	shalt  }
0x4b: {  	_ =	shalt  }
0x4c: {  	_ =	shalt  }
0x4d: {  	_ =	shalt  }
0x4e: {  	_ =	shalt  }
0x4f: {  	_ =	shalt  }
0x50: {  	_ =	shalt  }
0x51: {  	_ =	shalt  }
0x52: {  	_ =	shalt  }
0x53: {  	_ =	shalt  }
0x54: {  	_ =	shalt  }
0x55: {  	_ =	shalt  }
0x56: {  	_ =	shalt  }
0x57: {  	_ =	shalt  }
0x58: {  	_ =	shalt  }
0x59: {  	_ =	shalt  }
0x5a: {  	_ =	shalt  }
0x5b: {  	_ =	shalt  }
0x5c: {  	_ =	shalt  }
0x5d: {  	_ =	shalt  }
0x5e: {  	_ =	shalt  }
0x5f: {  	_ =	shalt  }
0x60: {  	_ =	shalt  }
0x61: {  	_ =	shalt  }
0x62: {  	_ =	shalt  }
0x63: {  	_ =	shalt  }
0x64: {  	_ =	shalt  }
0x65: {  	_ =	shalt  }
0x66: {  	_ =	shalt  }
0x67: {  	_ =	shalt  }
0x68: {  	_ =	shalt  }
0x69: {  	_ =	shalt  }
0x6a: {  	_ =	shalt  }
0x6b: {  	_ =	shalt  }
0x6c: {  	_ =	shalt  }
0x6d: {  	_ =	shalt  }
0x6e: {  	_ =	shalt  }
0x6f: {  	_ =	shalt  }
0x70: {  	_ =	shalt  }
0x71: {  	_ =	shalt  }
0x72: {  	_ =	shalt  }
0x73: {  	_ =	shalt  }
0x74: {  	_ =	shalt  }
0x75: {  	_ =	shalt  }
0x76: {  	_ =	shalt  }
0x77: {  	_ =	shalt  }
0x78: {  	_ =	shalt  }
0x79: {  	_ =	shalt  }
0x7a: {  	_ =	shalt  }
0x7b: {  	_ =	shalt  }
0x7c: {  	_ =	shalt  }
0x7d: {  	_ =	shalt  }
0x7e: {  	_ =	shalt  }
0x7f: {  	_ =	shalt  }
0x80: {  	_ =	shalt  }
0x81: {  	_ =	shalt  }
0x82: {  	_ =	shalt  }
0x83: {  	_ =	shalt  }
0x84: {  	_ =	shalt  }
0x85: {  	_ =	shalt  }
0x86: {  	_ =	shalt  }
0x87: {  	_ =	shalt  }
.Lfunc_end0:
.L_simem_size_0:
called_computation.1_lowered:
.L_overlay_start_0:
0x88: {  	s2 =	sld [smem:$0x3FD9]  }
0x89: {  	s3 =	sld [smem:$0x3FFE];
	_ =	sdelay $0x1  }
0x8a: {  	s1 =	srdreg.scid  }
0x8b: {  	s0 =	sand.u32 $0x1, s1  }
0x8c: {  	s14 =	sshll.u32 s0, $0xA;
	s2 =	sadd.s32 s3, s2  }
0x8d: {  	s2 =	sadd.s32 s2, s14  }
0x8e: {  	[smem:$0x3FC2] =	sst s2  }
0x8f: {  	_ = 	snop  }
0x90: {  	s2 =	sld [smem:$0x3FD0];
	_ =	sdelay $0x2  }
0x91: {  	s15 =	simm.s32 $0xA;
	s4 =	simm.s32 $0x10  }
0x92: {  	[smem:s4], [sflag:s15] =	dma.local [hbm:s2], $0x1  }
0x93: {  	_ =	swait.eq [sflag:s15], $0x1  }
0x94: {  	[sflag:s15] =	ssyncset.done $0x0  }
0x95: {  	[sflag:s15] =	ssyncadd.s32 $0xFFFFFFFF  }
0x96: {  	s16 =	sld [smem:$0x11];
	(tm) =	ssettm $0x1  }
0x97: {  	s17 =	sld [smem:$0x3FFB];
	_ =	sdelay $0x3  }
0x98: {  	_ =	strace s17  }
0x99: {  	s3 =	sld [smem:$0x3FFC];
	_ =	sdelay $0x3  }
0x9a: {  	_ =	strace s3  }
0x9b: {  	s3 =	sld [smem:$0x3FFD];
	_ =	sdelay $0x3  }
0x9c: {  	_ =	strace s3  }
0x9d: {  	_ =	strace $0x8FFFFFFF  }
0x9e: {  	s18 =	sld [smem:$0x3FDB];
	_ =	sdelay $0x1  }
0x9f: {  	s19 =	simm.s32 $_scs_section_size  }
0xa0: {  	s5 =	simm.s32 $_size__tile_overlayer_lowered;
	s6 =	simm.s32 $_tile_overlayer_lowered  }
0xa1: {  	s22 =	simm.s32 $0x1BFF;
	s21 =	sshll.u32 s6, $0x1;
	s3 =	sadd.s32 s19, s18  }
0xa2: {  	s7 =	simm.s32 $0x0;
	s20 =	sshll.u32 s5, $0x1;
	s5 =	sadd.s32 s21, s3  }
0xa3: {  	[timem:s7], [sflag:s22] =	dma.local [hbm:s5], s20  }
0xa4: {  	_ =	swait.ge [sflag:s22], s20  }
0xa5: {  	s4 =	ssub.s32 $0x0, s20;
	[sflag:s22] =	ssyncset.done $0x0  }
0xa6: {  	[sflag:s22] =	ssyncadd.s32 s4;
	_ =	sdelay $0x1  }
0xa7: {  	s23 =	simm.s32 $0x1B8B  }
0xa8: {  	_ =	swait.ge [sflag:s23], $0x1  }
0xa9: {  	[sflag:s23] =	ssyncset.done $0x0  }
0xaa: {  	s25 =	simm.s32 $0x1B8E;
	s24 =	sld [smem:$0x3FFE];
	[sflag:s23] =	ssyncadd.s32 $0xFFFFFFFF  }
0xab: {  	s26 =	simm.s32 $execute0_lowered;
	[smem:$0x3FD2] =	sst s25  }
0xac: {  	s5 =	sshll.u32 s26, $0x1;
	_ =	strace $0x80000049;
	[dreg:$0x1] =	wrdreg $0xFFFFFFFF  }
0xad: {  	s28 =	simm.s32 $_size_execute0_lowered;
	s3 =	sadd.s32 s3, s5;
	[dreg:$0x0] =	wrdreg $0x0  }
0xae: {  	s5 =	sshll.u32 s28, $0x1;
	[dreg:$0x2] =	wrdreg s3  }
0xaf: {  	[dreg:$0x3] =	wrdreg s5  }
0xb0: {  	[dreg:$0x4] =	wrdreg $0xC0  }
0xb1: {  	_ =	task [dreg:s7], $0x5FFFF  }
0xb2: {  	[dreg:$0x1] =	wrdreg $0xFFFFFFFF  }
0xb3: {  	[dreg:$0x0] =	wrdreg $0x60  }
0xb4: {  	[dreg:$0x2] =	wrdreg s24  }
0xb5: {  	[dreg:$0x3] =	wrdreg s16  }
0xb6: {  	[dreg:$0x4] =	wrdreg $0x9  }
0xb7: {  	_ =	task.clear_ibuf [dreg:s7], $0x5FFFF;
	_ =	strace $0x90000049  }
0xb8: {  	s29 =	simm.s32 $0x9;
	_ =	strace $0x8000004B  }
0xb9: {  	_ =	swait.ge [sflag:s29], $0x1  }
0xba: {  	[sflag:s29] =	ssyncadd.s32 $0xFFFFFFFF  }
0xbb: {  	_ =	strace $0x9000004B  }
0xbc: {  	_ =	sfence  }
0xbd: {  	s30 =	sld [smem:$0x0];
	_ =	sdelay $0x2  }
0xbe: {  	s31 =	sshll.u32 s1, $0xD;
	s1 =	sshrl.u32 s1, $0x2  }
0xbf: {  	s3 =	sand.u32 $0x4000, s31;
	s1 =	sadd.s32 s1, s30  }
0xc0: {  	s0 =	sor.u32 s3, s0;
	s1 =	sshll.u32 s1, $0x11  }
0xc1: {  	s0 =	sor.u32 s1, s0  }
0xc2: {  	s0 =	sadd.s32 $0x8F2B, s0  }
0xc3: {  	[sflag:s0] =	ssyncadd.remote.s32 $0x1  }
0xc4: {  	_ =	sfence.sel $0xFFFF  }
0xc5: {  	[dreg:$0x0] =	wrdreg $0xFFFFFFFF;
	(pc) =	sbr.abs _section_cstart, $3  }
0xc6: {  	[dreg:$0x1] =	wrdreg $0xFFFFFFFF  }
0xc7: {  	_ =	task.clear_ibuf [dreg:s7], $0x2FFFF;
	_ =	strace $0x9FFFFFFF  }
0xc8: {  	(tm) =	ssettm $0x7FFFFFFF  }
0xc9: {  	_ =	shalt  }
tec
execute0_lowered:
.L_overlay_start_1:
0x0: {  	(tag) =	ssettag $0x1  }
0x1: {  	s0 =	srdreg.scid  }
0x2: {  	s1 =	rddreg [dreg:$0x0];
	s2 =	stileid.u32  }
0x3: {  	s4 =	rddreg [dreg:$0x1];
	s29 =	simm.s32 $0x200;
	s0 =	sand.u32 $0x1, s0  }
0x4: {  	s3 =	sshll.u32 s2, $0x7;
	s2 =	simm.s32 $0x0;
	s5 =	sshll.u32 s0, $0x6  }
0x5: {  	[smem:$0x7FF] =	sst s2;
	s0 =	ssub.s32 $0x2, s0;
	s5 =	sor.u32 s5, s3  }
0x6: {  	_ =	strace $0x8000004A;
	s3 =	sadd.s32 $0x1E2000, s1;
	s6 =	smul.u32 $0x300, s5  }
0x7: {  	s30 =	sshrl.u32 s0, $0x1;
	s7 =	smul.u32 $0x1800, s5;
	s5 =	sadd.s32 s5, s1  }
0x8: {  	s0 =	ssub.s32 s0, s30;
	s5 =	sadd.s32 $0x1800, s5;
	s8 =	sadd.s32 s4, s6  }
0x9: {  	s26 =	sshrl.u32 s7, $0x3;
	[dreg:$0x3] =	wrdreg s5;
	s5 =	sadd.s32 $0x1E2100, s1  }
0xa: {  	[dreg:$0x7] =	wrdreg s8;
	s28 =	sadd.s32 $0x3000, s8;
	s4 =	sadd.s32 s4, s26  }
0xb: {  	v2 =	vlaneseq.u32;
	s6 =	sadd.s32 $0x1E2200, s1;
	[dreg:$0x4] =	wrdreg s28;
	s31 =	sadd.s32 $0x6000, s4  }
0xc: {  	vm0 =	vmmov $0xffff;
	v1 =	vshrl.u32 v2, $0x3;
	s7 =	smax.u32 s0, $0x1;
	s4 =	sadd.s32 $0x9000, s4;
	[dreg:$0x5] =	wrdreg s31  }
0xd: {  	v0 =	vand.u32 $0x7, v2;
	v2 =	vor.u32 $0x8, v2;
	v1 =	vmul.u32 $0x8, v1;
	s8 =	simm.s32 $0x2;
	[dreg:$0x6] =	wrdreg s4;
	s4 =	simm.s32 $0x1  }
.LBB2_1:
0xe: {  	s10 =	rddreg [dreg:$0x3]  }
0xf: {  	[tilespmem:s2], [sflag:$0x2] =	stream.linear.gather [hbm4b:s10+s2], $0x200, $0x38;
	[tilespmem:$0x18200] =	vst v63  }
0x10: {  	_ =	swait.ge [sflag:s8], $0x200  }
0x11: {  	[sflag:s8] =	ssyncset.done $0x0  }
0x12: {  	[sflag:s8] =	ssyncadd.s32 $0xFFFFFE00  }
0x13: {  	v3 =	vld [tilespmem:$0x0];
	_ =	sdelay $0x4  }
0x14: {  	v4 =	vshrl.u32 v3, $0x3  }
0x15: {  	v4 =	vmul.u32 $0x30, v4  }
0x16: {  	v3 =	vand.u32 $0x7, v3  }
0x17: {  	v3 =	vor.u32 v3, v4  }
0x18: {  	v4 =	vperm.xlane v3, v0;
	_ =	sdelay $0x1  }
0x19: {  	v4 =	vadd.s32 v1, v4;
	_ =	sdelay $0x3  }
0x1a: {  	v3 =	vperm.xlane v3, v2  }
0x1b: {  	[tilespmem:s29], [sflag:$0x1] =	stream.indirect_vreg.gather [hbm4b:s3+s2], $0x80, v4, vm0, $0xb8;
	[tilespmem:$0x18200] =	vst v63  }
0x1c: {  	s0 =	simm.s32 $0xA00;
	v3 =	vadd.s32 v1, v3  }
0x1d: {  	[tilespmem:s0], [sflag:$0x1] =	stream.indirect_vreg.gather [hbm4b:s5+s2], $0x80, v4, vm0, $0xb8;
	[tilespmem:$0x18200] =	vst v63  }
0x1e: {  	s18 =	simm.s32 $0x1200  }
0x1f: {  	[tilespmem:s18], [sflag:$0x1] =	stream.indirect_vreg.gather [hbm4b:s6+s2], $0x80, v4, vm0, $0xb8;
	[tilespmem:$0x18200] =	vst v63  }
0x20: {  	s19 =	simm.s32 $0x1A00  }
0x21: {  	[tilespmem:s19], [sflag:$0x1] =	stream.indirect_vreg.gather [hbm4b:s3+s2], $0x80, v3, vm0, $0xb8;
	[tilespmem:$0x18200] =	vst v63  }
0x22: {  	s20 =	simm.s32 $0x2200  }
0x23: {  	[tilespmem:s20], [sflag:$0x1] =	stream.indirect_vreg.gather [hbm4b:s5+s2], $0x80, v3, vm0, $0xb8;
	[tilespmem:$0x18200] =	vst v63  }
0x24: {  	s21 =	simm.s32 $0x2A00  }
0x25: {  	[tilespmem:s21], [sflag:$0x1] =	stream.indirect_vreg.gather [hbm4b:s6+s2], $0x80, v3, vm0, $0xb8;
	[tilespmem:$0x18200] =	vst v63  }
0x26: {  	v3 =	vld [tilespmem:$0x10];
	_ =	sdelay $0x4  }
0x27: {  	v33 =	vshrl.u32 v3, $0x3  }
0x28: {  	v4 =	vmul.u32 $0x30, v33  }
0x29: {  	v3 =	vand.u32 $0x7, v3  }
0x2a: {  	v3 =	vor.u32 v3, v4  }
0x2b: {  	v4 =	vperm.xlane v3, v0;
	_ =	sdelay $0x1  }
0x2c: {  	v4 =	vadd.s32 v1, v4;
	_ =	sdelay $0x3  }
0x2d: {  	s22 =	simm.s32 $0x3200;
	v3 =	vperm.xlane v3, v2  }
0x2e: {  	[tilespmem:s22], [sflag:$0x1] =	stream.indirect_vreg.gather [hbm4b:s3+s2], $0x80, v4, vm0, $0xb8;
	[tilespmem:$0x18200] =	vst v63  }
0x2f: {  	s23 =	simm.s32 $0x3A00;
	v3 =	vadd.s32 v1, v3  }
0x30: {  	[tilespmem:s23], [sflag:$0x1] =	stream.indirect_vreg.gather [hbm4b:s5+s2], $0x80, v4, vm0, $0xb8;
	[tilespmem:$0x18200] =	vst v63  }
0x31: {  	s24 =	simm.s32 $0x4200  }
0x32: {  	[tilespmem:s24], [sflag:$0x1] =	stream.indirect_vreg.gather [hbm4b:s6+s2], $0x80, v4, vm0, $0xb8;
	[tilespmem:$0x18200] =	vst v63  }
0x33: {  	s25 =	simm.s32 $0x4A00  }
0x34: {  	[tilespmem:s25], [sflag:$0x1] =	stream.indirect_vreg.gather [hbm4b:s3+s2], $0x80, v3, vm0, $0xb8;
	[tilespmem:$0x18200] =	vst v63  }
0x35: {  	s26 =	simm.s32 $0x5200  }
0x36: {  	[tilespmem:s26], [sflag:$0x1] =	stream.indirect_vreg.gather [hbm4b:s5+s2], $0x80, v3, vm0, $0xb8;
	[tilespmem:$0x18200] =	vst v63  }
0x37: {  	s28 =	simm.s32 $0x5A00  }
0x38: {  	[tilespmem:s28], [sflag:$0x1] =	stream.indirect_vreg.gather [hbm4b:s6+s2], $0x80, v3, vm0, $0xb8;
	[tilespmem:$0x18200] =	vst v63  }
0x39: {  	v3 =	vld [tilespmem:$0x20];
	_ =	sdelay $0x4  }
0x3a: {  	v34 =	vshrl.u32 v3, $0x3  }
0x3b: {  	v4 =	vmul.u32 $0x30, v34  }
0x3c: {  	v3 =	vand.u32 $0x7, v3  }
0x3d: {  	v3 =	vor.u32 v3, v4  }
0x3e: {  	v4 =	vperm.xlane v3, v0;
	_ =	sdelay $0x1  }
0x3f: {  	v4 =	vadd.s32 v1, v4;
	_ =	sdelay $0x3  }
0x40: {  	s30 =	simm.s32 $0x6200;
	v3 =	vperm.xlane v3, v2  }
0x41: {  	[tilespmem:s30], [sflag:$0x1] =	stream.indirect_vreg.gather [hbm4b:s3+s2], $0x80, v4, vm0, $0xb8;
	[tilespmem:$0x18200] =	vst v63  }
0x42: {  	s31 =	simm.s32 $0x6A00;
	v3 =	vadd.s32 v1, v3  }
0x43: {  	[tilespmem:s31], [sflag:$0x1] =	stream.indirect_vreg.gather [hbm4b:s5+s2], $0x80, v4, vm0, $0xb8;
	[tilespmem:$0x18200] =	vst v63  }
0x44: {  	s1 =	simm.s32 $0x7200  }
0x45: {  	[tilespmem:s1], [sflag:$0x1] =	stream.indirect_vreg.gather [hbm4b:s6+s2], $0x80, v4, vm0, $0xb8;
	[tilespmem:$0x18200] =	vst v63  }
0x46: {  	s9 =	simm.s32 $0x7A00  }
0x47: {  	[tilespmem:s9], [sflag:$0x1] =	stream.indirect_vreg.gather [hbm4b:s3+s2], $0x80, v3, vm0, $0xb8;
	[tilespmem:$0x18200] =	vst v63  }
0x48: {  	s10 =	simm.s32 $0x8200  }
0x49: {  	[tilespmem:s10], [sflag:$0x1] =	stream.indirect_vreg.gather [hbm4b:s5+s2], $0x80, v3, vm0, $0xb8;
	[tilespmem:$0x18200] =	vst v63  }
0x4a: {  	s11 =	simm.s32 $0x8A00  }
0x4b: {  	[tilespmem:s11], [sflag:$0x1] =	stream.indirect_vreg.gather [hbm4b:s6+s2], $0x80, v3, vm0, $0xb8;
	[tilespmem:$0x18200] =	vst v63  }
0x4c: {  	v3 =	vld [tilespmem:$0x30];
	_ =	sdelay $0x4  }
0x4d: {  	v35 =	vshrl.u32 v3, $0x3  }
0x4e: {  	v4 =	vmul.u32 $0x30, v35  }
0x4f: {  	v3 =	vand.u32 $0x7, v3  }
0x50: {  	v3 =	vor.u32 v3, v4  }
0x51: {  	v4 =	vperm.xlane v3, v0;
	_ =	sdelay $0x1  }
0x52: {  	v4 =	vadd.s32 v1, v4;
	_ =	sdelay $0x3  }
0x53: {  	s12 =	simm.s32 $0x9200;
	v3 =	vperm.xlane v3, v2  }
0x54: {  	[tilespmem:s12], [sflag:$0x1] =	stream.indirect_vreg.gather [hbm4b:s3+s2], $0x80, v4, vm0, $0xb8;
	[tilespmem:$0x18200] =	vst v63  }
0x55: {  	s15 =	simm.s32 $0x9A00;
	v3 =	vadd.s32 v1, v3  }
0x56: {  	[tilespmem:s15], [sflag:$0x1] =	stream.indirect_vreg.gather [hbm4b:s5+s2], $0x80, v4, vm0, $0xb8;
	[tilespmem:$0x18200] =	vst v63  }
0x57: {  	s16 =	simm.s32 $0xA200  }
0x58: {  	[tilespmem:s16], [sflag:$0x1] =	stream.indirect_vreg.gather [hbm4b:s6+s2], $0x80, v4, vm0, $0xb8;
	[tilespmem:$0x18200] =	vst v63  }
0x59: {  	s19 =	simm.s32 $0xAA00  }
0x5a: {  	[tilespmem:s19], [sflag:$0x1] =	stream.indirect_vreg.gather [hbm4b:s3+s2], $0x80, v3, vm0, $0xb8;
	[tilespmem:$0x18200] =	vst v63  }
0x5b: {  	s20 =	simm.s32 $0xB200  }
0x5c: {  	[tilespmem:s20], [sflag:$0x1] =	stream.indirect_vreg.gather [hbm4b:s5+s2], $0x80, v3, vm0, $0xb8;
	[tilespmem:$0x18200] =	vst v63  }
0x5d: {  	s23 =	simm.s32 $0xBA00  }
0x5e: {  	[tilespmem:s23], [sflag:$0x1] =	stream.indirect_vreg.gather [hbm4b:s6+s2], $0x80, v3, vm0, $0xb8;
	[tilespmem:$0x18200] =	vst v63  }
0x5f: {  	v3 =	vld [tilespmem:$0x40];
	_ =	sdelay $0x4  }
0x60: {  	v36 =	vshrl.u32 v3, $0x3  }
0x61: {  	v4 =	vmul.u32 $0x30, v36  }
0x62: {  	v3 =	vand.u32 $0x7, v3  }
0x63: {  	v3 =	vor.u32 v3, v4  }
0x64: {  	v4 =	vperm.xlane v3, v0;
	_ =	sdelay $0x1  }
0x65: {  	v4 =	vadd.s32 v1, v4;
	_ =	sdelay $0x3  }
0x66: {  	s24 =	simm.s32 $0xC200;
	v3 =	vperm.xlane v3, v2  }
0x67: {  	[tilespmem:s24], [sflag:$0x1] =	stream.indirect_vreg.gather [hbm4b:s3+s2], $0x80, v4, vm0, $0xb8;
	[tilespmem:$0x18200] =	vst v63  }
0x68: {  	s25 =	simm.s32 $0xCA00;
	v3 =	vadd.s32 v1, v3  }
0x69: {  	[tilespmem:s25], [sflag:$0x1] =	stream.indirect_vreg.gather [hbm4b:s5+s2], $0x80, v4, vm0, $0xb8;
	[tilespmem:$0x18200] =	vst v63  }
0x6a: {  	s26 =	simm.s32 $0xD200  }
0x6b: {  	[tilespmem:s26], [sflag:$0x1] =	stream.indirect_vreg.gather [hbm4b:s6+s2], $0x80, v4, vm0, $0xb8;
	[tilespmem:$0x18200] =	vst v63  }
0x6c: {  	s28 =	simm.s32 $0xDA00  }
0x6d: {  	[tilespmem:s28], [sflag:$0x1] =	stream.indirect_vreg.gather [hbm4b:s3+s2], $0x80, v3, vm0, $0xb8;
	[tilespmem:$0x18200] =	vst v63  }
0x6e: {  	s30 =	simm.s32 $0xE200  }
0x6f: {  	[tilespmem:s30], [sflag:$0x1] =	stream.indirect_vreg.gather [hbm4b:s5+s2], $0x80, v3, vm0, $0xb8;
	[tilespmem:$0x18200] =	vst v63  }
0x70: {  	s31 =	simm.s32 $0xEA00  }
0x71: {  	[tilespmem:s31], [sflag:$0x1] =	stream.indirect_vreg.gather [hbm4b:s6+s2], $0x80, v3, vm0, $0xb8;
	[tilespmem:$0x18200] =	vst v63  }
0x72: {  	v3 =	vld [tilespmem:$0x50];
	_ =	sdelay $0x4  }
0x73: {  	v37 =	vshrl.u32 v3, $0x3  }
0x74: {  	v4 =	vmul.u32 $0x30, v37  }
0x75: {  	v3 =	vand.u32 $0x7, v3  }
0x76: {  	v3 =	vor.u32 v3, v4  }
0x77: {  	v4 =	vperm.xlane v3, v0;
	_ =	sdelay $0x1  }
0x78: {  	v4 =	vadd.s32 v1, v4;
	_ =	sdelay $0x3  }
0x79: {  	s0 =	simm.s32 $0xF200;
	v3 =	vperm.xlane v3, v2  }
0x7a: {  	[tilespmem:s0], [sflag:$0x1] =	stream.indirect_vreg.gather [hbm4b:s3+s2], $0x80, v4, vm0, $0xb8;
	[tilespmem:$0x18200] =	vst v63  }
0x7b: {  	s1 =	simm.s32 $0xFA00;
	v3 =	vadd.s32 v1, v3  }
0x7c: {  	[tilespmem:s1], [sflag:$0x1] =	stream.indirect_vreg.gather [hbm4b:s5+s2], $0x80, v4, vm0, $0xb8;
	[tilespmem:$0x18200] =	vst v63  }
0x7d: {  	s9 =	simm.s32 $0x10200  }
0x7e: {  	[tilespmem:s9], [sflag:$0x1] =	stream.indirect_vreg.gather [hbm4b:s6+s2], $0x80, v4, vm0, $0xb8;
	[tilespmem:$0x18200] =	vst v63  }
0x7f: {  	s11 =	simm.s32 $0x10A00  }
0x80: {  	[tilespmem:s11], [sflag:$0x1] =	stream.indirect_vreg.gather [hbm4b:s3+s2], $0x80, v3, vm0, $0xb8;
	[tilespmem:$0x18200] =	vst v63  }
0x81: {  	s12 =	simm.s32 $0x11200  }
0x82: {  	[tilespmem:s12], [sflag:$0x1] =	stream.indirect_vreg.gather [hbm4b:s5+s2], $0x80, v3, vm0, $0xb8;
	[tilespmem:$0x18200] =	vst v63  }
0x83: {  	s15 =	simm.s32 $0x11A00  }
0x84: {  	[tilespmem:s15], [sflag:$0x1] =	stream.indirect_vreg.gather [hbm4b:s6+s2], $0x80, v3, vm0, $0xb8;
	[tilespmem:$0x18200] =	vst v63  }
0x85: {  	v3 =	vld [tilespmem:$0x60];
	_ =	sdelay $0x4  }
0x86: {  	v38 =	vshrl.u32 v3, $0x3  }
0x87: {  	v4 =	vmul.u32 $0x30, v38  }
0x88: {  	v3 =	vand.u32 $0x7, v3  }
0x89: {  	v3 =	vor.u32 v3, v4  }
0x8a: {  	v4 =	vperm.xlane v3, v0;
	_ =	sdelay $0x1  }
0x8b: {  	v4 =	vadd.s32 v1, v4;
	_ =	sdelay $0x3  }
0x8c: {  	s16 =	simm.s32 $0x12200;
	v3 =	vperm.xlane v3, v2  }
0x8d: {  	[tilespmem:s16], [sflag:$0x1] =	stream.indirect_vreg.gather [hbm4b:s3+s2], $0x80, v4, vm0, $0xb8;
	[tilespmem:$0x18200] =	vst v63  }
0x8e: {  	s19 =	simm.s32 $0x12A00;
	v3 =	vadd.s32 v1, v3  }
0x8f: {  	[tilespmem:s19], [sflag:$0x1] =	stream.indirect_vreg.gather [hbm4b:s5+s2], $0x80, v4, vm0, $0xb8;
	[tilespmem:$0x18200] =	vst v63  }
0x90: {  	s20 =	simm.s32 $0x13200  }
0x91: {  	[tilespmem:s20], [sflag:$0x1] =	stream.indirect_vreg.gather [hbm4b:s6+s2], $0x80, v4, vm0, $0xb8;
	[tilespmem:$0x18200] =	vst v63  }
0x92: {  	s31 =	simm.s32 $0x13A00  }
0x93: {  	[tilespmem:s31], [sflag:$0x1] =	stream.indirect_vreg.gather [hbm4b:s3+s2], $0x80, v3, vm0, $0xb8;
	[tilespmem:$0x18200] =	vst v63  }
0x94: {  	s0 =	simm.s32 $0x14200  }
0x95: {  	[tilespmem:s0], [sflag:$0x1] =	stream.indirect_vreg.gather [hbm4b:s5+s2], $0x80, v3, vm0, $0xb8;
	[tilespmem:$0x18200] =	vst v63  }
0x96: {  	s1 =	simm.s32 $0x14A00  }
0x97: {  	[tilespmem:s1], [sflag:$0x1] =	stream.indirect_vreg.gather [hbm4b:s6+s2], $0x80, v3, vm0, $0xb8;
	[tilespmem:$0x18200] =	vst v63  }
0x98: {  	v3 =	vld [tilespmem:$0x70];
	_ =	sdelay $0x4  }
0x99: {  	v39 =	vshrl.u32 v3, $0x3  }
0x9a: {  	v4 =	vmul.u32 $0x30, v39  }
0x9b: {  	v3 =	vand.u32 $0x7, v3  }
0x9c: {  	v3 =	vor.u32 v3, v4  }
0x9d: {  	v4 =	vperm.xlane v3, v0;
	_ =	sdelay $0x1  }
0x9e: {  	v4 =	vadd.s32 v1, v4;
	_ =	sdelay $0x3  }
0x9f: {  	s9 =	simm.s32 $0x15200;
	v3 =	vperm.xlane v3, v2  }
0xa0: {  	[tilespmem:s9], [sflag:$0x1] =	stream.indirect_vreg.gather [hbm4b:s3+s2], $0x80, v4, vm0, $0xb8;
	[tilespmem:$0x18200] =	vst v63  }
0xa1: {  	s11 =	simm.s32 $0x15A00;
	v3 =	vadd.s32 v1, v3  }
0xa2: {  	[tilespmem:s11], [sflag:$0x1] =	stream.indirect_vreg.gather [hbm4b:s5+s2], $0x80, v4, vm0, $0xb8;
	[tilespmem:$0x18200] =	vst v63  }
0xa3: {  	s12 =	simm.s32 $0x16200  }
0xa4: {  	[tilespmem:s12], [sflag:$0x1] =	stream.indirect_vreg.gather [hbm4b:s6+s2], $0x80, v4, vm0, $0xb8;
	[tilespmem:$0x18200] =	vst v63  }
0xa5: {  	s15 =	simm.s32 $0x16A00  }
0xa6: {  	[tilespmem:s15], [sflag:$0x1] =	stream.indirect_vreg.gather [hbm4b:s3+s2], $0x80, v3, vm0, $0xb8;
	[tilespmem:$0x18200] =	vst v63  }
0xa7: {  	s16 =	simm.s32 $0x17200  }
0xa8: {  	[tilespmem:s16], [sflag:$0x1] =	stream.indirect_vreg.gather [hbm4b:s5+s2], $0x80, v3, vm0, $0xb8;
	[tilespmem:$0x18200] =	vst v63  }
0xa9: {  	s19 =	simm.s32 $0x17A00  }
0xaa: {  	[tilespmem:s19], [sflag:$0x1] =	stream.indirect_vreg.gather [hbm4b:s6+s2], $0x80, v3, vm0, $0xb8;
	[tilespmem:$0x18200] =	vst v63  }
0xab: {  	_ =	swait.ge [sflag:s4], $0x18000  }
0xac: {  	[sflag:s4] =	ssyncset.done $0x0  }
0xad: {  	s20 =	rddreg [dreg:$0x7];
	[sflag:s4] =	ssyncadd.s32 $0xFFFE8000  }
0xae: {  	[hbm4b:s20+s2] =	stream.linear.scatter [tilespmem:s29], [sflag:$0x2], $0x18000, $0x38;
	[tilespmem:$0x18200] =	vst v63  }
0xaf: {  	_ =	swait.ge [sflag:s8], $0x18000  }
0xb0: {  	[sflag:s8] =	ssyncset.done $0x0  }
0xb1: {  	[sflag:s8] =	ssyncadd.s32 $0xFFFE8000  }
0xb2: {  	v3 =	vld [tilespmem:$0x80];
	_ =	sdelay $0x4  }
0xb3: {  	v40 =	vshrl.u32 v3, $0x3  }
0xb4: {  	v4 =	vmul.u32 $0x30, v40  }
0xb5: {  	v3 =	vand.u32 $0x7, v3  }
0xb6: {  	v3 =	vor.u32 v3, v4  }
0xb7: {  	v4 =	vperm.xlane v3, v0;
	_ =	sdelay $0x1  }
0xb8: {  	v4 =	vadd.s32 v1, v4;
	_ =	sdelay $0x3  }
0xb9: {  	v3 =	vperm.xlane v3, v2  }
0xba: {  	[tilespmem:s29], [sflag:$0x1] =	stream.indirect_vreg.gather [hbm4b:s3+s2], $0x80, v4, vm0, $0xb8;
	[tilespmem:$0x18200] =	vst v63  }
0xbb: {  	s1 =	simm.s32 $0xA00;
	v3 =	vadd.s32 v1, v3  }
0xbc: {  	[tilespmem:s1], [sflag:$0x1] =	stream.indirect_vreg.gather [hbm4b:s5+s2], $0x80, v4, vm0, $0xb8;
	[tilespmem:$0x18200] =	vst v63  }
0xbd: {  	s9 =	simm.s32 $0x1200  }
0xbe: {  	[tilespmem:s9], [sflag:$0x1] =	stream.indirect_vreg.gather [hbm4b:s6+s2], $0x80, v4, vm0, $0xb8;
	[tilespmem:$0x18200] =	vst v63  }
0xbf: {  	s11 =	simm.s32 $0x1A00  }
0xc0: {  	[tilespmem:s11], [sflag:$0x1] =	stream.indirect_vreg.gather [hbm4b:s3+s2], $0x80, v3, vm0, $0xb8;
	[tilespmem:$0x18200] =	vst v63  }
0xc1: {  	s12 =	simm.s32 $0x2200  }
0xc2: {  	[tilespmem:s12], [sflag:$0x1] =	stream.indirect_vreg.gather [hbm4b:s5+s2], $0x80, v3, vm0, $0xb8;
	[tilespmem:$0x18200] =	vst v63  }
0xc3: {  	s13 =	simm.s32 $0x2A00  }
0xc4: {  	[tilespmem:s13], [sflag:$0x1] =	stream.indirect_vreg.gather [hbm4b:s6+s2], $0x80, v3, vm0, $0xb8;
	[tilespmem:$0x18200] =	vst v63  }
0xc5: {  	v3 =	vld [tilespmem:$0x90];
	_ =	sdelay $0x4  }
0xc6: {  	v41 =	vshrl.u32 v3, $0x3  }
0xc7: {  	v4 =	vmul.u32 $0x30, v41  }
0xc8: {  	v3 =	vand.u32 $0x7, v3  }
0xc9: {  	v3 =	vor.u32 v3, v4  }
0xca: {  	v4 =	vperm.xlane v3, v0;
	_ =	sdelay $0x1  }
0xcb: {  	v4 =	vadd.s32 v1, v4;
	_ =	sdelay $0x3  }
0xcc: {  	s14 =	simm.s32 $0x3200;
	v3 =	vperm.xlane v3, v2  }
0xcd: {  	[tilespmem:s14], [sflag:$0x1] =	stream.indirect_vreg.gather [hbm4b:s3+s2], $0x80, v4, vm0, $0xb8;
	[tilespmem:$0x18200] =	vst v63  }
0xce: {  	s13 =	simm.s32 $0x3A00;
	v3 =	vadd.s32 v1, v3  }
0xcf: {  	[tilespmem:s13], [sflag:$0x1] =	stream.indirect_vreg.gather [hbm4b:s5+s2], $0x80, v4, vm0, $0xb8;
	[tilespmem:$0x18200] =	vst v63  }
0xd0: {  	s14 =	simm.s32 $0x4200  }
0xd1: {  	[tilespmem:s14], [sflag:$0x1] =	stream.indirect_vreg.gather [hbm4b:s6+s2], $0x80, v4, vm0, $0xb8;
	[tilespmem:$0x18200] =	vst v63  }
0xd2: {  	s15 =	simm.s32 $0x4A00  }
0xd3: {  	[tilespmem:s15], [sflag:$0x1] =	stream.indirect_vreg.gather [hbm4b:s3+s2], $0x80, v3, vm0, $0xb8;
	[tilespmem:$0x18200] =	vst v63  }
0xd4: {  	s16 =	simm.s32 $0x5200  }
0xd5: {  	[tilespmem:s16], [sflag:$0x1] =	stream.indirect_vreg.gather [hbm4b:s5+s2], $0x80, v3, vm0, $0xb8;
	[tilespmem:$0x18200] =	vst v63  }
0xd6: {  	s17 =	simm.s32 $0x5A00  }
0xd7: {  	[tilespmem:s17], [sflag:$0x1] =	stream.indirect_vreg.gather [hbm4b:s6+s2], $0x80, v3, vm0, $0xb8;
	[tilespmem:$0x18200] =	vst v63  }
0xd8: {  	v3 =	vld [tilespmem:$0xA0];
	_ =	sdelay $0x4  }
0xd9: {  	v42 =	vshrl.u32 v3, $0x3  }
0xda: {  	v4 =	vmul.u32 $0x30, v42  }
0xdb: {  	v3 =	vand.u32 $0x7, v3  }
0xdc: {  	v3 =	vor.u32 v3, v4  }
0xdd: {  	v4 =	vperm.xlane v3, v0;
	_ =	sdelay $0x1  }
0xde: {  	v4 =	vadd.s32 v1, v4;
	_ =	sdelay $0x3  }
0xdf: {  	s18 =	simm.s32 $0x6200;
	v3 =	vperm.xlane v3, v2  }
0xe0: {  	[tilespmem:s18], [sflag:$0x1] =	stream.indirect_vreg.gather [hbm4b:s3+s2], $0x80, v4, vm0, $0xb8;
	[tilespmem:$0x18200] =	vst v63  }
0xe1: {  	s17 =	simm.s32 $0x6A00;
	v3 =	vadd.s32 v1, v3  }
0xe2: {  	[tilespmem:s17], [sflag:$0x1] =	stream.indirect_vreg.gather [hbm4b:s5+s2], $0x80, v4, vm0, $0xb8;
	[tilespmem:$0x18200] =	vst v63  }
0xe3: {  	s18 =	simm.s32 $0x7200  }
0xe4: {  	[tilespmem:s18], [sflag:$0x1] =	stream.indirect_vreg.gather [hbm4b:s6+s2], $0x80, v4, vm0, $0xb8;
	[tilespmem:$0x18200] =	vst v63  }
0xe5: {  	s19 =	simm.s32 $0x7A00  }
0xe6: {  	[tilespmem:s19], [sflag:$0x1] =	stream.indirect_vreg.gather [hbm4b:s3+s2], $0x80, v3, vm0, $0xb8;
	[tilespmem:$0x18200] =	vst v63  }
0xe7: {  	s20 =	simm.s32 $0x8200  }
0xe8: {  	[tilespmem:s20], [sflag:$0x1] =	stream.indirect_vreg.gather [hbm4b:s5+s2], $0x80, v3, vm0, $0xb8;
	[tilespmem:$0x18200] =	vst v63  }
0xe9: {  	s21 =	simm.s32 $0x8A00  }
0xea: {  	[tilespmem:s21], [sflag:$0x1] =	stream.indirect_vreg.gather [hbm4b:s6+s2], $0x80, v3, vm0, $0xb8;
	[tilespmem:$0x18200] =	vst v63  }
0xeb: {  	v3 =	vld [tilespmem:$0xB0];
	_ =	sdelay $0x4  }
0xec: {  	v43 =	vshrl.u32 v3, $0x3  }
0xed: {  	v4 =	vmul.u32 $0x30, v43  }
0xee: {  	v3 =	vand.u32 $0x7, v3  }
0xef: {  	v3 =	vor.u32 v3, v4  }
0xf0: {  	v4 =	vperm.xlane v3, v0;
	_ =	sdelay $0x1  }
0xf1: {  	v4 =	vadd.s32 v1, v4;
	_ =	sdelay $0x3  }
0xf2: {  	s22 =	simm.s32 $0x9200;
	v3 =	vperm.xlane v3, v2  }
0xf3: {  	[tilespmem:s22], [sflag:$0x1] =	stream.indirect_vreg.gather [hbm4b:s3+s2], $0x80, v4, vm0, $0xb8;
	[tilespmem:$0x18200] =	vst v63  }
0xf4: {  	s21 =	simm.s32 $0x9A00;
	v3 =	vadd.s32 v1, v3  }
0xf5: {  	[tilespmem:s21], [sflag:$0x1] =	stream.indirect_vreg.gather [hbm4b:s5+s2], $0x80, v4, vm0, $0xb8;
	[tilespmem:$0x18200] =	vst v63  }
0xf6: {  	s22 =	simm.s32 $0xA200  }
0xf7: {  	[tilespmem:s22], [sflag:$0x1] =	stream.indirect_vreg.gather [hbm4b:s6+s2], $0x80, v4, vm0, $0xb8;
	[tilespmem:$0x18200] =	vst v63  }
0xf8: {  	s0 =	simm.s32 $0xAA00  }
0xf9: {  	[tilespmem:s0], [sflag:$0x1] =	stream.indirect_vreg.gather [hbm4b:s3+s2], $0x80, v3, vm0, $0xb8;
	[tilespmem:$0x18200] =	vst v63  }
0xfa: {  	s10 =	simm.s32 $0xB200  }
0xfb: {  	[tilespmem:s10], [sflag:$0x1] =	stream.indirect_vreg.gather [hbm4b:s5+s2], $0x80, v3, vm0, $0xb8;
	[tilespmem:$0x18200] =	vst v63  }
0xfc: {  	s23 =	simm.s32 $0xBA00  }
0xfd: {  	[tilespmem:s23], [sflag:$0x1] =	stream.indirect_vreg.gather [hbm4b:s6+s2], $0x80, v3, vm0, $0xb8;
	[tilespmem:$0x18200] =	vst v63  }
0xfe: {  	v3 =	vld [tilespmem:$0xC0];
	_ =	sdelay $0x4  }
0xff: {  	v44 =	vshrl.u32 v3, $0x3  }
0x100: {  	v4 =	vmul.u32 $0x30, v44  }
0x101: {  	v3 =	vand.u32 $0x7, v3  }
0x102: {  	v3 =	vor.u32 v3, v4  }
0x103: {  	v4 =	vperm.xlane v3, v0;
	_ =	sdelay $0x1  }
0x104: {  	v4 =	vadd.s32 v1, v4;
	_ =	sdelay $0x3  }
0x105: {  	s24 =	simm.s32 $0xC200;
	v3 =	vperm.xlane v3, v2  }
0x106: {  	[tilespmem:s24], [sflag:$0x1] =	stream.indirect_vreg.gather [hbm4b:s3+s2], $0x80, v4, vm0, $0xb8;
	[tilespmem:$0x18200] =	vst v63  }
0x107: {  	s23 =	simm.s32 $0xCA00;
	v3 =	vadd.s32 v1, v3  }
0x108: {  	[tilespmem:s23], [sflag:$0x1] =	stream.indirect_vreg.gather [hbm4b:s5+s2], $0x80, v4, vm0, $0xb8;
	[tilespmem:$0x18200] =	vst v63  }
0x109: {  	s24 =	simm.s32 $0xD200  }
0x10a: {  	[tilespmem:s24], [sflag:$0x1] =	stream.indirect_vreg.gather [hbm4b:s6+s2], $0x80, v4, vm0, $0xb8;
	[tilespmem:$0x18200] =	vst v63  }
0x10b: {  	s10 =	simm.s32 $0xDA00  }
0x10c: {  	[tilespmem:s10], [sflag:$0x1] =	stream.indirect_vreg.gather [hbm4b:s3+s2], $0x80, v3, vm0, $0xb8;
	[tilespmem:$0x18200] =	vst v63  }
0x10d: {  	s10 =	simm.s32 $0xE200  }
0x10e: {  	[tilespmem:s10], [sflag:$0x1] =	stream.indirect_vreg.gather [hbm4b:s5+s2], $0x80, v3, vm0, $0xb8;
	[tilespmem:$0x18200] =	vst v63  }
0x10f: {  	s25 =	simm.s32 $0xEA00  }
0x110: {  	[tilespmem:s25], [sflag:$0x1] =	stream.indirect_vreg.gather [hbm4b:s6+s2], $0x80, v3, vm0, $0xb8;
	[tilespmem:$0x18200] =	vst v63  }
0x111: {  	v3 =	vld [tilespmem:$0xD0];
	_ =	sdelay $0x4  }
0x112: {  	v45 =	vshrl.u32 v3, $0x3  }
0x113: {  	v4 =	vmul.u32 $0x30, v45  }
0x114: {  	v3 =	vand.u32 $0x7, v3  }
0x115: {  	v3 =	vor.u32 v3, v4  }
0x116: {  	v4 =	vperm.xlane v3, v0;
	_ =	sdelay $0x1  }
0x117: {  	v4 =	vadd.s32 v1, v4;
	_ =	sdelay $0x3  }
0x118: {  	s26 =	simm.s32 $0xF200;
	v3 =	vperm.xlane v3, v2  }
0x119: {  	[tilespmem:s26], [sflag:$0x1] =	stream.indirect_vreg.gather [hbm4b:s3+s2], $0x80, v4, vm0, $0xb8;
	[tilespmem:$0x18200] =	vst v63  }
0x11a: {  	s25 =	simm.s32 $0xFA00;
	v3 =	vadd.s32 v1, v3  }
0x11b: {  	[tilespmem:s25], [sflag:$0x1] =	stream.indirect_vreg.gather [hbm4b:s5+s2], $0x80, v4, vm0, $0xb8;
	[tilespmem:$0x18200] =	vst v63  }
0x11c: {  	s26 =	simm.s32 $0x10200  }
0x11d: {  	[tilespmem:s26], [sflag:$0x1] =	stream.indirect_vreg.gather [hbm4b:s6+s2], $0x80, v4, vm0, $0xb8;
	[tilespmem:$0x18200] =	vst v63  }
0x11e: {  	s25 =	simm.s32 $0x10A00  }
0x11f: {  	[tilespmem:s25], [sflag:$0x1] =	stream.indirect_vreg.gather [hbm4b:s3+s2], $0x80, v3, vm0, $0xb8;
	[tilespmem:$0x18200] =	vst v63  }
0x120: {  	s26 =	simm.s32 $0x11200  }
0x121: {  	[tilespmem:s26], [sflag:$0x1] =	stream.indirect_vreg.gather [hbm4b:s5+s2], $0x80, v3, vm0, $0xb8;
	[tilespmem:$0x18200] =	vst v63  }
0x122: {  	s28 =	simm.s32 $0x11A00  }
0x123: {  	[tilespmem:s28], [sflag:$0x1] =	stream.indirect_vreg.gather [hbm4b:s6+s2], $0x80, v3, vm0, $0xb8;
	[tilespmem:$0x18200] =	vst v63  }
0x124: {  	v3 =	vld [tilespmem:$0xE0];
	_ =	sdelay $0x4  }
0x125: {  	v46 =	vshrl.u32 v3, $0x3  }
0x126: {  	v4 =	vmul.u32 $0x30, v46  }
0x127: {  	v3 =	vand.u32 $0x7, v3  }
0x128: {  	v3 =	vor.u32 v3, v4  }
0x129: {  	v4 =	vperm.xlane v3, v0;
	_ =	sdelay $0x1  }
0x12a: {  	v4 =	vadd.s32 v1, v4;
	_ =	sdelay $0x3  }
0x12b: {  	s30 =	simm.s32 $0x12200;
	v3 =	vperm.xlane v3, v2  }
0x12c: {  	[tilespmem:s30], [sflag:$0x1] =	stream.indirect_vreg.gather [hbm4b:s3+s2], $0x80, v4, vm0, $0xb8;
	[tilespmem:$0x18200] =	vst v63  }
0x12d: {  	s25 =	simm.s32 $0x12A00;
	v3 =	vadd.s32 v1, v3  }
0x12e: {  	[tilespmem:s25], [sflag:$0x1] =	stream.indirect_vreg.gather [hbm4b:s5+s2], $0x80, v4, vm0, $0xb8;
	[tilespmem:$0x18200] =	vst v63  }
0x12f: {  	s26 =	simm.s32 $0x13200  }
0x130: {  	[tilespmem:s26], [sflag:$0x1] =	stream.indirect_vreg.gather [hbm4b:s6+s2], $0x80, v4, vm0, $0xb8;
	[tilespmem:$0x18200] =	vst v63  }
0x131: {  	s28 =	simm.s32 $0x13A00  }
0x132: {  	[tilespmem:s28], [sflag:$0x1] =	stream.indirect_vreg.gather [hbm4b:s3+s2], $0x80, v3, vm0, $0xb8;
	[tilespmem:$0x18200] =	vst v63  }
0x133: {  	s30 =	simm.s32 $0x14200  }
0x134: {  	[tilespmem:s30], [sflag:$0x1] =	stream.indirect_vreg.gather [hbm4b:s5+s2], $0x80, v3, vm0, $0xb8;
	[tilespmem:$0x18200] =	vst v63  }
0x135: {  	s31 =	simm.s32 $0x14A00  }
0x136: {  	[tilespmem:s31], [sflag:$0x1] =	stream.indirect_vreg.gather [hbm4b:s6+s2], $0x80, v3, vm0, $0xb8;
	[tilespmem:$0x18200] =	vst v63  }
0x137: {  	v3 =	vld [tilespmem:$0xF0];
	_ =	sdelay $0x4  }
0x138: {  	v47 =	vshrl.u32 v3, $0x3  }
0x139: {  	v4 =	vmul.u32 $0x30, v47  }
0x13a: {  	v3 =	vand.u32 $0x7, v3  }
0x13b: {  	v3 =	vor.u32 v3, v4  }
0x13c: {  	v4 =	vperm.xlane v3, v0;
	_ =	sdelay $0x1  }
0x13d: {  	v4 =	vadd.s32 v1, v4;
	_ =	sdelay $0x3  }
0x13e: {  	s25 =	simm.s32 $0x15200;
	v3 =	vperm.xlane v3, v2  }
0x13f: {  	[tilespmem:s25], [sflag:$0x1] =	stream.indirect_vreg.gather [hbm4b:s3+s2], $0x80, v4, vm0, $0xb8;
	[tilespmem:$0x18200] =	vst v63  }
0x140: {  	s26 =	simm.s32 $0x15A00;
	v3 =	vadd.s32 v1, v3  }
0x141: {  	[tilespmem:s26], [sflag:$0x1] =	stream.indirect_vreg.gather [hbm4b:s5+s2], $0x80, v4, vm0, $0xb8;
	[tilespmem:$0x18200] =	vst v63  }
0x142: {  	s28 =	simm.s32 $0x16200  }
0x143: {  	[tilespmem:s28], [sflag:$0x1] =	stream.indirect_vreg.gather [hbm4b:s6+s2], $0x80, v4, vm0, $0xb8;
	[tilespmem:$0x18200] =	vst v63  }
0x144: {  	s30 =	simm.s32 $0x16A00  }
0x145: {  	[tilespmem:s30], [sflag:$0x1] =	stream.indirect_vreg.gather [hbm4b:s3+s2], $0x80, v3, vm0, $0xb8;
	[tilespmem:$0x18200] =	vst v63  }
0x146: {  	s31 =	simm.s32 $0x17200  }
0x147: {  	[tilespmem:s31], [sflag:$0x1] =	stream.indirect_vreg.gather [hbm4b:s5+s2], $0x80, v3, vm0, $0xb8;
	[tilespmem:$0x18200] =	vst v63  }
0x148: {  	s25 =	simm.s32 $0x17A00  }
0x149: {  	[tilespmem:s25], [sflag:$0x1] =	stream.indirect_vreg.gather [hbm4b:s6+s2], $0x80, v3, vm0, $0xb8;
	[tilespmem:$0x18200] =	vst v63  }
0x14a: {  	_ =	swait.ge [sflag:s4], $0x18000  }
0x14b: {  	[sflag:s4] =	ssyncset.done $0x0  }
0x14c: {  	s26 =	rddreg [dreg:$0x4];
	[sflag:s4] =	ssyncadd.s32 $0xFFFE8000  }
0x14d: {  	[hbm4b:s26+s2] =	stream.linear.scatter [tilespmem:s29], [sflag:$0x2], $0x18000, $0x38;
	[tilespmem:$0x18200] =	vst v63  }
0x14e: {  	_ =	swait.ge [sflag:s8], $0x18000  }
0x14f: {  	[sflag:s8] =	ssyncset.done $0x0  }
0x150: {  	[sflag:s8] =	ssyncadd.s32 $0xFFFE8000  }
0x151: {  	v3 =	vld [tilespmem:$0x100];
	_ =	sdelay $0x4  }
0x152: {  	v48 =	vshrl.u32 v3, $0x3  }
0x153: {  	v4 =	vmul.u32 $0x30, v48  }
0x154: {  	v3 =	vand.u32 $0x7, v3  }
0x155: {  	v3 =	vor.u32 v3, v4  }
0x156: {  	v4 =	vperm.xlane v3, v0;
	_ =	sdelay $0x1  }
0x157: {  	v4 =	vadd.s32 v1, v4;
	_ =	sdelay $0x3  }
0x158: {  	v3 =	vperm.xlane v3, v2  }
0x159: {  	[tilespmem:s29], [sflag:$0x1] =	stream.indirect_vreg.gather [hbm4b:s3+s2], $0x80, v4, vm0, $0xb8;
	[tilespmem:$0x18200] =	vst v63  }
0x15a: {  	v3 =	vadd.s32 v1, v3  }
0x15b: {  	[tilespmem:s1], [sflag:$0x1] =	stream.indirect_vreg.gather [hbm4b:s5+s2], $0x80, v4, vm0, $0xb8;
	[tilespmem:$0x18200] =	vst v63  }
0x15c: {  	_ = 	snop  }
0x15d: {  	[tilespmem:s9], [sflag:$0x1] =	stream.indirect_vreg.gather [hbm4b:s6+s2], $0x80, v4, vm0, $0xb8;
	[tilespmem:$0x18200] =	vst v63  }
0x15e: {  	_ = 	snop  }
0x15f: {  	[tilespmem:s11], [sflag:$0x1] =	stream.indirect_vreg.gather [hbm4b:s3+s2], $0x80, v3, vm0, $0xb8;
	[tilespmem:$0x18200] =	vst v63  }
0x160: {  	_ = 	snop  }
0x161: {  	[tilespmem:s12], [sflag:$0x1] =	stream.indirect_vreg.gather [hbm4b:s5+s2], $0x80, v3, vm0, $0xb8;
	[tilespmem:$0x18200] =	vst v63  }
0x162: {  	s28 =	simm.s32 $0x2A00  }
0x163: {  	[tilespmem:s28], [sflag:$0x1] =	stream.indirect_vreg.gather [hbm4b:s6+s2], $0x80, v3, vm0, $0xb8;
	[tilespmem:$0x18200] =	vst v63  }
0x164: {  	v3 =	vld [tilespmem:$0x110];
	_ =	sdelay $0x4  }
0x165: {  	v49 =	vshrl.u32 v3, $0x3  }
0x166: {  	v4 =	vmul.u32 $0x30, v49  }
0x167: {  	v3 =	vand.u32 $0x7, v3  }
0x168: {  	v3 =	vor.u32 v3, v4  }
0x169: {  	v4 =	vperm.xlane v3, v0;
	_ =	sdelay $0x1  }
0x16a: {  	v4 =	vadd.s32 v1, v4;
	_ =	sdelay $0x3  }
0x16b: {  	s30 =	simm.s32 $0x3200;
	v3 =	vperm.xlane v3, v2  }
0x16c: {  	[tilespmem:s30], [sflag:$0x1] =	stream.indirect_vreg.gather [hbm4b:s3+s2], $0x80, v4, vm0, $0xb8;
	[tilespmem:$0x18200] =	vst v63  }
0x16d: {  	v3 =	vadd.s32 v1, v3  }
0x16e: {  	[tilespmem:s13], [sflag:$0x1] =	stream.indirect_vreg.gather [hbm4b:s5+s2], $0x80, v4, vm0, $0xb8;
	[tilespmem:$0x18200] =	vst v63  }
0x16f: {  	_ = 	snop  }
0x170: {  	[tilespmem:s14], [sflag:$0x1] =	stream.indirect_vreg.gather [hbm4b:s6+s2], $0x80, v4, vm0, $0xb8;
	[tilespmem:$0x18200] =	vst v63  }
0x171: {  	_ = 	snop  }
0x172: {  	[tilespmem:s15], [sflag:$0x1] =	stream.indirect_vreg.gather [hbm4b:s3+s2], $0x80, v3, vm0, $0xb8;
	[tilespmem:$0x18200] =	vst v63  }
0x173: {  	_ = 	snop  }
0x174: {  	[tilespmem:s16], [sflag:$0x1] =	stream.indirect_vreg.gather [hbm4b:s5+s2], $0x80, v3, vm0, $0xb8;
	[tilespmem:$0x18200] =	vst v63  }
0x175: {  	s31 =	simm.s32 $0x5A00  }
0x176: {  	[tilespmem:s31], [sflag:$0x1] =	stream.indirect_vreg.gather [hbm4b:s6+s2], $0x80, v3, vm0, $0xb8;
	[tilespmem:$0x18200] =	vst v63  }
0x177: {  	v3 =	vld [tilespmem:$0x120];
	_ =	sdelay $0x4  }
0x178: {  	v50 =	vshrl.u32 v3, $0x3  }
0x179: {  	v4 =	vmul.u32 $0x30, v50  }
0x17a: {  	v3 =	vand.u32 $0x7, v3  }
0x17b: {  	v3 =	vor.u32 v3, v4  }
0x17c: {  	v4 =	vperm.xlane v3, v0;
	_ =	sdelay $0x1  }
0x17d: {  	v4 =	vadd.s32 v1, v4;
	_ =	sdelay $0x3  }
0x17e: {  	s25 =	simm.s32 $0x6200;
	v3 =	vperm.xlane v3, v2  }
0x17f: {  	[tilespmem:s25], [sflag:$0x1] =	stream.indirect_vreg.gather [hbm4b:s3+s2], $0x80, v4, vm0, $0xb8;
	[tilespmem:$0x18200] =	vst v63  }
0x180: {  	v3 =	vadd.s32 v1, v3  }
0x181: {  	[tilespmem:s17], [sflag:$0x1] =	stream.indirect_vreg.gather [hbm4b:s5+s2], $0x80, v4, vm0, $0xb8;
	[tilespmem:$0x18200] =	vst v63  }
0x182: {  	_ = 	snop  }
0x183: {  	[tilespmem:s18], [sflag:$0x1] =	stream.indirect_vreg.gather [hbm4b:s6+s2], $0x80, v4, vm0, $0xb8;
	[tilespmem:$0x18200] =	vst v63  }
0x184: {  	_ = 	snop  }
0x185: {  	[tilespmem:s19], [sflag:$0x1] =	stream.indirect_vreg.gather [hbm4b:s3+s2], $0x80, v3, vm0, $0xb8;
	[tilespmem:$0x18200] =	vst v63  }
0x186: {  	_ = 	snop  }
0x187: {  	[tilespmem:s20], [sflag:$0x1] =	stream.indirect_vreg.gather [hbm4b:s5+s2], $0x80, v3, vm0, $0xb8;
	[tilespmem:$0x18200] =	vst v63  }
0x188: {  	s26 =	simm.s32 $0x8A00  }
0x189: {  	[tilespmem:s26], [sflag:$0x1] =	stream.indirect_vreg.gather [hbm4b:s6+s2], $0x80, v3, vm0, $0xb8;
	[tilespmem:$0x18200] =	vst v63  }
0x18a: {  	v3 =	vld [tilespmem:$0x130];
	_ =	sdelay $0x4  }
0x18b: {  	v51 =	vshrl.u32 v3, $0x3  }
0x18c: {  	v4 =	vmul.u32 $0x30, v51  }
0x18d: {  	v3 =	vand.u32 $0x7, v3  }
0x18e: {  	v3 =	vor.u32 v3, v4  }
0x18f: {  	v4 =	vperm.xlane v3, v0;
	_ =	sdelay $0x1  }
0x190: {  	v4 =	vadd.s32 v1, v4;
	_ =	sdelay $0x3  }
0x191: {  	s28 =	simm.s32 $0x9200;
	v3 =	vperm.xlane v3, v2  }
0x192: {  	[tilespmem:s28], [sflag:$0x1] =	stream.indirect_vreg.gather [hbm4b:s3+s2], $0x80, v4, vm0, $0xb8;
	[tilespmem:$0x18200] =	vst v63  }
0x193: {  	v3 =	vadd.s32 v1, v3  }
0x194: {  	[tilespmem:s21], [sflag:$0x1] =	stream.indirect_vreg.gather [hbm4b:s5+s2], $0x80, v4, vm0, $0xb8;
	[tilespmem:$0x18200] =	vst v63  }
0x195: {  	_ = 	snop  }
0x196: {  	[tilespmem:s22], [sflag:$0x1] =	stream.indirect_vreg.gather [hbm4b:s6+s2], $0x80, v4, vm0, $0xb8;
	[tilespmem:$0x18200] =	vst v63  }
0x197: {  	_ = 	snop  }
0x198: {  	[tilespmem:s0], [sflag:$0x1] =	stream.indirect_vreg.gather [hbm4b:s3+s2], $0x80, v3, vm0, $0xb8;
	[tilespmem:$0x18200] =	vst v63  }
0x199: {  	s30 =	simm.s32 $0xB200  }
0x19a: {  	[tilespmem:s30], [sflag:$0x1] =	stream.indirect_vreg.gather [hbm4b:s5+s2], $0x80, v3, vm0, $0xb8;
	[tilespmem:$0x18200] =	vst v63  }
0x19b: {  	s31 =	simm.s32 $0xBA00  }
0x19c: {  	[tilespmem:s31], [sflag:$0x1] =	stream.indirect_vreg.gather [hbm4b:s6+s2], $0x80, v3, vm0, $0xb8;
	[tilespmem:$0x18200] =	vst v63  }
0x19d: {  	v3 =	vld [tilespmem:$0x140];
	_ =	sdelay $0x4  }
0x19e: {  	v52 =	vshrl.u32 v3, $0x3  }
0x19f: {  	v4 =	vmul.u32 $0x30, v52  }
0x1a0: {  	v3 =	vand.u32 $0x7, v3  }
0x1a1: {  	v3 =	vor.u32 v3, v4  }
0x1a2: {  	v4 =	vperm.xlane v3, v0;
	_ =	sdelay $0x1  }
0x1a3: {  	v4 =	vadd.s32 v1, v4;
	_ =	sdelay $0x3  }
0x1a4: {  	s25 =	simm.s32 $0xC200;
	v3 =	vperm.xlane v3, v2  }
0x1a5: {  	[tilespmem:s25], [sflag:$0x1] =	stream.indirect_vreg.gather [hbm4b:s3+s2], $0x80, v4, vm0, $0xb8;
	[tilespmem:$0x18200] =	vst v63  }
0x1a6: {  	s23 =	simm.s32 $0xCA00;
	v3 =	vadd.s32 v1, v3  }
0x1a7: {  	[tilespmem:s23], [sflag:$0x1] =	stream.indirect_vreg.gather [hbm4b:s5+s2], $0x80, v4, vm0, $0xb8;
	[tilespmem:$0x18200] =	vst v63  }
0x1a8: {  	s24 =	simm.s32 $0xD200  }
0x1a9: {  	[tilespmem:s24], [sflag:$0x1] =	stream.indirect_vreg.gather [hbm4b:s6+s2], $0x80, v4, vm0, $0xb8;
	[tilespmem:$0x18200] =	vst v63  }
0x1aa: {  	s26 =	simm.s32 $0xDA00  }
0x1ab: {  	[tilespmem:s26], [sflag:$0x1] =	stream.indirect_vreg.gather [hbm4b:s3+s2], $0x80, v3, vm0, $0xb8;
	[tilespmem:$0x18200] =	vst v63  }
0x1ac: {  	s28 =	simm.s32 $0xE200  }
0x1ad: {  	[tilespmem:s28], [sflag:$0x1] =	stream.indirect_vreg.gather [hbm4b:s5+s2], $0x80, v3, vm0, $0xb8;
	[tilespmem:$0x18200] =	vst v63  }
0x1ae: {  	s30 =	simm.s32 $0xEA00  }
0x1af: {  	[tilespmem:s30], [sflag:$0x1] =	stream.indirect_vreg.gather [hbm4b:s6+s2], $0x80, v3, vm0, $0xb8;
	[tilespmem:$0x18200] =	vst v63  }
0x1b0: {  	v3 =	vld [tilespmem:$0x150];
	_ =	sdelay $0x4  }
0x1b1: {  	v53 =	vshrl.u32 v3, $0x3  }
0x1b2: {  	v4 =	vmul.u32 $0x30, v53  }
0x1b3: {  	v3 =	vand.u32 $0x7, v3  }
0x1b4: {  	v3 =	vor.u32 v3, v4  }
0x1b5: {  	v4 =	vperm.xlane v3, v0;
	_ =	sdelay $0x1  }
0x1b6: {  	v4 =	vadd.s32 v1, v4;
	_ =	sdelay $0x3  }
0x1b7: {  	s31 =	simm.s32 $0xF200;
	v3 =	vperm.xlane v3, v2  }
0x1b8: {  	[tilespmem:s31], [sflag:$0x1] =	stream.indirect_vreg.gather [hbm4b:s3+s2], $0x80, v4, vm0, $0xb8;
	[tilespmem:$0x18200] =	vst v63  }
0x1b9: {  	s28 =	simm.s32 $0xFA00;
	v3 =	vadd.s32 v1, v3  }
0x1ba: {  	[tilespmem:s28], [sflag:$0x1] =	stream.indirect_vreg.gather [hbm4b:s5+s2], $0x80, v4, vm0, $0xb8;
	[tilespmem:$0x18200] =	vst v63  }
0x1bb: {  	s30 =	simm.s32 $0x10200  }
0x1bc: {  	[tilespmem:s30], [sflag:$0x1] =	stream.indirect_vreg.gather [hbm4b:s6+s2], $0x80, v4, vm0, $0xb8;
	[tilespmem:$0x18200] =	vst v63  }
0x1bd: {  	s31 =	simm.s32 $0x10A00  }
0x1be: {  	[tilespmem:s31], [sflag:$0x1] =	stream.indirect_vreg.gather [hbm4b:s3+s2], $0x80, v3, vm0, $0xb8;
	[tilespmem:$0x18200] =	vst v63  }
0x1bf: {  	s10 =	simm.s32 $0x11200  }
0x1c0: {  	[tilespmem:s10], [sflag:$0x1] =	stream.indirect_vreg.gather [hbm4b:s5+s2], $0x80, v3, vm0, $0xb8;
	[tilespmem:$0x18200] =	vst v63  }
0x1c1: {  	s10 =	simm.s32 $0x11A00  }
0x1c2: {  	[tilespmem:s10], [sflag:$0x1] =	stream.indirect_vreg.gather [hbm4b:s6+s2], $0x80, v3, vm0, $0xb8;
	[tilespmem:$0x18200] =	vst v63  }
0x1c3: {  	v3 =	vld [tilespmem:$0x160];
	_ =	sdelay $0x4  }
0x1c4: {  	v54 =	vshrl.u32 v3, $0x3  }
0x1c5: {  	v4 =	vmul.u32 $0x30, v54  }
0x1c6: {  	v3 =	vand.u32 $0x7, v3  }
0x1c7: {  	v3 =	vor.u32 v3, v4  }
0x1c8: {  	v4 =	vperm.xlane v3, v0;
	_ =	sdelay $0x1  }
0x1c9: {  	v4 =	vadd.s32 v1, v4;
	_ =	sdelay $0x3  }
0x1ca: {  	s10 =	simm.s32 $0x12200;
	v3 =	vperm.xlane v3, v2  }
0x1cb: {  	[tilespmem:s10], [sflag:$0x1] =	stream.indirect_vreg.gather [hbm4b:s3+s2], $0x80, v4, vm0, $0xb8;
	[tilespmem:$0x18200] =	vst v63  }
0x1cc: {  	v3 =	vadd.s32 v1, v3;
	s10 =	simm.s32 $0x12A00  }
0x1cd: {  	[tilespmem:s10], [sflag:$0x1] =	stream.indirect_vreg.gather [hbm4b:s5+s2], $0x80, v4, vm0, $0xb8;
	[tilespmem:$0x18200] =	vst v63  }
0x1ce: {  	s10 =	simm.s32 $0x13200  }
0x1cf: {  	[tilespmem:s10], [sflag:$0x1] =	stream.indirect_vreg.gather [hbm4b:s6+s2], $0x80, v4, vm0, $0xb8;
	[tilespmem:$0x18200] =	vst v63  }
0x1d0: {  	s10 =	simm.s32 $0x13A00  }
0x1d1: {  	[tilespmem:s10], [sflag:$0x1] =	stream.indirect_vreg.gather [hbm4b:s3+s2], $0x80, v3, vm0, $0xb8;
	[tilespmem:$0x18200] =	vst v63  }
0x1d2: {  	s10 =	simm.s32 $0x14200  }
0x1d3: {  	[tilespmem:s10], [sflag:$0x1] =	stream.indirect_vreg.gather [hbm4b:s5+s2], $0x80, v3, vm0, $0xb8;
	[tilespmem:$0x18200] =	vst v63  }
0x1d4: {  	s10 =	simm.s32 $0x14A00  }
0x1d5: {  	[tilespmem:s10], [sflag:$0x1] =	stream.indirect_vreg.gather [hbm4b:s6+s2], $0x80, v3, vm0, $0xb8;
	[tilespmem:$0x18200] =	vst v63  }
0x1d6: {  	v3 =	vld [tilespmem:$0x170];
	_ =	sdelay $0x4  }
0x1d7: {  	v55 =	vshrl.u32 v3, $0x3  }
0x1d8: {  	v4 =	vmul.u32 $0x30, v55  }
0x1d9: {  	v3 =	vand.u32 $0x7, v3  }
0x1da: {  	v3 =	vor.u32 v3, v4  }
0x1db: {  	v4 =	vperm.xlane v3, v0;
	_ =	sdelay $0x1  }
0x1dc: {  	v4 =	vadd.s32 v1, v4;
	_ =	sdelay $0x3  }
0x1dd: {  	s10 =	simm.s32 $0x15200;
	v3 =	vperm.xlane v3, v2  }
0x1de: {  	[tilespmem:s10], [sflag:$0x1] =	stream.indirect_vreg.gather [hbm4b:s3+s2], $0x80, v4, vm0, $0xb8;
	[tilespmem:$0x18200] =	vst v63  }
0x1df: {  	v3 =	vadd.s32 v1, v3;
	s10 =	simm.s32 $0x15A00  }
0x1e0: {  	[tilespmem:s10], [sflag:$0x1] =	stream.indirect_vreg.gather [hbm4b:s5+s2], $0x80, v4, vm0, $0xb8;
	[tilespmem:$0x18200] =	vst v63  }
0x1e1: {  	s10 =	simm.s32 $0x16200  }
0x1e2: {  	[tilespmem:s10], [sflag:$0x1] =	stream.indirect_vreg.gather [hbm4b:s6+s2], $0x80, v4, vm0, $0xb8;
	[tilespmem:$0x18200] =	vst v63  }
0x1e3: {  	s10 =	simm.s32 $0x16A00  }
0x1e4: {  	[tilespmem:s10], [sflag:$0x1] =	stream.indirect_vreg.gather [hbm4b:s3+s2], $0x80, v3, vm0, $0xb8;
	[tilespmem:$0x18200] =	vst v63  }
0x1e5: {  	s10 =	simm.s32 $0x17200  }
0x1e6: {  	[tilespmem:s10], [sflag:$0x1] =	stream.indirect_vreg.gather [hbm4b:s5+s2], $0x80, v3, vm0, $0xb8;
	[tilespmem:$0x18200] =	vst v63  }
0x1e7: {  	s10 =	simm.s32 $0x17A00  }
0x1e8: {  	[tilespmem:s10], [sflag:$0x1] =	stream.indirect_vreg.gather [hbm4b:s6+s2], $0x80, v3, vm0, $0xb8;
	[tilespmem:$0x18200] =	vst v63  }
0x1e9: {  	_ =	swait.ge [sflag:s4], $0x18000  }
0x1ea: {  	[sflag:s4] =	ssyncset.done $0x0  }
0x1eb: {  	s10 =	rddreg [dreg:$0x5];
	[sflag:s4] =	ssyncadd.s32 $0xFFFE8000  }
0x1ec: {  	[hbm4b:s10+s2] =	stream.linear.scatter [tilespmem:s29], [sflag:$0x2], $0x18000, $0x38;
	[tilespmem:$0x18200] =	vst v63  }
0x1ed: {  	_ =	swait.ge [sflag:s8], $0x18000  }
0x1ee: {  	[sflag:s8] =	ssyncset.done $0x0  }
0x1ef: {  	[sflag:s8] =	ssyncadd.s32 $0xFFFE8000  }
0x1f0: {  	v3 =	vld [tilespmem:$0x180];
	_ =	sdelay $0x4  }
0x1f1: {  	v56 =	vshrl.u32 v3, $0x3  }
0x1f2: {  	v4 =	vmul.u32 $0x30, v56  }
0x1f3: {  	v3 =	vand.u32 $0x7, v3  }
0x1f4: {  	v3 =	vor.u32 v3, v4  }
0x1f5: {  	v4 =	vperm.xlane v3, v0;
	_ =	sdelay $0x1  }
0x1f6: {  	v4 =	vadd.s32 v1, v4;
	_ =	sdelay $0x3  }
0x1f7: {  	v3 =	vperm.xlane v3, v2  }
0x1f8: {  	[tilespmem:s29], [sflag:$0x1] =	stream.indirect_vreg.gather [hbm4b:s3+s2], $0x80, v4, vm0, $0xb8;
	[tilespmem:$0x18200] =	vst v63  }
0x1f9: {  	s1 =	simm.s32 $0xA00;
	v3 =	vadd.s32 v1, v3  }
0x1fa: {  	[tilespmem:s1], [sflag:$0x1] =	stream.indirect_vreg.gather [hbm4b:s5+s2], $0x80, v4, vm0, $0xb8;
	[tilespmem:$0x18200] =	vst v63  }
0x1fb: {  	s9 =	simm.s32 $0x1200  }
0x1fc: {  	[tilespmem:s9], [sflag:$0x1] =	stream.indirect_vreg.gather [hbm4b:s6+s2], $0x80, v4, vm0, $0xb8;
	[tilespmem:$0x18200] =	vst v63  }
0x1fd: {  	s11 =	simm.s32 $0x1A00  }
0x1fe: {  	[tilespmem:s11], [sflag:$0x1] =	stream.indirect_vreg.gather [hbm4b:s3+s2], $0x80, v3, vm0, $0xb8;
	[tilespmem:$0x18200] =	vst v63  }
0x1ff: {  	s12 =	simm.s32 $0x2200  }
0x200: {  	[tilespmem:s12], [sflag:$0x1] =	stream.indirect_vreg.gather [hbm4b:s5+s2], $0x80, v3, vm0, $0xb8;
	[tilespmem:$0x18200] =	vst v63  }
0x201: {  	s11 =	simm.s32 $0x2A00  }
0x202: {  	[tilespmem:s11], [sflag:$0x1] =	stream.indirect_vreg.gather [hbm4b:s6+s2], $0x80, v3, vm0, $0xb8;
	[tilespmem:$0x18200] =	vst v63  }
0x203: {  	v3 =	vld [tilespmem:$0x190];
	_ =	sdelay $0x4  }
0x204: {  	v57 =	vshrl.u32 v3, $0x3  }
0x205: {  	v4 =	vmul.u32 $0x30, v57  }
0x206: {  	v3 =	vand.u32 $0x7, v3  }
0x207: {  	v3 =	vor.u32 v3, v4  }
0x208: {  	v4 =	vperm.xlane v3, v0;
	_ =	sdelay $0x1  }
0x209: {  	v4 =	vadd.s32 v1, v4;
	_ =	sdelay $0x3  }
0x20a: {  	s12 =	simm.s32 $0x3200;
	v3 =	vperm.xlane v3, v2  }
0x20b: {  	[tilespmem:s12], [sflag:$0x1] =	stream.indirect_vreg.gather [hbm4b:s3+s2], $0x80, v4, vm0, $0xb8;
	[tilespmem:$0x18200] =	vst v63  }
0x20c: {  	s13 =	simm.s32 $0x3A00;
	v3 =	vadd.s32 v1, v3  }
0x20d: {  	[tilespmem:s13], [sflag:$0x1] =	stream.indirect_vreg.gather [hbm4b:s5+s2], $0x80, v4, vm0, $0xb8;
	[tilespmem:$0x18200] =	vst v63  }
0x20e: {  	s14 =	simm.s32 $0x4200  }
0x20f: {  	[tilespmem:s14], [sflag:$0x1] =	stream.indirect_vreg.gather [hbm4b:s6+s2], $0x80, v4, vm0, $0xb8;
	[tilespmem:$0x18200] =	vst v63  }
0x210: {  	s15 =	simm.s32 $0x4A00  }
0x211: {  	[tilespmem:s15], [sflag:$0x1] =	stream.indirect_vreg.gather [hbm4b:s3+s2], $0x80, v3, vm0, $0xb8;
	[tilespmem:$0x18200] =	vst v63  }
0x212: {  	s16 =	simm.s32 $0x5200  }
0x213: {  	[tilespmem:s16], [sflag:$0x1] =	stream.indirect_vreg.gather [hbm4b:s5+s2], $0x80, v3, vm0, $0xb8;
	[tilespmem:$0x18200] =	vst v63  }
0x214: {  	s15 =	simm.s32 $0x5A00  }
0x215: {  	[tilespmem:s15], [sflag:$0x1] =	stream.indirect_vreg.gather [hbm4b:s6+s2], $0x80, v3, vm0, $0xb8;
	[tilespmem:$0x18200] =	vst v63  }
0x216: {  	v3 =	vld [tilespmem:$0x1A0];
	_ =	sdelay $0x4  }
0x217: {  	v58 =	vshrl.u32 v3, $0x3  }
0x218: {  	v4 =	vmul.u32 $0x30, v58  }
0x219: {  	v3 =	vand.u32 $0x7, v3  }
0x21a: {  	v3 =	vor.u32 v3, v4  }
0x21b: {  	v4 =	vperm.xlane v3, v0;
	_ =	sdelay $0x1  }
0x21c: {  	v4 =	vadd.s32 v1, v4;
	_ =	sdelay $0x3  }
0x21d: {  	s16 =	simm.s32 $0x6200;
	v3 =	vperm.xlane v3, v2  }
0x21e: {  	[tilespmem:s16], [sflag:$0x1] =	stream.indirect_vreg.gather [hbm4b:s3+s2], $0x80, v4, vm0, $0xb8;
	[tilespmem:$0x18200] =	vst v63  }
0x21f: {  	s17 =	simm.s32 $0x6A00;
	v3 =	vadd.s32 v1, v3  }
0x220: {  	[tilespmem:s17], [sflag:$0x1] =	stream.indirect_vreg.gather [hbm4b:s5+s2], $0x80, v4, vm0, $0xb8;
	[tilespmem:$0x18200] =	vst v63  }
0x221: {  	s18 =	simm.s32 $0x7200  }
0x222: {  	[tilespmem:s18], [sflag:$0x1] =	stream.indirect_vreg.gather [hbm4b:s6+s2], $0x80, v4, vm0, $0xb8;
	[tilespmem:$0x18200] =	vst v63  }
0x223: {  	s19 =	simm.s32 $0x7A00  }
0x224: {  	[tilespmem:s19], [sflag:$0x1] =	stream.indirect_vreg.gather [hbm4b:s3+s2], $0x80, v3, vm0, $0xb8;
	[tilespmem:$0x18200] =	vst v63  }
0x225: {  	s20 =	simm.s32 $0x8200  }
0x226: {  	[tilespmem:s20], [sflag:$0x1] =	stream.indirect_vreg.gather [hbm4b:s5+s2], $0x80, v3, vm0, $0xb8;
	[tilespmem:$0x18200] =	vst v63  }
0x227: {  	s20 =	simm.s32 $0x8A00  }
0x228: {  	[tilespmem:s20], [sflag:$0x1] =	stream.indirect_vreg.gather [hbm4b:s6+s2], $0x80, v3, vm0, $0xb8;
	[tilespmem:$0x18200] =	vst v63  }
0x229: {  	v3 =	vld [tilespmem:$0x1B0];
	_ =	sdelay $0x4  }
0x22a: {  	v59 =	vshrl.u32 v3, $0x3  }
0x22b: {  	v4 =	vmul.u32 $0x30, v59  }
0x22c: {  	v3 =	vand.u32 $0x7, v3  }
0x22d: {  	v3 =	vor.u32 v3, v4  }
0x22e: {  	v4 =	vperm.xlane v3, v0;
	_ =	sdelay $0x1  }
0x22f: {  	v4 =	vadd.s32 v1, v4;
	_ =	sdelay $0x3  }
0x230: {  	s9 =	simm.s32 $0x9200;
	v3 =	vperm.xlane v3, v2  }
0x231: {  	[tilespmem:s9], [sflag:$0x1] =	stream.indirect_vreg.gather [hbm4b:s3+s2], $0x80, v4, vm0, $0xb8;
	[tilespmem:$0x18200] =	vst v63  }
0x232: {  	s21 =	simm.s32 $0x9A00;
	v3 =	vadd.s32 v1, v3  }
0x233: {  	[tilespmem:s21], [sflag:$0x1] =	stream.indirect_vreg.gather [hbm4b:s5+s2], $0x80, v4, vm0, $0xb8;
	[tilespmem:$0x18200] =	vst v63  }
0x234: {  	s22 =	simm.s32 $0xA200  }
0x235: {  	[tilespmem:s22], [sflag:$0x1] =	stream.indirect_vreg.gather [hbm4b:s6+s2], $0x80, v4, vm0, $0xb8;
	[tilespmem:$0x18200] =	vst v63  }
0x236: {  	s0 =	simm.s32 $0xAA00  }
0x237: {  	[tilespmem:s0], [sflag:$0x1] =	stream.indirect_vreg.gather [hbm4b:s3+s2], $0x80, v3, vm0, $0xb8;
	[tilespmem:$0x18200] =	vst v63  }
0x238: {  	s10 =	simm.s32 $0xB200  }
0x239: {  	[tilespmem:s10], [sflag:$0x1] =	stream.indirect_vreg.gather [hbm4b:s5+s2], $0x80, v3, vm0, $0xb8;
	[tilespmem:$0x18200] =	vst v63  }
0x23a: {  	s11 =	simm.s32 $0xBA00  }
0x23b: {  	[tilespmem:s11], [sflag:$0x1] =	stream.indirect_vreg.gather [hbm4b:s6+s2], $0x80, v3, vm0, $0xb8;
	[tilespmem:$0x18200] =	vst v63  }
0x23c: {  	v3 =	vld [tilespmem:$0x1C0];
	_ =	sdelay $0x4  }
0x23d: {  	v60 =	vshrl.u32 v3, $0x3  }
0x23e: {  	v4 =	vmul.u32 $0x30, v60  }
0x23f: {  	v3 =	vand.u32 $0x7, v3  }
0x240: {  	v3 =	vor.u32 v3, v4  }
0x241: {  	v4 =	vperm.xlane v3, v0;
	_ =	sdelay $0x1  }
0x242: {  	v4 =	vadd.s32 v1, v4;
	_ =	sdelay $0x3  }
0x243: {  	s12 =	simm.s32 $0xC200;
	v3 =	vperm.xlane v3, v2  }
0x244: {  	[tilespmem:s12], [sflag:$0x1] =	stream.indirect_vreg.gather [hbm4b:s3+s2], $0x80, v4, vm0, $0xb8;
	[tilespmem:$0x18200] =	vst v63  }
0x245: {  	s23 =	simm.s32 $0xCA00;
	v3 =	vadd.s32 v1, v3  }
0x246: {  	[tilespmem:s23], [sflag:$0x1] =	stream.indirect_vreg.gather [hbm4b:s5+s2], $0x80, v4, vm0, $0xb8;
	[tilespmem:$0x18200] =	vst v63  }
0x247: {  	s24 =	simm.s32 $0xD200  }
0x248: {  	[tilespmem:s24], [sflag:$0x1] =	stream.indirect_vreg.gather [hbm4b:s6+s2], $0x80, v4, vm0, $0xb8;
	[tilespmem:$0x18200] =	vst v63  }
0x249: {  	s25 =	simm.s32 $0xDA00  }
0x24a: {  	[tilespmem:s25], [sflag:$0x1] =	stream.indirect_vreg.gather [hbm4b:s3+s2], $0x80, v3, vm0, $0xb8;
	[tilespmem:$0x18200] =	vst v63  }
0x24b: {  	s26 =	simm.s32 $0xE200  }
0x24c: {  	[tilespmem:s26], [sflag:$0x1] =	stream.indirect_vreg.gather [hbm4b:s5+s2], $0x80, v3, vm0, $0xb8;
	[tilespmem:$0x18200] =	vst v63  }
0x24d: {  	s13 =	simm.s32 $0xEA00  }
0x24e: {  	[tilespmem:s13], [sflag:$0x1] =	stream.indirect_vreg.gather [hbm4b:s6+s2], $0x80, v3, vm0, $0xb8;
	[tilespmem:$0x18200] =	vst v63  }
0x24f: {  	v3 =	vld [tilespmem:$0x1D0];
	_ =	sdelay $0x4  }
0x250: {  	v61 =	vshrl.u32 v3, $0x3  }
0x251: {  	v4 =	vmul.u32 $0x30, v61  }
0x252: {  	v3 =	vand.u32 $0x7, v3  }
0x253: {  	v3 =	vor.u32 v3, v4  }
0x254: {  	v4 =	vperm.xlane v3, v0;
	_ =	sdelay $0x1  }
0x255: {  	v4 =	vadd.s32 v1, v4;
	_ =	sdelay $0x3  }
0x256: {  	s14 =	simm.s32 $0xF200;
	v3 =	vperm.xlane v3, v2  }
0x257: {  	[tilespmem:s14], [sflag:$0x1] =	stream.indirect_vreg.gather [hbm4b:s3+s2], $0x80, v4, vm0, $0xb8;
	[tilespmem:$0x18200] =	vst v63  }
0x258: {  	s28 =	simm.s32 $0xFA00;
	v3 =	vadd.s32 v1, v3  }
0x259: {  	[tilespmem:s28], [sflag:$0x1] =	stream.indirect_vreg.gather [hbm4b:s5+s2], $0x80, v4, vm0, $0xb8;
	[tilespmem:$0x18200] =	vst v63  }
0x25a: {  	s30 =	simm.s32 $0x10200  }
0x25b: {  	[tilespmem:s30], [sflag:$0x1] =	stream.indirect_vreg.gather [hbm4b:s6+s2], $0x80, v4, vm0, $0xb8;
	[tilespmem:$0x18200] =	vst v63  }
0x25c: {  	s31 =	simm.s32 $0x10A00  }
0x25d: {  	[tilespmem:s31], [sflag:$0x1] =	stream.indirect_vreg.gather [hbm4b:s3+s2], $0x80, v3, vm0, $0xb8;
	[tilespmem:$0x18200] =	vst v63  }
0x25e: {  	s15 =	simm.s32 $0x11200  }
0x25f: {  	[tilespmem:s15], [sflag:$0x1] =	stream.indirect_vreg.gather [hbm4b:s5+s2], $0x80, v3, vm0, $0xb8;
	[tilespmem:$0x18200] =	vst v63  }
0x260: {  	s16 =	simm.s32 $0x11A00  }
0x261: {  	[tilespmem:s16], [sflag:$0x1] =	stream.indirect_vreg.gather [hbm4b:s6+s2], $0x80, v3, vm0, $0xb8;
	[tilespmem:$0x18200] =	vst v63  }
0x262: {  	v3 =	vld [tilespmem:$0x1E0];
	_ =	sdelay $0x4  }
0x263: {  	v62 =	vshrl.u32 v3, $0x3  }
0x264: {  	v4 =	vmul.u32 $0x30, v62  }
0x265: {  	v3 =	vand.u32 $0x7, v3  }
0x266: {  	v3 =	vor.u32 v3, v4  }
0x267: {  	v4 =	vperm.xlane v3, v0;
	_ =	sdelay $0x1  }
0x268: {  	v4 =	vadd.s32 v1, v4;
	_ =	sdelay $0x3  }
0x269: {  	s17 =	simm.s32 $0x12200;
	v3 =	vperm.xlane v3, v2  }
0x26a: {  	[tilespmem:s17], [sflag:$0x1] =	stream.indirect_vreg.gather [hbm4b:s3+s2], $0x80, v4, vm0, $0xb8;
	[tilespmem:$0x18200] =	vst v63  }
0x26b: {  	s18 =	simm.s32 $0x12A00;
	v3 =	vadd.s32 v1, v3  }
0x26c: {  	[tilespmem:s18], [sflag:$0x1] =	stream.indirect_vreg.gather [hbm4b:s5+s2], $0x80, v4, vm0, $0xb8;
	[tilespmem:$0x18200] =	vst v63  }
0x26d: {  	s19 =	simm.s32 $0x13200  }
0x26e: {  	[tilespmem:s19], [sflag:$0x1] =	stream.indirect_vreg.gather [hbm4b:s6+s2], $0x80, v4, vm0, $0xb8;
	[tilespmem:$0x18200] =	vst v63  }
0x26f: {  	s20 =	simm.s32 $0x13A00  }
0x270: {  	[tilespmem:s20], [sflag:$0x1] =	stream.indirect_vreg.gather [hbm4b:s3+s2], $0x80, v3, vm0, $0xb8;
	[tilespmem:$0x18200] =	vst v63  }
0x271: {  	s21 =	simm.s32 $0x14200  }
0x272: {  	[tilespmem:s21], [sflag:$0x1] =	stream.indirect_vreg.gather [hbm4b:s5+s2], $0x80, v3, vm0, $0xb8;
	[tilespmem:$0x18200] =	vst v63  }
0x273: {  	s22 =	simm.s32 $0x14A00  }
0x274: {  	[tilespmem:s22], [sflag:$0x1] =	stream.indirect_vreg.gather [hbm4b:s6+s2], $0x80, v3, vm0, $0xb8;
	[tilespmem:$0x18200] =	vst v63  }
0x275: {  	v3 =	vld [tilespmem:$0x1F0];
	_ =	sdelay $0x4  }
0x276: {  	v63 =	vshrl.u32 v3, $0x3  }
0x277: {  	v4 =	vmul.u32 $0x30, v63  }
0x278: {  	v3 =	vand.u32 $0x7, v3  }
0x279: {  	v3 =	vor.u32 v3, v4  }
0x27a: {  	v4 =	vperm.xlane v3, v0;
	_ =	sdelay $0x1  }
0x27b: {  	v4 =	vadd.s32 v1, v4;
	_ =	sdelay $0x3  }
0x27c: {  	s23 =	simm.s32 $0x15200;
	v3 =	vperm.xlane v3, v2  }
0x27d: {  	[tilespmem:s23], [sflag:$0x1] =	stream.indirect_vreg.gather [hbm4b:s3+s2], $0x80, v4, vm0, $0xb8;
	[tilespmem:$0x18200] =	vst v63  }
0x27e: {  	s24 =	simm.s32 $0x15A00;
	v3 =	vadd.s32 v1, v3  }
0x27f: {  	[tilespmem:s24], [sflag:$0x1] =	stream.indirect_vreg.gather [hbm4b:s5+s2], $0x80, v4, vm0, $0xb8;
	[tilespmem:$0x18200] =	vst v63  }
0x280: {  	s25 =	simm.s32 $0x16200  }
0x281: {  	[tilespmem:s25], [sflag:$0x1] =	stream.indirect_vreg.gather [hbm4b:s6+s2], $0x80, v4, vm0, $0xb8;
	[tilespmem:$0x18200] =	vst v63  }
0x282: {  	s26 =	simm.s32 $0x16A00  }
0x283: {  	[tilespmem:s26], [sflag:$0x1] =	stream.indirect_vreg.gather [hbm4b:s3+s2], $0x80, v3, vm0, $0xb8;
	[tilespmem:$0x18200] =	vst v63  }
0x284: {  	s28 =	simm.s32 $0x17200  }
0x285: {  	[tilespmem:s28], [sflag:$0x1] =	stream.indirect_vreg.gather [hbm4b:s5+s2], $0x80, v3, vm0, $0xb8;
	[tilespmem:$0x18200] =	vst v63  }
0x286: {  	s30 =	simm.s32 $0x17A00  }
0x287: {  	[tilespmem:s30], [sflag:$0x1] =	stream.indirect_vreg.gather [hbm4b:s6+s2], $0x80, v3, vm0, $0xb8;
	[tilespmem:$0x18200] =	vst v63  }
0x288: {  	_ =	swait.ge [sflag:s4], $0x18000  }
0x289: {  	p0 =	sne.s32 s7, $0x1;
	[sflag:s4] =	ssyncset.done $0x0  }
.Ltmp0:
0x28a: {  	s31 =	rddreg [dreg:$0x6];
	[sflag:s4] =	ssyncadd.s32 $0xFFFE8000;
	(pc) =	sbr.rel @p0 .LBB2_1-.Ltmp0, $4  }
0x28b: {  	[hbm4b:s31+s2] =	stream.linear.scatter [tilespmem:s29], [sflag:$0x2], $0x18000, $0x38;
	[tilespmem:$0x18200] =	vst v63  }
0x28c: {  	_ =	swait.ge [sflag:s8], $0x18000  }
0x28d: {  	[sflag:s8] =	ssyncset.done $0x0  }
0x28e: {  	s7 =	sadd.s32 $0xFFFFFFFF, s7;
	[sflag:s8] =	ssyncadd.s32 $0xFFFE8000  }
0x28f: {  	_ =	sfence.sel $0x180000  }
0x290: {  	[bflag:$0x0] =	sbarrier.arrive $0xFFFF  }
0x291: {  	_ =	strace $0x9000004A  }
0x292: {  	s0 =	stileid.u32;
	[bflag:$0x2] =	sbarrier.arrive $0xFFFF  }
0x293: {  	p0 =	sne.s32 s0, $0x0;
	s0 =	rddreg [dreg:$0x2]  }
0x294: {  	s0 =	sadd.s32 @!p0 $0x100000, s0  }
0x295: {  	[sflag:s0] =	ssyncadd.tile.s32 @!p0 $0x1;
	_ =	shalt  }
.Lfunc_end2:
_tile_overlayer_lowered:
.L_overlay_start_2:
0x296: {  	(tag) =	ssettag $0x2  }
0x297: {  	s0 =	rddreg [dreg:$0x0];
	s2 =	stileid.u32  }
0x298: {  	s1 =	rddreg [dreg:$0x1];
	p0 =	sne.s32 s2, $0x0  }
0x299: {  	s3 =	rddreg [dreg:$0x2];
	[bflag:$0x3] =	sbarrier.arrive $0xFFFF;
	s2 =	simm.s32 @!p0 $0x1C02  }
0x29a: {  	[timem:s3], [sflag:s2] =	dma.local @!p0 [hbm:s0], s1  }
0x29b: {  	s0 =	simm.s32 @!p0 $0x2  }
0x29c: {  	_ =	swait.ge @!p0 [sflag:s0], s1  }
0x29d: {  	s1 =	ssub.s32 @!p0 $0x0, s1;
	[sflag:s0] =	ssyncset.done @!p0 $0x0  }
0x29e: {  	[sflag:s0] =	ssyncadd.s32 @!p0 s1  }
0x29f: {  	[bflag:$0x3] =	sbarrier.arrive $0xFFFF  }
0x2a0: {  	_ =	shalt  }

</sc_bundles>
